<compile_context>
chip_gen: v7x
topology: tpu7x:2x2x1
jax: 0.10.2.dev20260603
libtpu: 0.0.44.dev20260713+nightly
codegen_flags: <defaults>
</compile_context>

<pallas_src>
import functools

import jax
import jax.numpy as jnp
from jax import lax
from jax.experimental import pallas as pl
from jax.experimental.pallas import tpu as pltpu
from jax.experimental.pallas import tpu_sc as plsc

NC = 2
NS = 16
NW = NC * NS


def _mesh():
    return plsc.VectorSubcoreMesh(core_axis_name="c", subcore_axis_name="s")


_SC_PARAMS = pltpu.CompilerParams(needs_layout_passes=False,
                                  use_tc_tiling_on_sc=False)


def _deg_kernel(n_pad, per_w):
    @functools.partial(
        pl.kernel,
        mesh=_mesh(),
        compiler_params=_SC_PARAMS,
        out_type=jax.ShapeDtypeStruct((NW, n_pad), jnp.float32),
        scratch_types=[
            pltpu.VMEM((per_w,), jnp.int32),
            pltpu.VMEM((n_pad,), jnp.float32),
        ],
    )
    def k(dst_hbm, zeros_hbm, deg_hbm, idx_v, hist_v):
        c = lax.axis_index("c")
        s = lax.axis_index("s")
        w = s * NC + c
        pltpu.sync_copy(dst_hbm.at[w], idx_v)
        pltpu.sync_copy(zeros_hbm.at[pl.ds(0, n_pad)], hist_v)
        ones = jnp.full((16,), 1.0, jnp.float32)

        def body(t, carry):
            v = idx_v[pl.ds(t * 16, 16)]
            plsc.addupdate_scatter(hist_v, [v], ones)
            return carry

        lax.fori_loop(0, per_w // 16, body, None)
        pltpu.sync_copy(hist_v, deg_hbm.at[w])

    return k


def _agg_kernel(n_pad, d, nb, b):
    rows = n_pad // NS

    @functools.partial(
        pl.kernel,
        mesh=_mesh(),
        compiler_params=_SC_PARAMS,
        out_type=jax.ShapeDtypeStruct((NC, n_pad, d), jnp.float32),
        scratch_types=[
            pltpu.VMEM((nb + 1, b), jnp.int32),
            pltpu.VMEM((nb, b), jnp.int32),
            pltpu.VMEM((b, d), jnp.float32),
            pltpu.VMEM_SHARED((n_pad, d), jnp.float32),
            pltpu.SemaphoreType.DMA,
        ],
    )
    def k(g_hbm, src_hbm, dst_hbm, zeros_hbm, out_hbm,
          src_v, dst_v, g0, acc_sh, sem0):
        c = lax.axis_index("c")
        s = lax.axis_index("s")
        w = s * NC + c
        pltpu.sync_copy(src_hbm.at[w], src_v)
        pltpu.sync_copy(dst_hbm.at[w], dst_v)
        pltpu.sync_copy(zeros_hbm, acc_sh.at[pl.ds(s * rows, rows)])
        plsc.subcore_barrier()

        def body(j, carry):
            pltpu.async_copy(g_hbm.at[src_v.at[j]], g0, sem0).wait()
            pltpu.sync_copy(g0, acc_sh.at[dst_v.at[j]], add=True)
            return carry

        lax.fori_loop(0, nb, body, None)
        plsc.subcore_barrier()
        pltpu.sync_copy(acc_sh.at[pl.ds(s * rows, rows)],
                        out_hbm.at[c, pl.ds(s * rows, rows)])

    return k


def _decode_kernel(n_pad, nbd, ch):
    rows_core = 2 * nbd
    rows_tile = rows_core // NS

    @functools.partial(
        pl.kernel,
        mesh=_mesh(),
        compiler_params=_SC_PARAMS,
        out_type=jax.ShapeDtypeStruct((4 * nbd, ch), jnp.float32),
        scratch_types=[
            pltpu.VMEM((8, n_pad), jnp.float32),
            pltpu.VMEM((ch,), jnp.int32),
            pltpu.VMEM((ch,), jnp.int32),
            pltpu.VMEM((ch,), jnp.int32),
            pltpu.VMEM((ch,), jnp.int32),
            pltpu.VMEM((16, ch), jnp.float32),
            pltpu.VMEM((16, ch), jnp.float32),
            pltpu.VMEM((16,), jnp.int32),
            pltpu.VMEM((16,), jnp.int32),
            pltpu.VMEM_SHARED((rows_core, ch), jnp.float32),
            pltpu.SemaphoreType.DMA,
            pltpu.SemaphoreType.DMA,
            pltpu.SemaphoreType.DMA,
            pltpu.SemaphoreType.DMA,
            pltpu.SemaphoreType.DMA,
            pltpu.SemaphoreType.DMA,
        ],
    )
    def k(zt_hbm, src_hbm, dst_hbm, zeros_hbm, out_hbm,
          zv, sv0, dv0, sv1, dv1, pv0, pv1, ri0, ri1, acc_sh,
          ss0, sd0, ss1, sd1, sa0, sa1):
        c = lax.axis_index("c")
        s = lax.axis_index("s")
        fg = lax.rem(s, 8)
        egl = s // 8
        eg = c * 2 + egl
        pltpu.sync_copy(zt_hbm.at[pl.ds(fg * 8, 8)], zv)
        pltpu.sync_copy(zeros_hbm,
                        acc_sh.at[pl.ds(s * rows_tile, rows_tile)])
        plsc.subcore_barrier()
        fidx = [jnp.full((16,), f, jnp.int32) for f in range(8)]
        pltpu.async_copy(src_hbm.at[eg, 0], sv0, ss0)
        pltpu.async_copy(dst_hbm.at[eg, 0], dv0, sd0)

        def process(sv, dv, pv, row):
            def block(off):
                s16 = sv[pl.ds(off, 16)]
                t16 = dv[pl.ds(off, 16)]
                acc0 = jnp.zeros((16,), jnp.float32)
                acc1 = jnp.zeros((16,), jnp.float32)
                for f in range(4):
                    a = plsc.load_gather(zv, [fidx[f], s16])
                    bb = plsc.load_gather(zv, [fidx[f], t16])
                    acc0 = acc0 + a * bb
                for f in range(4, 8):
                    a = plsc.load_gather(zv, [fidx[f], s16])
                    bb = plsc.load_gather(zv, [fidx[f], t16])
                    acc1 = acc1 + a * bb
                pv[row, pl.ds(off, 16)] = acc0 + acc1

            def inner(i, carry2):
                block(i * 16)
                return carry2

            lax.fori_loop(0, ch // 16, inner, None)

        def run_part(p, pv, ri, sa, drain_prev):
            if drain_prev:
                pltpu.make_async_copy(pv, acc_sh.at[ri], sa).wait()

            def chunk2(q2, carry1):
                kk = p * 16 + 2 * q2
                pltpu.async_copy(src_hbm.at[eg, kk + 1], sv1, ss1)
                pltpu.async_copy(dst_hbm.at[eg, kk + 1], dv1, sd1)
                pltpu.make_async_copy(src_hbm.at[eg, kk], sv0, ss0).wait()
                pltpu.make_async_copy(dst_hbm.at[eg, kk], dv0, sd0).wait()
                process(sv0, dv0, pv, 2 * q2)
                pltpu.async_copy(src_hbm.at[eg, kk + 2], sv0, ss0)
                pltpu.async_copy(dst_hbm.at[eg, kk + 2], dv0, sd0)
                pltpu.make_async_copy(src_hbm.at[eg, kk + 1], sv1, ss1).wait()
                pltpu.make_async_copy(dst_hbm.at[eg, kk + 1], dv1, sd1).wait()
                process(sv1, dv1, pv, 2 * q2 + 1)
                return carry1

            lax.fori_loop(0, 8, chunk2, None)
            ri[...] = lax.iota(jnp.int32, 16) + (egl * nbd + p * 16)
            pltpu.async_copy(pv, acc_sh.at[ri], sa, add=True)

        run_part(0, pv0, ri0, sa0, False)
        run_part(1, pv1, ri1, sa1, False)

        def part2(t, carry):
            run_part(2 * t, pv0, ri0, sa0, True)
            run_part(2 * t + 1, pv1, ri1, sa1, True)
            return carry

        lax.fori_loop(1, nbd // 32, part2, None)
        pltpu.make_async_copy(src_hbm.at[eg, nbd], sv0, ss0).wait()
        pltpu.make_async_copy(dst_hbm.at[eg, nbd], dv0, sd0).wait()
        pltpu.make_async_copy(pv0, acc_sh.at[ri0], sa0).wait()
        pltpu.make_async_copy(pv1, acc_sh.at[ri1], sa1).wait()
        plsc.subcore_barrier()
        pltpu.sync_copy(acc_sh.at[pl.ds(s * rows_tile, rows_tile)],
                        out_hbm.at[pl.ds(c * rows_core + s * rows_tile, rows_tile)])

    return k


def _tc_prep(n_pad, d_in, d_h, r):
    def body(deg2_ref, mask_ref, x_ref, w1_ref, h1_ref, g1_ref, dinv_ref):
        deg = jnp.sum(deg2_ref[...], axis=0) + mask_ref[...]
        dinv = jnp.where(deg > 0, lax.rsqrt(deg), 0.0)
        h1 = jnp.dot(x_ref[...], w1_ref[...], preferred_element_type=jnp.float32)
        h1_ref[...] = h1
        g1_ref[...] = h1 * dinv[:, None]
        dinv_ref[...] = dinv

    return pl.pallas_call(
        body,
        grid=(n_pad // r,),
        in_specs=[
            pl.BlockSpec((NW, r), lambda i: (0, i)),
            pl.BlockSpec((r,), lambda i: (i,)),
            pl.BlockSpec((r, d_in), lambda i: (i, 0)),
            pl.BlockSpec((d_in, d_h), lambda i: (0, 0)),
        ],
        out_specs=[
            pl.BlockSpec((r, d_h), lambda i: (i, 0)),
            pl.BlockSpec((r, d_h), lambda i: (i, 0)),
            pl.BlockSpec((r,), lambda i: (i,)),
        ],
        out_shape=[
            jax.ShapeDtypeStruct((n_pad, d_h), jnp.float32),
            jax.ShapeDtypeStruct((n_pad, d_h), jnp.float32),
            jax.ShapeDtypeStruct((n_pad,), jnp.float32),
        ],
    )


def _tc_mid(n_pad, d_h, d_out, r):
    def body(p_ref, h1_ref, dinv_ref, b1_ref, w2_ref, h2_ref, g2_ref):
        dinv = dinv_ref[...]
        z1 = (dinv[:, None] * (p_ref[0] + p_ref[1])
              + (dinv * dinv)[:, None] * h1_ref[...] + b1_ref[...][None, :])
        z1 = jnp.maximum(z1, 0.0)
        h2 = jnp.dot(z1, w2_ref[...], preferred_element_type=jnp.float32)
        h2_ref[...] = h2
        g2_ref[...] = h2 * dinv[:, None]

    return pl.pallas_call(
        body,
        grid=(n_pad // r,),
        in_specs=[
            pl.BlockSpec((2, r, d_h), lambda i: (0, i, 0)),
            pl.BlockSpec((r, d_h), lambda i: (i, 0)),
            pl.BlockSpec((r,), lambda i: (i,)),
            pl.BlockSpec((d_h,), lambda i: (0,)),
            pl.BlockSpec((d_h, d_out), lambda i: (0, 0)),
        ],
        out_specs=[
            pl.BlockSpec((r, d_out), lambda i: (i, 0)),
            pl.BlockSpec((r, d_out), lambda i: (i, 0)),
        ],
        out_shape=[
            jax.ShapeDtypeStruct((n_pad, d_out), jnp.float32),
            jax.ShapeDtypeStruct((n_pad, d_out), jnp.float32),
        ],
    )


def _tc_post(n_pad, d_out, r):
    def body(p_ref, h2_ref, dinv_ref, b2_ref, z2_ref):
        dinv = dinv_ref[...]
        z2_ref[...] = (dinv[:, None] * (p_ref[0] + p_ref[1])
                       + (dinv * dinv)[:, None] * h2_ref[...]
                       + b2_ref[...][None, :])

    return pl.pallas_call(
        body,
        grid=(n_pad // r,),
        in_specs=[
            pl.BlockSpec((2, r, d_out), lambda i: (0, i, 0)),
            pl.BlockSpec((r, d_out), lambda i: (i, 0)),
            pl.BlockSpec((r,), lambda i: (i,)),
            pl.BlockSpec((d_out,), lambda i: (0,)),
        ],
        out_specs=pl.BlockSpec((r, d_out), lambda i: (i, 0)),
        out_shape=jax.ShapeDtypeStruct((n_pad, d_out), jnp.float32),
    )


def kernel(x, pos_edge_index, neg_edge_index, W1, b1, W2, b2):
    n, d_in = x.shape
    d_h = W1.shape[1]
    d_out = W2.shape[1]
    e = pos_edge_index.shape[1]

    n_pad = ((n + NW * 8 - 1) // (NW * 8)) * (NW * 8)
    dummy = n

    spare = max(n_pad - n, 1)

    def spread_pad(idx, e_pad):
        pad = dummy + (jnp.arange(e_pad - e, dtype=idx.dtype) % spare)
        return jnp.concatenate([idx, pad])

    def agg_layout(b):
        nb = -(-e // (NW * b))
        nb = nb + (nb % 2)
        e_pad = NW * nb * b
        sp = spread_pad(pos_edge_index[0], e_pad).reshape(NW, nb, b)
        dp = spread_pad(pos_edge_index[1], e_pad).reshape(NW, nb, b)
        sp = jnp.concatenate(
            [sp, jnp.full((NW, 1, b), dummy, sp.dtype)], axis=1)
        return sp, dp, nb

    ba1 = 128
    ba2 = 128
    src1, dst1, nb1 = agg_layout(ba1)
    src2, dst2, nb2 = agg_layout(ba2)
    dst_flat = dst2.reshape(NW, nb2 * ba2)

    ch = 512
    e2 = 2 * e
    nbd = -(-e2 // (4 * ch))
    nbd = ((nbd + 31) // 32) * 32
    e2_pad = 4 * nbd * ch
    pad_d = dummy + (jnp.arange(e2_pad - e2, dtype=jnp.int32) % spare)
    src_d = jnp.concatenate(
        [pos_edge_index[0], neg_edge_index[0], pad_d]).reshape(4, nbd, ch)
    dst_d = jnp.concatenate(
        [pos_edge_index[1], neg_edge_index[1], pad_d]).reshape(4, nbd, ch)
    pad_chunk = jnp.full((4, 1, ch), dummy, jnp.int32)
    src_d = jnp.concatenate([src_d, pad_chunk], axis=1)
    dst_d = jnp.concatenate([dst_d, pad_chunk], axis=1)

    xp = jnp.zeros((n_pad, d_in), jnp.float32).at[:n].set(x)
    maskf = (jnp.arange(n_pad) < n).astype(jnp.float32)

    zeros1d = jnp.zeros((n_pad,), jnp.float32)
    zeros_h = jnp.zeros((n_pad // NS, d_h), jnp.float32)
    zeros_o = jnp.zeros((n_pad // NS, d_out), jnp.float32)
    zeros_d = jnp.zeros(((2 * nbd) // NS, ch), jnp.float32)

    r = 1024

    deg2 = _deg_kernel(n_pad, nb2 * ba2)(dst_flat, zeros1d)
    h1, g1, dinv = _tc_prep(n_pad, d_in, d_h, r)(deg2, maskf, xp, W1)
    part1 = _agg_kernel(n_pad, d_h, nb1, ba1)(g1, src1, dst1, zeros_h)
    h2, g2 = _tc_mid(n_pad, d_h, d_out, r)(part1, h1, dinv, b1, W2)
    part2 = _agg_kernel(n_pad, d_out, nb2, ba2)(g2, src2, dst2, zeros_o)
    z2 = _tc_post(n_pad, d_out, r)(part2, h2, dinv, b2)
    z2t = z2.T

    out = _decode_kernel(n_pad, nbd, ch)(z2t, src_d, dst_d, zeros_d)
    return out.reshape(-1)[:e2]

# --- scband reference (transcript-rebuilt; emitter-appended) ---
"""Pipeline reference for scband-grngcn-81381040325515 (READ-ONLY COPY).

The authoritative reference and input builder live on the scoring server;
editing this copy changes nothing except your own understanding.
"""

import jax, jax.numpy as jnp
import numpy as np

N = 10000
E = 320000
D_IN = 128
D_H = 128
D_OUT = 64


def gcn_conv(x, edge_index, W, b, num_nodes):
    # Faithful torch_geometric GCNConv: add self-loops, symmetric normalization,
    # linear transform, scatter-add aggregation, bias.
    loop = jnp.arange(num_nodes, dtype=edge_index.dtype)
    src = jnp.concatenate([edge_index[0], loop])
    dst = jnp.concatenate([edge_index[1], loop])
    deg = jnp.zeros((num_nodes,), dtype=x.dtype).at[dst].add(1.0)
    deg_inv_sqrt = jnp.where(deg > 0, 1.0 / jnp.sqrt(deg), 0.0)
    norm = deg_inv_sqrt[src] * deg_inv_sqrt[dst]
    h = x @ W
    msg = h[src] * norm[:, None]
    out = jnp.zeros((num_nodes, W.shape[1]), dtype=x.dtype).at[dst].add(msg)
    return out + b


def setup_inputs(seed: int = 0):
    key = jax.random.key(seed)
    ks = jax.random.split(key, 7)
    x = jax.random.normal(ks[0], (N, D_IN), dtype=jnp.float32)
    pos_edge_index = jax.random.randint(ks[1], (2, E), 0, N, dtype=jnp.int32)
    neg_edge_index = jax.random.randint(ks[2], (2, E), 0, N, dtype=jnp.int32)
    W1 = jax.random.normal(ks[3], (D_IN, D_H), dtype=jnp.float32) * (1.0 / np.sqrt(D_IN))
    b1 = jnp.zeros((D_H,), dtype=jnp.float32)
    W2 = jax.random.normal(ks[4], (D_H, D_OUT), dtype=jnp.float32) * (1.0 / np.sqrt(D_H))
    b2 = jnp.zeros((D_OUT,), dtype=jnp.float32)
    return {"x": x, "pos_edge_index": pos_edge_index, "neg_edge_index": neg_edge_index,
            "W1": W1, "b1": b1, "W2": W2, "b2": b2}


def reference(x, pos_edge_index, neg_edge_index, W1, b1, W2, b2):
    # encode
    z = gcn_conv(x, pos_edge_index, W1, b1, N)
    z = jax.nn.relu(z)
    z = gcn_conv(z, pos_edge_index, W2, b2, N)
    # decode
    edge_index = jnp.concatenate([pos_edge_index, neg_edge_index], axis=-1)
    return (z[edge_index[0]] * z[edge_index[1]]).sum(axis=-1)

if __name__ == "__main__":
    import jax
    _d = setup_inputs()
    print(jax.jit(kernel)(*tuple(_d.values())))

</pallas_src>

<mosaic_0001>
#map = affine_map<(d0, d1) -> (0, 0)>
#map1 = affine_map<(d0, d1) -> (0, 0, 0)>
module attributes {stable_mosaic.version = 14 : i64} {
  func.func @k(%arg0: i32, %arg1: i32, %arg2: memref<10240x128xf32, #tpu.memory_space<hbm>>, %arg3: memref<32x81x128xi32, #tpu.memory_space<hbm>>, %arg4: memref<32x80x128xi32, #tpu.memory_space<hbm>>, %arg5: memref<640x128xf32, #tpu.memory_space<hbm>>, %arg6: memref<2x10240x128xf32, #tpu.memory_space<hbm>>, %arg7: memref<81x128xi32, #tpu.memory_space<vmem>>, %arg8: memref<80x128xi32, #tpu.memory_space<vmem>>, %arg9: memref<128x128xf32, #tpu.memory_space<vmem>>, %arg10: memref<10240x128xf32, #tpu.memory_space<vmem_shared>>, %arg11: memref<!tpu.dma_semaphore, #tpu.memory_space<semaphore_mem>>) attributes {dimension_semantics = [#tpu.dimension_semantics<core_parallel>, #tpu.dimension_semantics<subcore_parallel>], iteration_bounds = array<i64: 2, 16>, scalar_prefetch = 0 : i64, scratch_operands = 5 : i64, tpu.core_type = #tpu.core_type<sc_vector_subcore>, window_params = [{transform_indices = #map}, {transform_indices = #map1}, {transform_indices = #map1}, {transform_indices = #map}, {transform_indices = #map1}]} {
    %mul3A = arith.constant 2 : i32
    %mul3A_0 = arith.muli %arg1, %mul3A : i32
    %add3A = arith.addi %mul3A_0, %arg0 : i32
    "tpu.region"() ({
      %run_scoped3A = tpu.sem_alloc : memref<!tpu.dma_semaphore, #tpu.memory_space<semaphore_mem>>
      %dma_start3A = arith.constant 0 : i32
      %dma_start3A_12 = arith.constant 0 : i32
      %dma_start3A_13 = tpu.memref_slice %arg3[%add3A, %dma_start3A, %dma_start3A_12] : memref<32x81x128xi32, #tpu.memory_space<hbm>> -> memref<1x81x128xi32, #tpu.memory_space<hbm>>
      %dma_start3A_14 = tpu.memref_squeeze %dma_start3A_13 : memref<1x81x128xi32, #tpu.memory_space<hbm>> -> memref<81x128xi32, #tpu.memory_space<hbm>>
      %dma_start3A_15 = arith.constant 0 : i32
      %dma_start3A_16 = arith.constant 0 : i32
      %dma_start3A_17 = tpu.memref_slice %arg3[%add3A, %dma_start3A_15, %dma_start3A_16] : memref<32x81x128xi32, #tpu.memory_space<hbm>> -> memref<1x81x128xi32, #tpu.memory_space<hbm>>
      %dma_start3A_18 = tpu.memref_squeeze %dma_start3A_17 : memref<1x81x128xi32, #tpu.memory_space<hbm>> -> memref<81x128xi32, #tpu.memory_space<hbm>>
      tpu.enqueue_dma source(%dma_start3A_18 : memref<81x128xi32, #tpu.memory_space<hbm>>) target(%arg7 : memref<81x128xi32, #tpu.memory_space<vmem>>) target_semaphore(%run_scoped3A : memref<!tpu.dma_semaphore, #tpu.memory_space<semaphore_mem>>)
      %dma_wait3A = arith.constant 0 : i32
      %dma_wait3A_19 = arith.constant 0 : i32
      %dma_wait3A_20 = tpu.memref_slice %arg3[%add3A, %dma_wait3A, %dma_wait3A_19] : memref<32x81x128xi32, #tpu.memory_space<hbm>> -> memref<1x81x128xi32, #tpu.memory_space<hbm>>
      %dma_wait3A_21 = tpu.memref_squeeze %dma_wait3A_20 : memref<1x81x128xi32, #tpu.memory_space<hbm>> -> memref<81x128xi32, #tpu.memory_space<hbm>>
      %dma_wait3A_22 = arith.constant 0 : i32
      %dma_wait3A_23 = arith.constant 0 : i32
      %dma_wait3A_24 = tpu.memref_slice %arg3[%add3A, %dma_wait3A_22, %dma_wait3A_23] : memref<32x81x128xi32, #tpu.memory_space<hbm>> -> memref<1x81x128xi32, #tpu.memory_space<hbm>>
      %dma_wait3A_25 = tpu.memref_squeeze %dma_wait3A_24 : memref<1x81x128xi32, #tpu.memory_space<hbm>> -> memref<81x128xi32, #tpu.memory_space<hbm>>
      tpu.wait_dma2 semaphore(%run_scoped3A : memref<!tpu.dma_semaphore, #tpu.memory_space<semaphore_mem>>) src(%dma_wait3A_25 : memref<81x128xi32, #tpu.memory_space<hbm>>) dst(%arg7 : memref<81x128xi32, #tpu.memory_space<vmem>>)
      tpu.yield
    }) : () -> ()
    "tpu.region"() ({
      %run_scoped3A = tpu.sem_alloc : memref<!tpu.dma_semaphore, #tpu.memory_space<semaphore_mem>>
      %dma_start3A = arith.constant 0 : i32
      %dma_start3A_12 = arith.constant 0 : i32
      %dma_start3A_13 = tpu.memref_slice %arg4[%add3A, %dma_start3A, %dma_start3A_12] : memref<32x80x128xi32, #tpu.memory_space<hbm>> -> memref<1x80x128xi32, #tpu.memory_space<hbm>>
      %dma_start3A_14 = tpu.memref_squeeze %dma_start3A_13 : memref<1x80x128xi32, #tpu.memory_space<hbm>> -> memref<80x128xi32, #tpu.memory_space<hbm>>
      %dma_start3A_15 = arith.constant 0 : i32
      %dma_start3A_16 = arith.constant 0 : i32
      %dma_start3A_17 = tpu.memref_slice %arg4[%add3A, %dma_start3A_15, %dma_start3A_16] : memref<32x80x128xi32, #tpu.memory_space<hbm>> -> memref<1x80x128xi32, #tpu.memory_space<hbm>>
      %dma_start3A_18 = tpu.memref_squeeze %dma_start3A_17 : memref<1x80x128xi32, #tpu.memory_space<hbm>> -> memref<80x128xi32, #tpu.memory_space<hbm>>
      tpu.enqueue_dma source(%dma_start3A_18 : memref<80x128xi32, #tpu.memory_space<hbm>>) target(%arg8 : memref<80x128xi32, #tpu.memory_space<vmem>>) target_semaphore(%run_scoped3A : memref<!tpu.dma_semaphore, #tpu.memory_space<semaphore_mem>>)
      %dma_wait3A = arith.constant 0 : i32
      %dma_wait3A_19 = arith.constant 0 : i32
      %dma_wait3A_20 = tpu.memref_slice %arg4[%add3A, %dma_wait3A, %dma_wait3A_19] : memref<32x80x128xi32, #tpu.memory_space<hbm>> -> memref<1x80x128xi32, #tpu.memory_space<hbm>>
      %dma_wait3A_21 = tpu.memref_squeeze %dma_wait3A_20 : memref<1x80x128xi32, #tpu.memory_space<hbm>> -> memref<80x128xi32, #tpu.memory_space<hbm>>
      %dma_wait3A_22 = arith.constant 0 : i32
      %dma_wait3A_23 = arith.constant 0 : i32
      %dma_wait3A_24 = tpu.memref_slice %arg4[%add3A, %dma_wait3A_22, %dma_wait3A_23] : memref<32x80x128xi32, #tpu.memory_space<hbm>> -> memref<1x80x128xi32, #tpu.memory_space<hbm>>
      %dma_wait3A_25 = tpu.memref_squeeze %dma_wait3A_24 : memref<1x80x128xi32, #tpu.memory_space<hbm>> -> memref<80x128xi32, #tpu.memory_space<hbm>>
      tpu.wait_dma2 semaphore(%run_scoped3A : memref<!tpu.dma_semaphore, #tpu.memory_space<semaphore_mem>>) src(%dma_wait3A_25 : memref<80x128xi32, #tpu.memory_space<hbm>>) dst(%arg8 : memref<80x128xi32, #tpu.memory_space<vmem>>)
      tpu.yield
    }) : () -> ()
    %mul3A_1 = arith.constant 640 : i32
    %mul3A_2 = arith.muli %arg1, %mul3A_1 : i32
    "tpu.region"() ({
      %run_scoped3A = tpu.sem_alloc : memref<!tpu.dma_semaphore, #tpu.memory_space<semaphore_mem>>
      %dma_start3A = arith.constant 0 : i32
      %dma_start3A_12 = tpu.memref_slice %arg10[%mul3A_2, %dma_start3A] : memref<10240x128xf32, #tpu.memory_space<vmem_shared>> -> memref<640x128xf32, #tpu.memory_space<vmem_shared>>
      tpu.enqueue_dma source(%arg5 : memref<640x128xf32, #tpu.memory_space<hbm>>) target(%dma_start3A_12 : memref<640x128xf32, #tpu.memory_space<vmem_shared>>) target_semaphore(%run_scoped3A : memref<!tpu.dma_semaphore, #tpu.memory_space<semaphore_mem>>)
      %dma_wait3A = arith.constant 0 : i32
      %dma_wait3A_13 = tpu.memref_slice %arg10[%mul3A_2, %dma_wait3A] : memref<10240x128xf32, #tpu.memory_space<vmem_shared>> -> memref<640x128xf32, #tpu.memory_space<vmem_shared>>
      tpu.wait_dma2 semaphore(%run_scoped3A : memref<!tpu.dma_semaphore, #tpu.memory_space<semaphore_mem>>) src(%arg5 : memref<640x128xf32, #tpu.memory_space<hbm>>) dst(%dma_wait3A_13 : memref<640x128xf32, #tpu.memory_space<vmem_shared>>)
      tpu.yield
    }) : () -> ()
    %barrier3A = arith.constant 0 : index
    tpu.barrier barrier_id(%barrier3A)
    %scan3A = arith.constant 0 : i32
    %scan3A_3 = arith.constant 80 : i32
    %scan3A_4 = arith.addi %scan3A, %scan3A_3 : i32
    %scan3A_5 = arith.constant 1 : i32
    scf.for %scan3A_12 = %scan3A to %scan3A_4 step %scan3A_5  : i32 {
      %dma_start3A = arith.constant 0 : i32
      %dma_start3A_13 = tpu.memref_slice %arg7[%scan3A_12, %dma_start3A] : memref<81x128xi32, #tpu.memory_space<vmem>> -> memref<1x128xi32, #tpu.memory_space<vmem>>
      %dma_start3A_14 = tpu.memref_squeeze %dma_start3A_13 : memref<1x128xi32, #tpu.memory_space<vmem>> -> memref<128xi32, #tpu.memory_space<vmem>>
      %dma_start3A_15 = arith.constant 0 : i32
      %dma_start3A_16 = arith.constant 0 : i32
      %dma_start3A_17 = tpu.memref_slice %arg2[%dma_start3A_15, %dma_start3A_16] : memref<10240x128xf32, #tpu.memory_space<hbm>> -> memref<10240x128xf32, #tpu.memory_space<hbm>>
      tpu.enqueue_indirect_dma source(%dma_start3A_17 : memref<10240x128xf32, #tpu.memory_space<hbm>>) target(%arg9 : memref<128x128xf32, #tpu.memory_space<vmem>>) offsets(%dma_start3A_14 : memref<128xi32, #tpu.memory_space<vmem>>) semaphore(%arg11 : memref<!tpu.dma_semaphore, #tpu.memory_space<semaphore_mem>>)
      %dma_wait3A = arith.constant 0 : i32
      %dma_wait3A_18 = tpu.memref_slice %arg7[%scan3A_12, %dma_wait3A] : memref<81x128xi32, #tpu.memory_space<vmem>> -> memref<1x128xi32, #tpu.memory_space<vmem>>
      %dma_wait3A_19 = tpu.memref_squeeze %dma_wait3A_18 : memref<1x128xi32, #tpu.memory_space<vmem>> -> memref<128xi32, #tpu.memory_space<vmem>>
      %dma_wait3A_20 = arith.constant 0 : i32
      %dma_wait3A_21 = arith.constant 0 : i32
      %dma_wait3A_22 = tpu.memref_slice %arg2[%dma_wait3A_20, %dma_wait3A_21] : memref<10240x128xf32, #tpu.memory_space<hbm>> -> memref<10240x128xf32, #tpu.memory_space<hbm>>
      tpu.wait_indirect_dma semaphore(%arg11 : memref<!tpu.dma_semaphore, #tpu.memory_space<semaphore_mem>>) src(%dma_wait3A_22 : memref<10240x128xf32, #tpu.memory_space<hbm>>) dst(%arg9 : memref<128x128xf32, #tpu.memory_space<vmem>>)
      "tpu.region"() ({
        %run_scoped3A = tpu.sem_alloc : memref<!tpu.dma_semaphore, #tpu.memory_space<semaphore_mem>>
        %dma_start3A_23 = arith.constant 0 : i32
        %dma_start3A_24 = tpu.memref_slice %arg8[%scan3A_12, %dma_start3A_23] : memref<80x128xi32, #tpu.memory_space<vmem>> -> memref<1x128xi32, #tpu.memory_space<vmem>>
        %dma_start3A_25 = tpu.memref_squeeze %dma_start3A_24 : memref<1x128xi32, #tpu.memory_space<vmem>> -> memref<128xi32, #tpu.memory_space<vmem>>
        %dma_start3A_26 = arith.constant 0 : i32
        %dma_start3A_27 = arith.constant 0 : i32
        %dma_start3A_28 = tpu.memref_slice %arg10[%dma_start3A_26, %dma_start3A_27] : memref<10240x128xf32, #tpu.memory_space<vmem_shared>> -> memref<10240x128xf32, #tpu.memory_space<vmem_shared>>
        tpu.enqueue_indirect_dma source(%arg9 : memref<128x128xf32, #tpu.memory_space<vmem>>) target(%dma_start3A_28 : memref<10240x128xf32, #tpu.memory_space<vmem_shared>>) offsets(%dma_start3A_25 : memref<128xi32, #tpu.memory_space<vmem>>) semaphore(%run_scoped3A : memref<!tpu.dma_semaphore, #tpu.memory_space<semaphore_mem>>) {add = true}
        %dma_wait3A_29 = arith.constant 0 : i32
        %dma_wait3A_30 = tpu.memref_slice %arg8[%scan3A_12, %dma_wait3A_29] : memref<80x128xi32, #tpu.memory_space<vmem>> -> memref<1x128xi32, #tpu.memory_space<vmem>>
        %dma_wait3A_31 = tpu.memref_squeeze %dma_wait3A_30 : memref<1x128xi32, #tpu.memory_space<vmem>> -> memref<128xi32, #tpu.memory_space<vmem>>
        %dma_wait3A_32 = arith.constant 0 : i32
        %dma_wait3A_33 = arith.constant 0 : i32
        %dma_wait3A_34 = tpu.memref_slice %arg10[%dma_wait3A_32, %dma_wait3A_33] : memref<10240x128xf32, #tpu.memory_space<vmem_shared>> -> memref<10240x128xf32, #tpu.memory_space<vmem_shared>>
        tpu.wait_indirect_dma semaphore(%run_scoped3A : memref<!tpu.dma_semaphore, #tpu.memory_space<semaphore_mem>>) src(%arg9 : memref<128x128xf32, #tpu.memory_space<vmem>>) dst(%dma_wait3A_34 : memref<10240x128xf32, #tpu.memory_space<vmem_shared>>)
        tpu.yield
      }) : () -> ()
    }
    %scan3A_6 = arith.constant 80 : i32
    %barrier3A_7 = arith.constant 0 : index
    tpu.barrier barrier_id(%barrier3A_7)
    %mul3A_8 = arith.constant 640 : i32
    %mul3A_9 = arith.muli %arg1, %mul3A_8 : i32
    %mul3A_10 = arith.constant 640 : i32
    %mul3A_11 = arith.muli %arg1, %mul3A_10 : i32
    "tpu.region"() ({
      %run_scoped3A = tpu.sem_alloc : memref<!tpu.dma_semaphore, #tpu.memory_space<semaphore_mem>>
      %dma_start3A = arith.constant 0 : i32
      %dma_start3A_12 = tpu.memref_slice %arg6[%arg0, %mul3A_11, %dma_start3A] : memref<2x10240x128xf32, #tpu.memory_space<hbm>> -> memref<1x640x128xf32, #tpu.memory_space<hbm>>
      %dma_start3A_13 = tpu.memref_squeeze %dma_start3A_12 : memref<1x640x128xf32, #tpu.memory_space<hbm>> -> memref<640x128xf32, #tpu.memory_space<hbm>>
      %dma_start3A_14 = arith.constant 0 : i32
      %dma_start3A_15 = tpu.memref_slice %arg10[%mul3A_9, %dma_start3A_14] : memref<10240x128xf32, #tpu.memory_space<vmem_shared>> -> memref<640x128xf32, #tpu.memory_space<vmem_shared>>
      tpu.enqueue_dma source(%dma_start3A_15 : memref<640x128xf32, #tpu.memory_space<vmem_shared>>) target(%dma_start3A_13 : memref<640x128xf32, #tpu.memory_space<hbm>>) target_semaphore(%run_scoped3A : memref<!tpu.dma_semaphore, #tpu.memory_space<semaphore_mem>>)
      %dma_wait3A = arith.constant 0 : i32
      %dma_wait3A_16 = tpu.memref_slice %arg6[%arg0, %mul3A_11, %dma_wait3A] : memref<2x10240x128xf32, #tpu.memory_space<hbm>> -> memref<1x640x128xf32, #tpu.memory_space<hbm>>
      %dma_wait3A_17 = tpu.memref_squeeze %dma_wait3A_16 : memref<1x640x128xf32, #tpu.memory_space<hbm>> -> memref<640x128xf32, #tpu.memory_space<hbm>>
      %dma_wait3A_18 = arith.constant 0 : i32
      %dma_wait3A_19 = tpu.memref_slice %arg10[%mul3A_9, %dma_wait3A_18] : memref<10240x128xf32, #tpu.memory_space<vmem_shared>> -> memref<640x128xf32, #tpu.memory_space<vmem_shared>>
      tpu.wait_dma2 semaphore(%run_scoped3A : memref<!tpu.dma_semaphore, #tpu.memory_space<semaphore_mem>>) src(%dma_wait3A_19 : memref<640x128xf32, #tpu.memory_space<vmem_shared>>) dst(%dma_wait3A_17 : memref<640x128xf32, #tpu.memory_space<hbm>>)
      tpu.yield
    }) : () -> ()
    return
  }
}

#map = affine_map<(d0, d1) -> (0, 0)>
#map1 = affine_map<(d0, d1) -> (0, 0, 0)>
module attributes {stable_mosaic.version = 14 : i64} {
  func.func @k(%arg0: i32, %arg1: i32, %arg2: memref<64x10240xf32, #tpu.memory_space<hbm>>, %arg3: memref<4x321x512xi32, #tpu.memory_space<hbm>>, %arg4: memref<4x321x512xi32, #tpu.memory_space<hbm>>, %arg5: memref<40x512xf32, #tpu.memory_space<hbm>>, %arg6: memref<1280x512xf32, #tpu.memory_space<hbm>>, %arg7: memref<8x10240xf32, #tpu.memory_space<vmem>>, %arg8: memref<512xi32, #tpu.memory_space<vmem>>, %arg9: memref<512xi32, #tpu.memory_space<vmem>>, %arg10: memref<512xi32, #tpu.memory_space<vmem>>, %arg11: memref<512xi32, #tpu.memory_space<vmem>>, %arg12: memref<16x512xf32, #tpu.memory_space<vmem>>, %arg13: memref<16x512xf32, #tpu.memory_space<vmem>>, %arg14: memref<16xi32, #tpu.memory_space<vmem>>, %arg15: memref<16xi32, #tpu.memory_space<vmem>>, %arg16: memref<640x512xf32, #tpu.memory_space<vmem_shared>>, %arg17: memref<!tpu.dma_semaphore, #tpu.memory_space<semaphore_mem>>, %arg18: memref<!tpu.dma_semaphore, #tpu.memory_space<semaphore_mem>>, %arg19: memref<!tpu.dma_semaphore, #tpu.memory_space<semaphore_mem>>, %arg20: memref<!tpu.dma_semaphore, #tpu.memory_space<semaphore_mem>>, %arg21: memref<!tpu.dma_semaphore, #tpu.memory_space<semaphore_mem>>, %arg22: memref<!tpu.dma_semaphore, #tpu.memory_space<semaphore_mem>>) attributes {dimension_semantics = [#tpu.dimension_semantics<core_parallel>, #tpu.dimension_semantics<subcore_parallel>], iteration_bounds = array<i64: 2, 16>, scalar_prefetch = 0 : i64, scratch_operands = 16 : i64, tpu.core_type = #tpu.core_type<sc_vector_subcore>, window_params = [{transform_indices = #map}, {transform_indices = #map1}, {transform_indices = #map1}, {transform_indices = #map}, {transform_indices = #map}]} {
    %rem3A = arith.constant 8 : i32
    %rem3A_0 = arith.remsi %arg1, %rem3A : i32
    %jit3A = arith.constant 8 : i32
    %div3A = arith.divsi %arg1, %jit3A : i32
    %sign3A = arith.constant 0 : i32
    %sign3A_1 = arith.cmpi sgt, %arg1, %sign3A : i32
    %sign3A_2 = arith.extui %sign3A_1 : i1 to i32
    %sign3A_3 = arith.constant 0 : i32
    %sign3A_4 = arith.cmpi slt, %arg1, %sign3A_3 : i32
    %sign3A_5 = arith.extui %sign3A_4 : i1 to i32
    %sign3A_6 = arith.subi %sign3A_2, %sign3A_5 : i32
    %sign3A_7 = arith.constant 0 : i32
    %sign3A_8 = arith.cmpi sgt, %jit3A, %sign3A_7 : i32
    %sign3A_9 = arith.extui %sign3A_8 : i1 to i32
    %sign3A_10 = arith.constant 0 : i32
    %sign3A_11 = arith.cmpi slt, %jit3A, %sign3A_10 : i32
    %sign3A_12 = arith.extui %sign3A_11 : i1 to i32
    %sign3A_13 = arith.subi %sign3A_9, %sign3A_12 : i32
    %ne3A = arith.cmpi ne, %sign3A_6, %sign3A_13 : i32
    %rem3A_14 = arith.remsi %arg1, %jit3A : i32
    %ne3A_15 = arith.constant 0 : i32
    %ne3A_16 = arith.cmpi ne, %rem3A_14, %ne3A_15 : i32
    %and3A = arith.andi %ne3A, %ne3A_16 : i1
    %sub3A = arith.constant 1 : i32
    %sub3A_17 = arith.subi %div3A, %sub3A : i32
    %select_n3A = arith.select %and3A, %sub3A_17, %div3A : i32
    %mul3A = arith.constant 2 : i32
    %mul3A_18 = arith.muli %arg0, %mul3A : i32
    %add3A = arith.addi %mul3A_18, %select_n3A : i32
    %mul3A_19 = arith.constant 8 : i32
    %mul3A_20 = arith.muli %rem3A_0, %mul3A_19 : i32
    "tpu.region"() ({
      %run_scoped3A = tpu.sem_alloc : memref<!tpu.dma_semaphore, #tpu.memory_space<semaphore_mem>>
      %dma_start3A_114 = arith.constant 0 : i32
      %dma_start3A_115 = tpu.memref_slice %arg2[%mul3A_20, %dma_start3A_114] : memref<64x10240xf32, #tpu.memory_space<hbm>> -> memref<8x10240xf32, #tpu.memory_space<hbm>>
      %dma_start3A_116 = arith.constant 0 : i32
      %dma_start3A_117 = tpu.memref_slice %arg2[%mul3A_20, %dma_start3A_116] : memref<64x10240xf32, #tpu.memory_space<hbm>> -> memref<8x10240xf32, #tpu.memory_space<hbm>>
      tpu.enqueue_dma source(%dma_start3A_117 : memref<8x10240xf32, #tpu.memory_space<hbm>>) target(%arg7 : memref<8x10240xf32, #tpu.memory_space<vmem>>) target_semaphore(%run_scoped3A : memref<!tpu.dma_semaphore, #tpu.memory_space<semaphore_mem>>)
      %dma_wait3A_118 = arith.constant 0 : i32
      %dma_wait3A_119 = tpu.memref_slice %arg2[%mul3A_20, %dma_wait3A_118] : memref<64x10240xf32, #tpu.memory_space<hbm>> -> memref<8x10240xf32, #tpu.memory_space<hbm>>
      %dma_wait3A_120 = arith.constant 0 : i32
      %dma_wait3A_121 = tpu.memref_slice %arg2[%mul3A_20, %dma_wait3A_120] : memref<64x10240xf32, #tpu.memory_space<hbm>> -> memref<8x10240xf32, #tpu.memory_space<hbm>>
      tpu.wait_dma2 semaphore(%run_scoped3A : memref<!tpu.dma_semaphore, #tpu.memory_space<semaphore_mem>>) src(%dma_wait3A_121 : memref<8x10240xf32, #tpu.memory_space<hbm>>) dst(%arg7 : memref<8x10240xf32, #tpu.memory_space<vmem>>)
      tpu.yield
    }) : () -> ()
    %mul3A_21 = arith.constant 40 : i32
    %mul3A_22 = arith.muli %arg1, %mul3A_21 : i32
    "tpu.region"() ({
      %run_scoped3A = tpu.sem_alloc : memref<!tpu.dma_semaphore, #tpu.memory_space<semaphore_mem>>
      %dma_start3A_114 = arith.constant 0 : i32
      %dma_start3A_115 = tpu.memref_slice %arg16[%mul3A_22, %dma_start3A_114] : memref<640x512xf32, #tpu.memory_space<vmem_shared>> -> memref<40x512xf32, #tpu.memory_space<vmem_shared>>
      tpu.enqueue_dma source(%arg5 : memref<40x512xf32, #tpu.memory_space<hbm>>) target(%dma_start3A_115 : memref<40x512xf32, #tpu.memory_space<vmem_shared>>) target_semaphore(%run_scoped3A : memref<!tpu.dma_semaphore, #tpu.memory_space<semaphore_mem>>)
      %dma_wait3A_116 = arith.constant 0 : i32
      %dma_wait3A_117 = tpu.memref_slice %arg16[%mul3A_22, %dma_wait3A_116] : memref<640x512xf32, #tpu.memory_space<vmem_shared>> -> memref<40x512xf32, #tpu.memory_space<vmem_shared>>
      tpu.wait_dma2 semaphore(%run_scoped3A : memref<!tpu.dma_semaphore, #tpu.memory_space<semaphore_mem>>) src(%arg5 : memref<40x512xf32, #tpu.memory_space<hbm>>) dst(%dma_wait3A_117 : memref<40x512xf32, #tpu.memory_space<vmem_shared>>)
      tpu.yield
    }) : () -> ()
    %barrier3A = arith.constant 0 : index
    tpu.barrier barrier_id(%barrier3A)
    %broadcast_in_dim3A = arith.constant 0 : i32
    %broadcast_in_dim3A_23 = vector.broadcast %broadcast_in_dim3A : i32 to vector<16xi32>
    %broadcast_in_dim3A_24 = arith.constant 1 : i32
    %broadcast_in_dim3A_25 = vector.broadcast %broadcast_in_dim3A_24 : i32 to vector<16xi32>
    %broadcast_in_dim3A_26 = arith.constant 2 : i32
    %broadcast_in_dim3A_27 = vector.broadcast %broadcast_in_dim3A_26 : i32 to vector<16xi32>
    %broadcast_in_dim3A_28 = arith.constant 3 : i32
    %broadcast_in_dim3A_29 = vector.broadcast %broadcast_in_dim3A_28 : i32 to vector<16xi32>
    %broadcast_in_dim3A_30 = arith.constant 4 : i32
    %broadcast_in_dim3A_31 = vector.broadcast %broadcast_in_dim3A_30 : i32 to vector<16xi32>
    %broadcast_in_dim3A_32 = arith.constant 5 : i32
    %broadcast_in_dim3A_33 = vector.broadcast %broadcast_in_dim3A_32 : i32 to vector<16xi32>
    %broadcast_in_dim3A_34 = arith.constant 6 : i32
    %broadcast_in_dim3A_35 = vector.broadcast %broadcast_in_dim3A_34 : i32 to vector<16xi32>
    %broadcast_in_dim3A_36 = arith.constant 7 : i32
    %broadcast_in_dim3A_37 = vector.broadcast %broadcast_in_dim3A_36 : i32 to vector<16xi32>
    %dma_start3A = arith.constant 0 : i32
    %dma_start3A_38 = arith.constant 0 : i32
    %dma_start3A_39 = tpu.memref_slice %arg3[%add3A, %dma_start3A, %dma_start3A_38] : memref<4x321x512xi32, #tpu.memory_space<hbm>> -> memref<1x1x512xi32, #tpu.memory_space<hbm>>
    %dma_start3A_40 = tpu.memref_squeeze %dma_start3A_39 : memref<1x1x512xi32, #tpu.memory_space<hbm>> -> memref<512xi32, #tpu.memory_space<hbm>>
    %dma_start3A_41 = arith.constant 0 : i32
    %dma_start3A_42 = tpu.memref_slice %arg3[%add3A, %dma_start3A, %dma_start3A_41] : memref<4x321x512xi32, #tpu.memory_space<hbm>> -> memref<1x1x512xi32, #tpu.memory_space<hbm>>
    %dma_start3A_43 = tpu.memref_squeeze %dma_start3A_42 : memref<1x1x512xi32, #tpu.memory_space<hbm>> -> memref<512xi32, #tpu.memory_space<hbm>>
    tpu.enqueue_dma source(%dma_start3A_43 : memref<512xi32, #tpu.memory_space<hbm>>) target(%arg8 : memref<512xi32, #tpu.memory_space<vmem>>) target_semaphore(%arg17 : memref<!tpu.dma_semaphore, #tpu.memory_space<semaphore_mem>>)
    %dma_start3A_44 = arith.constant 0 : i32
    %dma_start3A_45 = arith.constant 0 : i32
    %dma_start3A_46 = tpu.memref_slice %arg4[%add3A, %dma_start3A_44, %dma_start3A_45] : memref<4x321x512xi32, #tpu.memory_space<hbm>> -> memref<1x1x512xi32, #tpu.memory_space<hbm>>
    %dma_start3A_47 = tpu.memref_squeeze %dma_start3A_46 : memref<1x1x512xi32, #tpu.memory_space<hbm>> -> memref<512xi32, #tpu.memory_space<hbm>>
    %dma_start3A_48 = arith.constant 0 : i32
    %dma_start3A_49 = tpu.memref_slice %arg4[%add3A, %dma_start3A_44, %dma_start3A_48] : memref<4x321x512xi32, #tpu.memory_space<hbm>> -> memref<1x1x512xi32, #tpu.memory_space<hbm>>
    %dma_start3A_50 = tpu.memref_squeeze %dma_start3A_49 : memref<1x1x512xi32, #tpu.memory_space<hbm>> -> memref<512xi32, #tpu.memory_space<hbm>>
    tpu.enqueue_dma source(%dma_start3A_50 : memref<512xi32, #tpu.memory_space<hbm>>) target(%arg9 : memref<512xi32, #tpu.memory_space<vmem>>) target_semaphore(%arg18 : memref<!tpu.dma_semaphore, #tpu.memory_space<semaphore_mem>>)
    %scan3A = arith.constant 0 : i32
    %scan3A_51 = arith.constant 8 : i32
    %scan3A_52 = arith.addi %scan3A, %scan3A_51 : i32
    %scan3A_53 = arith.constant 1 : i32
    scf.for %scan3A_114 = %scan3A to %scan3A_52 step %scan3A_53  : i32 {
      %mul3A_115 = arith.constant 2 : i32
      %mul3A_116 = arith.muli %mul3A_115, %scan3A_114 : i32
      %add3A_117 = arith.constant 0 : i32
      %add3A_118 = arith.addi %add3A_117, %mul3A_116 : i32
      %add3A_119 = arith.constant 1 : i32
      %add3A_120 = arith.addi %add3A_118, %add3A_119 : i32
      %dma_start3A_121 = arith.constant 0 : i32
      %dma_start3A_122 = tpu.memref_slice %arg3[%add3A, %add3A_120, %dma_start3A_121] : memref<4x321x512xi32, #tpu.memory_space<hbm>> -> memref<1x1x512xi32, #tpu.memory_space<hbm>>
      %dma_start3A_123 = tpu.memref_squeeze %dma_start3A_122 : memref<1x1x512xi32, #tpu.memory_space<hbm>> -> memref<512xi32, #tpu.memory_space<hbm>>
      %dma_start3A_124 = arith.constant 0 : i32
      %dma_start3A_125 = tpu.memref_slice %arg3[%add3A, %add3A_120, %dma_start3A_124] : memref<4x321x512xi32, #tpu.memory_space<hbm>> -> memref<1x1x512xi32, #tpu.memory_space<hbm>>
      %dma_start3A_126 = tpu.memref_squeeze %dma_start3A_125 : memref<1x1x512xi32, #tpu.memory_space<hbm>> -> memref<512xi32, #tpu.memory_space<hbm>>
      tpu.enqueue_dma source(%dma_start3A_126 : memref<512xi32, #tpu.memory_space<hbm>>) target(%arg10 : memref<512xi32, #tpu.memory_space<vmem>>) target_semaphore(%arg19 : memref<!tpu.dma_semaphore, #tpu.memory_space<semaphore_mem>>)
      %add3A_127 = arith.constant 1 : i32
      %add3A_128 = arith.addi %add3A_118, %add3A_127 : i32
      %dma_start3A_129 = arith.constant 0 : i32
      %dma_start3A_130 = tpu.memref_slice %arg4[%add3A, %add3A_128, %dma_start3A_129] : memref<4x321x512xi32, #tpu.memory_space<hbm>> -> memref<1x1x512xi32, #tpu.memory_space<hbm>>
      %dma_start3A_131 = tpu.memref_squeeze %dma_start3A_130 : memref<1x1x512xi32, #tpu.memory_space<hbm>> -> memref<512xi32, #tpu.memory_space<hbm>>
      %dma_start3A_132 = arith.constant 0 : i32
      %dma_start3A_133 = tpu.memref_slice %arg4[%add3A, %add3A_128, %dma_start3A_132] : memref<4x321x512xi32, #tpu.memory_space<hbm>> -> memref<1x1x512xi32, #tpu.memory_space<hbm>>
      %dma_start3A_134 = tpu.memref_squeeze %dma_start3A_133 : memref<1x1x512xi32, #tpu.memory_space<hbm>> -> memref<512xi32, #tpu.memory_space<hbm>>
      tpu.enqueue_dma source(%dma_start3A_134 : memref<512xi32, #tpu.memory_space<hbm>>) target(%arg11 : memref<512xi32, #tpu.memory_space<vmem>>) target_semaphore(%arg20 : memref<!tpu.dma_semaphore, #tpu.memory_space<semaphore_mem>>)
      %dma_wait3A_135 = arith.constant 0 : i32
      %dma_wait3A_136 = tpu.memref_slice %arg3[%add3A, %add3A_118, %dma_wait3A_135] : memref<4x321x512xi32, #tpu.memory_space<hbm>> -> memref<1x1x512xi32, #tpu.memory_space<hbm>>
      %dma_wait3A_137 = tpu.memref_squeeze %dma_wait3A_136 : memref<1x1x512xi32, #tpu.memory_space<hbm>> -> memref<512xi32, #tpu.memory_space<hbm>>
      %dma_wait3A_138 = arith.constant 0 : i32
      %dma_wait3A_139 = tpu.memref_slice %arg3[%add3A, %add3A_118, %dma_wait3A_138] : memref<4x321x512xi32, #tpu.memory_space<hbm>> -> memref<1x1x512xi32, #tpu.memory_space<hbm>>
      %dma_wait3A_140 = tpu.memref_squeeze %dma_wait3A_139 : memref<1x1x512xi32, #tpu.memory_space<hbm>> -> memref<512xi32, #tpu.memory_space<hbm>>
      tpu.wait_dma2 semaphore(%arg17 : memref<!tpu.dma_semaphore, #tpu.memory_space<semaphore_mem>>) src(%dma_wait3A_140 : memref<512xi32, #tpu.memory_space<hbm>>) dst(%arg8 : memref<512xi32, #tpu.memory_space<vmem>>)
      %dma_wait3A_141 = arith.constant 0 : i32
      %dma_wait3A_142 = tpu.memref_slice %arg4[%add3A, %add3A_118, %dma_wait3A_141] : memref<4x321x512xi32, #tpu.memory_space<hbm>> -> memref<1x1x512xi32, #tpu.memory_space<hbm>>
      %dma_wait3A_143 = tpu.memref_squeeze %dma_wait3A_142 : memref<1x1x512xi32, #tpu.memory_space<hbm>> -> memref<512xi32, #tpu.memory_space<hbm>>
      %dma_wait3A_144 = arith.constant 0 : i32
      %dma_wait3A_145 = tpu.memref_slice %arg4[%add3A, %add3A_118, %dma_wait3A_144] : memref<4x321x512xi32, #tpu.memory_space<hbm>> -> memref<1x1x512xi32, #tpu.memory_space<hbm>>
      %dma_wait3A_146 = tpu.memref_squeeze %dma_wait3A_145 : memref<1x1x512xi32, #tpu.memory_space<hbm>> -> memref<512xi32, #tpu.memory_space<hbm>>
      tpu.wait_dma2 semaphore(%arg18 : memref<!tpu.dma_semaphore, #tpu.memory_space<semaphore_mem>>) src(%dma_wait3A_146 : memref<512xi32, #tpu.memory_space<hbm>>) dst(%arg9 : memref<512xi32, #tpu.memory_space<vmem>>)
      %mul3A_147 = arith.constant 2 : i32
      %mul3A_148 = arith.muli %mul3A_147, %scan3A_114 : i32
      %scan3A_149 = arith.constant 0 : i32
      %scan3A_150 = arith.constant 32 : i32
      %scan3A_151 = arith.addi %scan3A_149, %scan3A_150 : i32
      %scan3A_152 = arith.constant 1 : i32
      scf.for %scan3A_195 = %scan3A_149 to %scan3A_151 step %scan3A_152  : i32 {
        %mul3A_196 = arith.constant 16 : i32
        %mul3A_197 = arith.muli %scan3A_195, %mul3A_196 : i32
        %get3A = arith.index_cast %mul3A_197 : i32 to index
        %get3A_198 = tpu.vector_load %arg8[%get3A] {strides = array<i32>} : memref<512xi32, #tpu.memory_space<vmem>>, vector<16xi32>,
        %get3A_199 = arith.index_cast %mul3A_197 : i32 to index
        %get3A_200 = tpu.vector_load %arg9[%get3A_199] {strides = array<i32>} : memref<512xi32, #tpu.memory_space<vmem>>, vector<16xi32>,
        %broadcast_in_dim3A_201 = arith.constant 0.000000e+00 : f32
        %broadcast_in_dim3A_202 = vector.broadcast %broadcast_in_dim3A_201 : f32 to vector<16xf32>
        %broadcast_in_dim3A_203 = arith.constant 0.000000e+00 : f32
        %broadcast_in_dim3A_204 = vector.broadcast %broadcast_in_dim3A_203 : f32 to vector<16xf32>
        %gather3A = tpu.vector_load_idx %arg7[%broadcast_in_dim3A_23, %get3A_198] : memref<8x10240xf32, #tpu.memory_space<vmem>>[vector<16xi32>, vector<16xi32>], vector<16xf32>,
        %gather3A_205 = tpu.vector_load_idx %arg7[%broadcast_in_dim3A_23, %get3A_200] : memref<8x10240xf32, #tpu.memory_space<vmem>>[vector<16xi32>, vector<16xi32>], vector<16xf32>,
        %mul3A_206 = arith.mulf %gather3A, %gather3A_205 : vector<16xf32>
        %add3A_207 = arith.addf %broadcast_in_dim3A_202, %mul3A_206 : vector<16xf32>
        %gather3A_208 = tpu.vector_load_idx %arg7[%broadcast_in_dim3A_25, %get3A_198] : memref<8x10240xf32, #tpu.memory_space<vmem>>[vector<16xi32>, vector<16xi32>], vector<16xf32>,
        %gather3A_209 = tpu.vector_load_idx %arg7[%broadcast_in_dim3A_25, %get3A_200] : memref<8x10240xf32, #tpu.memory_space<vmem>>[vector<16xi32>, vector<16xi32>], vector<16xf32>,
        %mul3A_210 = arith.mulf %gather3A_208, %gather3A_209 : vector<16xf32>
        %add3A_211 = arith.addf %add3A_207, %mul3A_210 : vector<16xf32>
        %gather3A_212 = tpu.vector_load_idx %arg7[%broadcast_in_dim3A_27, %get3A_198] : memref<8x10240xf32, #tpu.memory_space<vmem>>[vector<16xi32>, vector<16xi32>], vector<16xf32>,
        %gather3A_213 = tpu.vector_load_idx %arg7[%broadcast_in_dim3A_27, %get3A_200] : memref<8x10240xf32, #tpu.memory_space<vmem>>[vector<16xi32>, vector<16xi32>], vector<16xf32>,
        %mul3A_214 = arith.mulf %gather3A_212, %gather3A_213 : vector<16xf32>
        %add3A_215 = arith.addf %add3A_211, %mul3A_214 : vector<16xf32>
        %gather3A_216 = tpu.vector_load_idx %arg7[%broadcast_in_dim3A_29, %get3A_198] : memref<8x10240xf32, #tpu.memory_space<vmem>>[vector<16xi32>, vector<16xi32>], vector<16xf32>,
        %gather3A_217 = tpu.vector_load_idx %arg7[%broadcast_in_dim3A_29, %get3A_200] : memref<8x10240xf32, #tpu.memory_space<vmem>>[vector<16xi32>, vector<16xi32>], vector<16xf32>,
        %mul3A_218 = arith.mulf %gather3A_216, %gather3A_217 : vector<16xf32>
        %add3A_219 = arith.addf %add3A_215, %mul3A_218 : vector<16xf32>
        %gather3A_220 = tpu.vector_load_idx %arg7[%broadcast_in_dim3A_31, %get3A_198] : memref<8x10240xf32, #tpu.memory_space<vmem>>[vector<16xi32>, vector<16xi32>], vector<16xf32>,
        %gather3A_221 = tpu.vector_load_idx %arg7[%broadcast_in_dim3A_31, %get3A_200] : memref<8x10240xf32, #tpu.memory_space<vmem>>[vector<16xi32>, vector<16xi32>], vector<16xf32>,
        %mul3A_222 = arith.mulf %gather3A_220, %gather3A_221 : vector<16xf32>
        %add3A_223 = arith.addf %broadcast_in_dim3A_204, %mul3A_222 : vector<16xf32>
        %gather3A_224 = tpu.vector_load_idx %arg7[%broadcast_in_dim3A_33, %get3A_198] : memref<8x10240xf32, #tpu.memory_space<vmem>>[vector<16xi32>, vector<16xi32>], vector<16xf32>,
        %gather3A_225 = tpu.vector_load_idx %arg7[%broadcast_in_dim3A_33, %get3A_200] : memref<8x10240xf32, #tpu.memory_space<vmem>>[vector<16xi32>, vector<16xi32>], vector<16xf32>,
        %mul3A_226 = arith.mulf %gather3A_224, %gather3A_225 : vector<16xf32>
        %add3A_227 = arith.addf %add3A_223, %mul3A_226 : vector<16xf32>
        %gather3A_228 = tpu.vector_load_idx %arg7[%broadcast_in_dim3A_35, %get3A_198] : memref<8x10240xf32, #tpu.memory_space<vmem>>[vector<16xi32>, vector<16xi32>], vector<16xf32>,
        %gather3A_229 = tpu.vector_load_idx %arg7[%broadcast_in_dim3A_35, %get3A_200] : memref<8x10240xf32, #tpu.memory_space<vmem>>[vector<16xi32>, vector<16xi32>], vector<16xf32>,
        %mul3A_230 = arith.mulf %gather3A_228, %gather3A_229 : vector<16xf32>
        %add3A_231 = arith.addf %add3A_227, %mul3A_230 : vector<16xf32>
        %gather3A_232 = tpu.vector_load_idx %arg7[%broadcast_in_dim3A_37, %get3A_198] : memref<8x10240xf32, #tpu.memory_space<vmem>>[vector<16xi32>, vector<16xi32>], vector<16xf32>,
        %gather3A_233 = tpu.vector_load_idx %arg7[%broadcast_in_dim3A_37, %get3A_200] : memref<8x10240xf32, #tpu.memory_space<vmem>>[vector<16xi32>, vector<16xi32>], vector<16xf32>,
        %mul3A_234 = arith.mulf %gather3A_232, %gather3A_233 : vector<16xf32>
        %add3A_235 = arith.addf %add3A_231, %mul3A_234 : vector<16xf32>
        %add3A_236 = arith.addf %add3A_219, %add3A_235 : vector<16xf32>
        %swap3A_237 = arith.index_cast %mul3A_148 : i32 to index
        %swap3A_238 = arith.index_cast %mul3A_197 : i32 to index
        %swap3A_239 = tpu.vector_load %arg12[%swap3A_237, %swap3A_238] {strides = array<i32>} : memref<16x512xf32, #tpu.memory_space<vmem>>, vector<16xf32>,
        tpu.vector_store %arg12[%swap3A_237, %swap3A_238], %add3A_236 {strides = array<i32>} : memref<16x512xf32, #tpu.memory_space<vmem>>, vector<16xf32>,
      }
      %scan3A_153 = arith.constant 32 : i32
      %add3A_154 = arith.constant 2 : i32
      %add3A_155 = arith.addi %add3A_118, %add3A_154 : i32
      %dma_start3A_156 = arith.constant 0 : i32
      %dma_start3A_157 = tpu.memref_slice %arg3[%add3A, %add3A_155, %dma_start3A_156] : memref<4x321x512xi32, #tpu.memory_space<hbm>> -> memref<1x1x512xi32, #tpu.memory_space<hbm>>
      %dma_start3A_158 = tpu.memref_squeeze %dma_start3A_157 : memref<1x1x512xi32, #tpu.memory_space<hbm>> -> memref<512xi32, #tpu.memory_space<hbm>>
      %dma_start3A_159 = arith.constant 0 : i32
      %dma_start3A_160 = tpu.memref_slice %arg3[%add3A, %add3A_155, %dma_start3A_159] : memref<4x321x512xi32, #tpu.memory_space<hbm>> -> memref<1x1x512xi32, #tpu.memory_space<hbm>>
      %dma_start3A_161 = tpu.memref_squeeze %dma_start3A_160 : memref<1x1x512xi32, #tpu.memory_space<hbm>> -> memref<512xi32, #tpu.memory_space<hbm>>
      tpu.enqueue_dma source(%dma_start3A_161 : memref<512xi32, #tpu.memory_space<hbm>>) target(%arg8 : memref<512xi32, #tpu.memory_space<vmem>>) target_semaphore(%arg17 : memref<!tpu.dma_semaphore, #tpu.memory_space<semaphore_mem>>)
      %add3A_162 = arith.constant 2 : i32
      %add3A_163 = arith.addi %add3A_118, %add3A_162 : i32
      %dma_start3A_164 = arith.constant 0 : i32
      %dma_start3A_165 = tpu.memref_slice %arg4[%add3A, %add3A_163, %dma_start3A_164] : memref<4x321x512xi32, #tpu.memory_space<hbm>> -> memref<1x1x512xi32, #tpu.memory_space<hbm>>
      %dma_start3A_166 = tpu.memref_squeeze %dma_start3A_165 : memref<1x1x512xi32, #tpu.memory_space<hbm>> -> memref<512xi32, #tpu.memory_space<hbm>>
      %dma_start3A_167 = arith.constant 0 : i32
      %dma_start3A_168 = tpu.memref_slice %arg4[%add3A, %add3A_163, %dma_start3A_167] : memref<4x321x512xi32, #tpu.memory_space<hbm>> -> memref<1x1x512xi32, #tpu.memory_space<hbm>>
      %dma_start3A_169 = tpu.memref_squeeze %dma_start3A_168 : memref<1x1x512xi32, #tpu.memory_space<hbm>> -> memref<512xi32, #tpu.memory_space<hbm>>
      tpu.enqueue_dma source(%dma_start3A_169 : memref<512xi32, #tpu.memory_space<hbm>>) target(%arg9 : memref<512xi32, #tpu.memory_space<vmem>>) target_semaphore(%arg18 : memref<!tpu.dma_semaphore, #tpu.memory_space<semaphore_mem>>)
      %add3A_170 = arith.constant 1 : i32
      %add3A_171 = arith.addi %add3A_118, %add3A_170 : i32
      %dma_wait3A_172 = arith.constant 0 : i32
      %dma_wait3A_173 = tpu.memref_slice %arg3[%add3A, %add3A_171, %dma_wait3A_172] : memref<4x321x512xi32, #tpu.memory_space<hbm>> -> memref<1x1x512xi32, #tpu.memory_space<hbm>>
      %dma_wait3A_174 = tpu.memref_squeeze %dma_wait3A_173 : memref<1x1x512xi32, #tpu.memory_space<hbm>> -> memref<512xi32, #tpu.memory_space<hbm>>
      %dma_wait3A_175 = arith.constant 0 : i32
      %dma_wait3A_176 = tpu.memref_slice %arg3[%add3A, %add3A_171, %dma_wait3A_175] : memref<4x321x512xi32, #tpu.memory_space<hbm>> -> memref<1x1x512xi32, #tpu.memory_space<hbm>>
      %dma_wait3A_177 = tpu.memref_squeeze %dma_wait3A_176 : memref<1x1x512xi32, #tpu.memory_space<hbm>> -> memref<512xi32, #tpu.memory_space<hbm>>
      tpu.wait_dma2 semaphore(%arg19 : memref<!tpu.dma_semaphore, #tpu.memory_space<semaphore_mem>>) src(%dma_wait3A_177 : memref<512xi32, #tpu.memory_space<hbm>>) dst(%arg10 : memref<512xi32, #tpu.memory_space<vmem>>)
      %add3A_178 = arith.constant 1 : i32
      %add3A_179 = arith.addi %add3A_118, %add3A_178 : i32
      %dma_wait3A_180 = arith.constant 0 : i32
      %dma_wait3A_181 = tpu.memref_slice %arg4[%add3A, %add3A_179, %dma_wait3A_180] : memref<4x321x512xi32, #tpu.memory_space<hbm>> -> memref<1x1x512xi32, #tpu.memory_space<hbm>>
      %dma_wait3A_182 = tpu.memref_squeeze %dma_wait3A_181 : memref<1x1x512xi32, #tpu.memory_space<hbm>> -> memref<512xi32, #tpu.memory_space<hbm>>
      %dma_wait3A_183 = arith.constant 0 : i32
      %dma_wait3A_184 = tpu.memref_slice %arg4[%add3A, %add3A_179, %dma_wait3A_183] : memref<4x321x512xi32, #tpu.memory_space<hbm>> -> memref<1x1x512xi32, #tpu.memory_space<hbm>>
      %dma_wait3A_185 = tpu.memref_squeeze %dma_wait3A_184 : memref<1x1x512xi32, #tpu.memory_space<hbm>> -> memref<512xi32, #tpu.memory_space<hbm>>
      tpu.wait_dma2 semaphore(%arg20 : memref<!tpu.dma_semaphore, #tpu.memory_space<semaphore_mem>>) src(%dma_wait3A_185 : memref<512xi32, #tpu.memory_space<hbm>>) dst(%arg11 : memref<512xi32, #tpu.memory_space<vmem>>)
      %mul3A_186 = arith.constant 2 : i32
      %mul3A_187 = arith.muli %mul3A_186, %scan3A_114 : i32
      %add3A_188 = arith.constant 1 : i32
      %add3A_189 = arith.addi %mul3A_187, %add3A_188 : i32
      %scan3A_190 = arith.constant 0 : i32
      %scan3A_191 = arith.constant 32 : i32
      %scan3A_192 = arith.addi %scan3A_190, %scan3A_191 : i32
      %scan3A_193 = arith.constant 1 : i32
      scf.for %scan3A_195 = %scan3A_190 to %scan3A_192 step %scan3A_193  : i32 {
        %mul3A_196 = arith.constant 16 : i32
        %mul3A_197 = arith.muli %scan3A_195, %mul3A_196 : i32
        %get3A = arith.index_cast %mul3A_197 : i32 to index
        %get3A_198 = tpu.vector_load %arg10[%get3A] {strides = array<i32>} : memref<512xi32, #tpu.memory_space<vmem>>, vector<16xi32>,
        %get3A_199 = arith.index_cast %mul3A_197 : i32 to index
        %get3A_200 = tpu.vector_load %arg11[%get3A_199] {strides = array<i32>} : memref<512xi32, #tpu.memory_space<vmem>>, vector<16xi32>,
        %broadcast_in_dim3A_201 = arith.constant 0.000000e+00 : f32
        %broadcast_in_dim3A_202 = vector.broadcast %broadcast_in_dim3A_201 : f32 to vector<16xf32>
        %broadcast_in_dim3A_203 = arith.constant 0.000000e+00 : f32
        %broadcast_in_dim3A_204 = vector.broadcast %broadcast_in_dim3A_203 : f32 to vector<16xf32>
        %gather3A = tpu.vector_load_idx %arg7[%broadcast_in_dim3A_23, %get3A_198] : memref<8x10240xf32, #tpu.memory_space<vmem>>[vector<16xi32>, vector<16xi32>], vector<16xf32>,
        %gather3A_205 = tpu.vector_load_idx %arg7[%broadcast_in_dim3A_23, %get3A_200] : memref<8x10240xf32, #tpu.memory_space<vmem>>[vector<16xi32>, vector<16xi32>], vector<16xf32>,
        %mul3A_206 = arith.mulf %gather3A, %gather3A_205 : vector<16xf32>
        %add3A_207 = arith.addf %broadcast_in_dim3A_202, %mul3A_206 : vector<16xf32>
        %gather3A_208 = tpu.vector_load_idx %arg7[%broadcast_in_dim3A_25, %get3A_198] : memref<8x10240xf32, #tpu.memory_space<vmem>>[vector<16xi32>, vector<16xi32>], vector<16xf32>,
        %gather3A_209 = tpu.vector_load_idx %arg7[%broadcast_in_dim3A_25, %get3A_200] : memref<8x10240xf32, #tpu.memory_space<vmem>>[vector<16xi32>, vector<16xi32>], vector<16xf32>,
        %mul3A_210 = arith.mulf %gather3A_208, %gather3A_209 : vector<16xf32>
        %add3A_211 = arith.addf %add3A_207, %mul3A_210 : vector<16xf32>
        %gather3A_212 = tpu.vector_load_idx %arg7[%broadcast_in_dim3A_27, %get3A_198] : memref<8x10240xf32, #tpu.memory_space<vmem>>[vector<16xi32>, vector<16xi32>], vector<16xf32>,
        %gather3A_213 = tpu.vector_load_idx %arg7[%broadcast_in_dim3A_27, %get3A_200] : memref<8x10240xf32, #tpu.memory_space<vmem>>[vector<16xi32>, vector<16xi32>], vector<16xf32>,
        %mul3A_214 = arith.mulf %gather3A_212, %gather3A_213 : vector<16xf32>
        %add3A_215 = arith.addf %add3A_211, %mul3A_214 : vector<16xf32>
        %gather3A_216 = tpu.vector_load_idx %arg7[%broadcast_in_dim3A_29, %get3A_198] : memref<8x10240xf32, #tpu.memory_space<vmem>>[vector<16xi32>, vector<16xi32>], vector<16xf32>,
        %gather3A_217 = tpu.vector_load_idx %arg7[%broadcast_in_dim3A_29, %get3A_200] : memref<8x10240xf32, #tpu.memory_space<vmem>>[vector<16xi32>, vector<16xi32>], vector<16xf32>,
        %mul3A_218 = arith.mulf %gather3A_216, %gather3A_217 : vector<16xf32>
        %add3A_219 = arith.addf %add3A_215, %mul3A_218 : vector<16xf32>
        %gather3A_220 = tpu.vector_load_idx %arg7[%broadcast_in_dim3A_31, %get3A_198] : memref<8x10240xf32, #tpu.memory_space<vmem>>[vector<16xi32>, vector<16xi32>], vector<16xf32>,
        %gather3A_221 = tpu.vector_load_idx %arg7[%broadcast_in_dim3A_31, %get3A_200] : memref<8x10240xf32, #tpu.memory_space<vmem>>[vector<16xi32>, vector<16xi32>], vector<16xf32>,
        %mul3A_222 = arith.mulf %gather3A_220, %gather3A_221 : vector<16xf32>
        %add3A_223 = arith.addf %broadcast_in_dim3A_204, %mul3A_222 : vector<16xf32>
        %gather3A_224 = tpu.vector_load_idx %arg7[%broadcast_in_dim3A_33, %get3A_198] : memref<8x10240xf32, #tpu.memory_space<vmem>>[vector<16xi32>, vector<16xi32>], vector<16xf32>,
        %gather3A_225 = tpu.vector_load_idx %arg7[%broadcast_in_dim3A_33, %get3A_200] : memref<8x10240xf32, #tpu.memory_space<vmem>>[vector<16xi32>, vector<16xi32>], vector<16xf32>,
        %mul3A_226 = arith.mulf %gather3A_224, %gather3A_225 : vector<16xf32>
        %add3A_227 = arith.addf %add3A_223, %mul3A_226 : vector<16xf32>
        %gather3A_228 = tpu.vector_load_idx %arg7[%broadcast_in_dim3A_35, %get3A_198] : memref<8x10240xf32, #tpu.memory_space<vmem>>[vector<16xi32>, vector<16xi32>], vector<16xf32>,
        %gather3A_229 = tpu.vector_load_idx %arg7[%broadcast_in_dim3A_35, %get3A_200] : memref<8x10240xf32, #tpu.memory_space<vmem>>[vector<16xi32>, vector<16xi32>], vector<16xf32>,
        %mul3A_230 = arith.mulf %gather3A_228, %gather3A_229 : vector<16xf32>
        %add3A_231 = arith.addf %add3A_227, %mul3A_230 : vector<16xf32>
        %gather3A_232 = tpu.vector_load_idx %arg7[%broadcast_in_dim3A_37, %get3A_198] : memref<8x10240xf32, #tpu.memory_space<vmem>>[vector<16xi32>, vector<16xi32>], vector<16xf32>,
        %gather3A_233 = tpu.vector_load_idx %arg7[%broadcast_in_dim3A_37, %get3A_200] : memref<8x10240xf32, #tpu.memory_space<vmem>>[vector<16xi32>, vector<16xi32>], vector<16xf32>,
        %mul3A_234 = arith.mulf %gather3A_232, %gather3A_233 : vector<16xf32>
        %add3A_235 = arith.addf %add3A_231, %mul3A_234 : vector<16xf32>
        %add3A_236 = arith.addf %add3A_219, %add3A_235 : vector<16xf32>
        %swap3A_237 = arith.index_cast %add3A_189 : i32 to index
        %swap3A_238 = arith.index_cast %mul3A_197 : i32 to index
        %swap3A_239 = tpu.vector_load %arg12[%swap3A_237, %swap3A_238] {strides = array<i32>} : memref<16x512xf32, #tpu.memory_space<vmem>>, vector<16xf32>,
        tpu.vector_store %arg12[%swap3A_237, %swap3A_238], %add3A_236 {strides = array<i32>} : memref<16x512xf32, #tpu.memory_space<vmem>>, vector<16xf32>,
      }
      %scan3A_194 = arith.constant 32 : i32
    }
    %scan3A_54 = arith.constant 8 : i32
    %iota3A = tpu.iota {dimensions = array<i32: 0>} : vector<16xi32>
    %mul3A_55 = arith.constant 320 : i32
    %mul3A_56 = arith.muli %select_n3A, %mul3A_55 : i32
    %add3A_57 = arith.constant 0 : i32
    %add3A_58 = arith.addi %mul3A_56, %add3A_57 : i32
    %add3A_59 = vector.broadcast %add3A_58 : i32 to vector<16xi32>
    %add3A_60 = arith.addi %iota3A, %add3A_59 : vector<16xi32>
    %swap3A = arith.constant 0 : index
    %swap3A_61 = tpu.vector_load %arg14[%swap3A] {strides = array<i32>} : memref<16xi32, #tpu.memory_space<vmem>>, vector<16xi32>,
    tpu.vector_store %arg14[%swap3A], %add3A_60 {strides = array<i32>} : memref<16xi32, #tpu.memory_space<vmem>>, vector<16xi32>,
    %dma_start3A_62 = arith.constant 0 : i32
    %dma_start3A_63 = arith.constant 0 : i32
    %dma_start3A_64 = tpu.memref_slice %arg16[%dma_start3A_62, %dma_start3A_63] : memref<640x512xf32, #tpu.memory_space<vmem_shared>> -> memref<640x512xf32, #tpu.memory_space<vmem_shared>>
    tpu.enqueue_indirect_dma source(%arg12 : memref<16x512xf32, #tpu.memory_space<vmem>>) target(%dma_start3A_64 : memref<640x512xf32, #tpu.memory_space<vmem_shared>>) offsets(%arg14 : memref<16xi32, #tpu.memory_space<vmem>>) semaphore(%arg21 : memref<!tpu.dma_semaphore, #tpu.memory_space<semaphore_mem>>) {add = true}
    %scan3A_65 = arith.constant 0 : i32
    %scan3A_66 = arith.constant 8 : i32
    %scan3A_67 = arith.addi %scan3A_65, %scan3A_66 : i32
    %scan3A_68 = arith.constant 1 : i32
    scf.for %scan3A_114 = %scan3A_65 to %scan3A_67 step %scan3A_68  : i32 {
      %mul3A_115 = arith.constant 2 : i32
      %mul3A_116 = arith.muli %mul3A_115, %scan3A_114 : i32
      %add3A_117 = arith.constant 16 : i32
      %add3A_118 = arith.addi %add3A_117, %mul3A_116 : i32
      %add3A_119 = arith.constant 1 : i32
      %add3A_120 = arith.addi %add3A_118, %add3A_119 : i32
      %dma_start3A_121 = arith.constant 0 : i32
      %dma_start3A_122 = tpu.memref_slice %arg3[%add3A, %add3A_120, %dma_start3A_121] : memref<4x321x512xi32, #tpu.memory_space<hbm>> -> memref<1x1x512xi32, #tpu.memory_space<hbm>>
      %dma_start3A_123 = tpu.memref_squeeze %dma_start3A_122 : memref<1x1x512xi32, #tpu.memory_space<hbm>> -> memref<512xi32, #tpu.memory_space<hbm>>
      %dma_start3A_124 = arith.constant 0 : i32
      %dma_start3A_125 = tpu.memref_slice %arg3[%add3A, %add3A_120, %dma_start3A_124] : memref<4x321x512xi32, #tpu.memory_space<hbm>> -> memref<1x1x512xi32, #tpu.memory_space<hbm>>
      %dma_start3A_126 = tpu.memref_squeeze %dma_start3A_125 : memref<1x1x512xi32, #tpu.memory_space<hbm>> -> memref<512xi32, #tpu.memory_space<hbm>>
      tpu.enqueue_dma source(%dma_start3A_126 : memref<512xi32, #tpu.memory_space<hbm>>) target(%arg10 : memref<512xi32, #tpu.memory_space<vmem>>) target_semaphore(%arg19 : memref<!tpu.dma_semaphore, #tpu.memory_space<semaphore_mem>>)
      %add3A_127 = arith.constant 1 : i32
      %add3A_128 = arith.addi %add3A_118, %add3A_127 : i32
      %dma_start3A_129 = arith.constant 0 : i32
      %dma_start3A_130 = tpu.memref_slice %arg4[%add3A, %add3A_128, %dma_start3A_129] : memref<4x321x512xi32, #tpu.memory_space<hbm>> -> memref<1x1x512xi32, #tpu.memory_space<hbm>>
      %dma_start3A_131 = tpu.memref_squeeze %dma_start3A_130 : memref<1x1x512xi32, #tpu.memory_space<hbm>> -> memref<512xi32, #tpu.memory_space<hbm>>
      %dma_start3A_132 = arith.constant 0 : i32
      %dma_start3A_133 = tpu.memref_slice %arg4[%add3A, %add3A_128, %dma_start3A_132] : memref<4x321x512xi32, #tpu.memory_space<hbm>> -> memref<1x1x512xi32, #tpu.memory_space<hbm>>
      %dma_start3A_134 = tpu.memref_squeeze %dma_start3A_133 : memref<1x1x512xi32, #tpu.memory_space<hbm>> -> memref<512xi32, #tpu.memory_space<hbm>>
      tpu.enqueue_dma source(%dma_start3A_134 : memref<512xi32, #tpu.memory_space<hbm>>) target(%arg11 : memref<512xi32, #tpu.memory_space<vmem>>) target_semaphore(%arg20 : memref<!tpu.dma_semaphore, #tpu.memory_space<semaphore_mem>>)
      %dma_wait3A_135 = arith.constant 0 : i32
      %dma_wait3A_136 = tpu.memref_slice %arg3[%add3A, %add3A_118, %dma_wait3A_135] : memref<4x321x512xi32, #tpu.memory_space<hbm>> -> memref<1x1x512xi32, #tpu.memory_space<hbm>>
      %dma_wait3A_137 = tpu.memref_squeeze %dma_wait3A_136 : memref<1x1x512xi32, #tpu.memory_space<hbm>> -> memref<512xi32, #tpu.memory_space<hbm>>
      %dma_wait3A_138 = arith.constant 0 : i32
      %dma_wait3A_139 = tpu.memref_slice %arg3[%add3A, %add3A_118, %dma_wait3A_138] : memref<4x321x512xi32, #tpu.memory_space<hbm>> -> memref<1x1x512xi32, #tpu.memory_space<hbm>>
      %dma_wait3A_140 = tpu.memref_squeeze %dma_wait3A_139 : memref<1x1x512xi32, #tpu.memory_space<hbm>> -> memref<512xi32, #tpu.memory_space<hbm>>
      tpu.wait_dma2 semaphore(%arg17 : memref<!tpu.dma_semaphore, #tpu.memory_space<semaphore_mem>>) src(%dma_wait3A_140 : memref<512xi32, #tpu.memory_space<hbm>>) dst(%arg8 : memref<512xi32, #tpu.memory_space<vmem>>)
      %dma_wait3A_141 = arith.constant 0 : i32
      %dma_wait3A_142 = tpu.memref_slice %arg4[%add3A, %add3A_118, %dma_wait3A_141] : memref<4x321x512xi32, #tpu.memory_space<hbm>> -> memref<1x1x512xi32, #tpu.memory_space<hbm>>
      %dma_wait3A_143 = tpu.memref_squeeze %dma_wait3A_142 : memref<1x1x512xi32, #tpu.memory_space<hbm>> -> memref<512xi32, #tpu.memory_space<hbm>>
      %dma_wait3A_144 = arith.constant 0 : i32
      %dma_wait3A_145 = tpu.memref_slice %arg4[%add3A, %add3A_118, %dma_wait3A_144] : memref<4x321x512xi32, #tpu.memory_space<hbm>> -> memref<1x1x512xi32, #tpu.memory_space<hbm>>
      %dma_wait3A_146 = tpu.memref_squeeze %dma_wait3A_145 : memref<1x1x512xi32, #tpu.memory_space<hbm>> -> memref<512xi32, #tpu.memory_space<hbm>>
      tpu.wait_dma2 semaphore(%arg18 : memref<!tpu.dma_semaphore, #tpu.memory_space<semaphore_mem>>) src(%dma_wait3A_146 : memref<512xi32, #tpu.memory_space<hbm>>) dst(%arg9 : memref<512xi32, #tpu.memory_space<vmem>>)
      %mul3A_147 = arith.constant 2 : i32
      %mul3A_148 = arith.muli %mul3A_147, %scan3A_114 : i32
      %scan3A_149 = arith.constant 0 : i32
      %scan3A_150 = arith.constant 32 : i32
      %scan3A_151 = arith.addi %scan3A_149, %scan3A_150 : i32
      %scan3A_152 = arith.constant 1 : i32
      scf.for %scan3A_195 = %scan3A_149 to %scan3A_151 step %scan3A_152  : i32 {
        %mul3A_196 = arith.constant 16 : i32
        %mul3A_197 = arith.muli %scan3A_195, %mul3A_196 : i32
        %get3A = arith.index_cast %mul3A_197 : i32 to index
        %get3A_198 = tpu.vector_load %arg8[%get3A] {strides = array<i32>} : memref<512xi32, #tpu.memory_space<vmem>>, vector<16xi32>,
        %get3A_199 = arith.index_cast %mul3A_197 : i32 to index
        %get3A_200 = tpu.vector_load %arg9[%get3A_199] {strides = array<i32>} : memref<512xi32, #tpu.memory_space<vmem>>, vector<16xi32>,
        %broadcast_in_dim3A_201 = arith.constant 0.000000e+00 : f32
        %broadcast_in_dim3A_202 = vector.broadcast %broadcast_in_dim3A_201 : f32 to vector<16xf32>
        %broadcast_in_dim3A_203 = arith.constant 0.000000e+00 : f32
        %broadcast_in_dim3A_204 = vector.broadcast %broadcast_in_dim3A_203 : f32 to vector<16xf32>
        %gather3A = tpu.vector_load_idx %arg7[%broadcast_in_dim3A_23, %get3A_198] : memref<8x10240xf32, #tpu.memory_space<vmem>>[vector<16xi32>, vector<16xi32>], vector<16xf32>,
        %gather3A_205 = tpu.vector_load_idx %arg7[%broadcast_in_dim3A_23, %get3A_200] : memref<8x10240xf32, #tpu.memory_space<vmem>>[vector<16xi32>, vector<16xi32>], vector<16xf32>,
        %mul3A_206 = arith.mulf %gather3A, %gather3A_205 : vector<16xf32>
        %add3A_207 = arith.addf %broadcast_in_dim3A_202, %mul3A_206 : vector<16xf32>
        %gather3A_208 = tpu.vector_load_idx %arg7[%broadcast_in_dim3A_25, %get3A_198] : memref<8x10240xf32, #tpu.memory_space<vmem>>[vector<16xi32>, vector<16xi32>], vector<16xf32>,
        %gather3A_209 = tpu.vector_load_idx %arg7[%broadcast_in_dim3A_25, %get3A_200] : memref<8x10240xf32, #tpu.memory_space<vmem>>[vector<16xi32>, vector<16xi32>], vector<16xf32>,
        %mul3A_210 = arith.mulf %gather3A_208, %gather3A_209 : vector<16xf32>
        %add3A_211 = arith.addf %add3A_207, %mul3A_210 : vector<16xf32>
        %gather3A_212 = tpu.vector_load_idx %arg7[%broadcast_in_dim3A_27, %get3A_198] : memref<8x10240xf32, #tpu.memory_space<vmem>>[vector<16xi32>, vector<16xi32>], vector<16xf32>,
        %gather3A_213 = tpu.vector_load_idx %arg7[%broadcast_in_dim3A_27, %get3A_200] : memref<8x10240xf32, #tpu.memory_space<vmem>>[vector<16xi32>, vector<16xi32>], vector<16xf32>,
        %mul3A_214 = arith.mulf %gather3A_212, %gather3A_213 : vector<16xf32>
        %add3A_215 = arith.addf %add3A_211, %mul3A_214 : vector<16xf32>
        %gather3A_216 = tpu.vector_load_idx %arg7[%broadcast_in_dim3A_29, %get3A_198] : memref<8x10240xf32, #tpu.memory_space<vmem>>[vector<16xi32>, vector<16xi32>], vector<16xf32>,
        %gather3A_217 = tpu.vector_load_idx %arg7[%broadcast_in_dim3A_29, %get3A_200] : memref<8x10240xf32, #tpu.memory_space<vmem>>[vector<16xi32>, vector<16xi32>], vector<16xf32>,
        %mul3A_218 = arith.mulf %gather3A_216, %gather3A_217 : vector<16xf32>
        %add3A_219 = arith.addf %add3A_215, %mul3A_218 : vector<16xf32>
        %gather3A_220 = tpu.vector_load_idx %arg7[%broadcast_in_dim3A_31, %get3A_198] : memref<8x10240xf32, #tpu.memory_space<vmem>>[vector<16xi32>, vector<16xi32>], vector<16xf32>,
        %gather3A_221 = tpu.vector_load_idx %arg7[%broadcast_in_dim3A_31, %get3A_200] : memref<8x10240xf32, #tpu.memory_space<vmem>>[vector<16xi32>, vector<16xi32>], vector<16xf32>,
        %mul3A_222 = arith.mulf %gather3A_220, %gather3A_221 : vector<16xf32>
        %add3A_223 = arith.addf %broadcast_in_dim3A_204, %mul3A_222 : vector<16xf32>
        %gather3A_224 = tpu.vector_load_idx %arg7[%broadcast_in_dim3A_33, %get3A_198] : memref<8x10240xf32, #tpu.memory_space<vmem>>[vector<16xi32>, vector<16xi32>], vector<16xf32>,
        %gather3A_225 = tpu.vector_load_idx %arg7[%broadcast_in_dim3A_33, %get3A_200] : memref<8x10240xf32, #tpu.memory_space<vmem>>[vector<16xi32>, vector<16xi32>], vector<16xf32>,
        %mul3A_226 = arith.mulf %gather3A_224, %gather3A_225 : vector<16xf32>
        %add3A_227 = arith.addf %add3A_223, %mul3A_226 : vector<16xf32>
        %gather3A_228 = tpu.vector_load_idx %arg7[%broadcast_in_dim3A_35, %get3A_198] : memref<8x10240xf32, #tpu.memory_space<vmem>>[vector<16xi32>, vector<16xi32>], vector<16xf32>,
        %gather3A_229 = tpu.vector_load_idx %arg7[%broadcast_in_dim3A_35, %get3A_200] : memref<8x10240xf32, #tpu.memory_space<vmem>>[vector<16xi32>, vector<16xi32>], vector<16xf32>,
        %mul3A_230 = arith.mulf %gather3A_228, %gather3A_229 : vector<16xf32>
        %add3A_231 = arith.addf %add3A_227, %mul3A_230 : vector<16xf32>
        %gather3A_232 = tpu.vector_load_idx %arg7[%broadcast_in_dim3A_37, %get3A_198] : memref<8x10240xf32, #tpu.memory_space<vmem>>[vector<16xi32>, vector<16xi32>], vector<16xf32>,
        %gather3A_233 = tpu.vector_load_idx %arg7[%broadcast_in_dim3A_37, %get3A_200] : memref<8x10240xf32, #tpu.memory_space<vmem>>[vector<16xi32>, vector<16xi32>], vector<16xf32>,
        %mul3A_234 = arith.mulf %gather3A_232, %gather3A_233 : vector<16xf32>
        %add3A_235 = arith.addf %add3A_231, %mul3A_234 : vector<16xf32>
        %add3A_236 = arith.addf %add3A_219, %add3A_235 : vector<16xf32>
        %swap3A_237 = arith.index_cast %mul3A_148 : i32 to index
        %swap3A_238 = arith.index_cast %mul3A_197 : i32 to index
        %swap3A_239 = tpu.vector_load %arg13[%swap3A_237, %swap3A_238] {strides = array<i32>} : memref<16x512xf32, #tpu.memory_space<vmem>>, vector<16xf32>,
        tpu.vector_store %arg13[%swap3A_237, %swap3A_238], %add3A_236 {strides = array<i32>} : memref<16x512xf32, #tpu.memory_space<vmem>>, vector<16xf32>,
      }
      %scan3A_153 = arith.constant 32 : i32
      %add3A_154 = arith.constant 2 : i32
      %add3A_155 = arith.addi %add3A_118, %add3A_154 : i32
      %dma_start3A_156 = arith.constant 0 : i32
      %dma_start3A_157 = tpu.memref_slice %arg3[%add3A, %add3A_155, %dma_start3A_156] : memref<4x321x512xi32, #tpu.memory_space<hbm>> -> memref<1x1x512xi32, #tpu.memory_space<hbm>>
      %dma_start3A_158 = tpu.memref_squeeze %dma_start3A_157 : memref<1x1x512xi32, #tpu.memory_space<hbm>> -> memref<512xi32, #tpu.memory_space<hbm>>
      %dma_start3A_159 = arith.constant 0 : i32
      %dma_start3A_160 = tpu.memref_slice %arg3[%add3A, %add3A_155, %dma_start3A_159] : memref<4x321x512xi32, #tpu.memory_space<hbm>> -> memref<1x1x512xi32, #tpu.memory_space<hbm>>
      %dma_start3A_161 = tpu.memref_squeeze %dma_start3A_160 : memref<1x1x512xi32, #tpu.memory_space<hbm>> -> memref<512xi32, #tpu.memory_space<hbm>>
      tpu.enqueue_dma source(%dma_start3A_161 : memref<512xi32, #tpu.memory_space<hbm>>) target(%arg8 : memref<512xi32, #tpu.memory_space<vmem>>) target_semaphore(%arg17 : memref<!tpu.dma_semaphore, #tpu.memory_space<semaphore_mem>>)
      %add3A_162 = arith.constant 2 : i32
      %add3A_163 = arith.addi %add3A_118, %add3A_162 : i32
      %dma_start3A_164 = arith.constant 0 : i32
      %dma_start3A_165 = tpu.memref_slice %arg4[%add3A, %add3A_163, %dma_start3A_164] : memref<4x321x512xi32, #tpu.memory_space<hbm>> -> memref<1x1x512xi32, #tpu.memory_space<hbm>>
      %dma_start3A_166 = tpu.memref_squeeze %dma_start3A_165 : memref<1x1x512xi32, #tpu.memory_space<hbm>> -> memref<512xi32, #tpu.memory_space<hbm>>
      %dma_start3A_167 = arith.constant 0 : i32
      %dma_start3A_168 = tpu.memref_slice %arg4[%add3A, %add3A_163, %dma_start3A_167] : memref<4x321x512xi32, #tpu.memory_space<hbm>> -> memref<1x1x512xi32, #tpu.memory_space<hbm>>
      %dma_start3A_169 = tpu.memref_squeeze %dma_start3A_168 : memref<1x1x512xi32, #tpu.memory_space<hbm>> -> memref<512xi32, #tpu.memory_space<hbm>>
      tpu.enqueue_dma source(%dma_start3A_169 : memref<512xi32, #tpu.memory_space<hbm>>) target(%arg9 : memref<512xi32, #tpu.memory_space<vmem>>) target_semaphore(%arg18 : memref<!tpu.dma_semaphore, #tpu.memory_space<semaphore_mem>>)
      %add3A_170 = arith.constant 1 : i32
      %add3A_171 = arith.addi %add3A_118, %add3A_170 : i32
      %dma_wait3A_172 = arith.constant 0 : i32
      %dma_wait3A_173 = tpu.memref_slice %arg3[%add3A, %add3A_171, %dma_wait3A_172] : memref<4x321x512xi32, #tpu.memory_space<hbm>> -> memref<1x1x512xi32, #tpu.memory_space<hbm>>
      %dma_wait3A_174 = tpu.memref_squeeze %dma_wait3A_173 : memref<1x1x512xi32, #tpu.memory_space<hbm>> -> memref<512xi32, #tpu.memory_space<hbm>>
      %dma_wait3A_175 = arith.constant 0 : i32
      %dma_wait3A_176 = tpu.memref_slice %arg3[%add3A, %add3A_171, %dma_wait3A_175] : memref<4x321x512xi32, #tpu.memory_space<hbm>> -> memref<1x1x512xi32, #tpu.memory_space<hbm>>
      %dma_wait3A_177 = tpu.memref_squeeze %dma_wait3A_176 : memref<1x1x512xi32, #tpu.memory_space<hbm>> -> memref<512xi32, #tpu.memory_space<hbm>>
      tpu.wait_dma2 semaphore(%arg19 : memref<!tpu.dma_semaphore, #tpu.memory_space<semaphore_mem>>) src(%dma_wait3A_177 : memref<512xi32, #tpu.memory_space<hbm>>) dst(%arg10 : memref<512xi32, #tpu.memory_space<vmem>>)
      %add3A_178 = arith.constant 1 : i32
      %add3A_179 = arith.addi %add3A_118, %add3A_178 : i32
      %dma_wait3A_180 = arith.constant 0 : i32
      %dma_wait3A_181 = tpu.memref_slice %arg4[%add3A, %add3A_179, %dma_wait3A_180] : memref<4x321x512xi32, #tpu.memory_space<hbm>> -> memref<1x1x512xi32, #tpu.memory_space<hbm>>
      %dma_wait3A_182 = tpu.memref_squeeze %dma_wait3A_181 : memref<1x1x512xi32, #tpu.memory_space<hbm>> -> memref<512xi32, #tpu.memory_space<hbm>>
      %dma_wait3A_183 = arith.constant 0 : i32
      %dma_wait3A_184 = tpu.memref_slice %arg4[%add3A, %add3A_179, %dma_wait3A_183] : memref<4x321x512xi32, #tpu.memory_space<hbm>> -> memref<1x1x512xi32, #tpu.memory_space<hbm>>
      %dma_wait3A_185 = tpu.memref_squeeze %dma_wait3A_184 : memref<1x1x512xi32, #tpu.memory_space<hbm>> -> memref<512xi32, #tpu.memory_space<hbm>>
      tpu.wait_dma2 semaphore(%arg20 : memref<!tpu.dma_semaphore, #tpu.memory_space<semaphore_mem>>) src(%dma_wait3A_185 : memref<512xi32, #tpu.memory_space<hbm>>) dst(%arg11 : memref<512xi32, #tpu.memory_space<vmem>>)
      %mul3A_186 = arith.constant 2 : i32
      %mul3A_187 = arith.muli %mul3A_186, %scan3A_114 : i32
      %add3A_188 = arith.constant 1 : i32
      %add3A_189 = arith.addi %mul3A_187, %add3A_188 : i32
      %scan3A_190 = arith.constant 0 : i32
      %scan3A_191 = arith.constant 32 : i32
      %scan3A_192 = arith.addi %scan3A_190, %scan3A_191 : i32
      %scan3A_193 = arith.constant 1 : i32
      scf.for %scan3A_195 = %scan3A_190 to %scan3A_192 step %scan3A_193  : i32 {
        %mul3A_196 = arith.constant 16 : i32
        %mul3A_197 = arith.muli %scan3A_195, %mul3A_196 : i32
        %get3A = arith.index_cast %mul3A_197 : i32 to index
        %get3A_198 = tpu.vector_load %arg10[%get3A] {strides = array<i32>} : memref<512xi32, #tpu.memory_space<vmem>>, vector<16xi32>,
        %get3A_199 = arith.index_cast %mul3A_197 : i32 to index
        %get3A_200 = tpu.vector_load %arg11[%get3A_199] {strides = array<i32>} : memref<512xi32, #tpu.memory_space<vmem>>, vector<16xi32>,
        %broadcast_in_dim3A_201 = arith.constant 0.000000e+00 : f32
        %broadcast_in_dim3A_202 = vector.broadcast %broadcast_in_dim3A_201 : f32 to vector<16xf32>
        %broadcast_in_dim3A_203 = arith.constant 0.000000e+00 : f32
        %broadcast_in_dim3A_204 = vector.broadcast %broadcast_in_dim3A_203 : f32 to vector<16xf32>
        %gather3A = tpu.vector_load_idx %arg7[%broadcast_in_dim3A_23, %get3A_198] : memref<8x10240xf32, #tpu.memory_space<vmem>>[vector<16xi32>, vector<16xi32>], vector<16xf32>,
        %gather3A_205 = tpu.vector_load_idx %arg7[%broadcast_in_dim3A_23, %get3A_200] : memref<8x10240xf32, #tpu.memory_space<vmem>>[vector<16xi32>, vector<16xi32>], vector<16xf32>,
        %mul3A_206 = arith.mulf %gather3A, %gather3A_205 : vector<16xf32>
        %add3A_207 = arith.addf %broadcast_in_dim3A_202, %mul3A_206 : vector<16xf32>
        %gather3A_208 = tpu.vector_load_idx %arg7[%broadcast_in_dim3A_25, %get3A_198] : memref<8x10240xf32, #tpu.memory_space<vmem>>[vector<16xi32>, vector<16xi32>], vector<16xf32>,
        %gather3A_209 = tpu.vector_load_idx %arg7[%broadcast_in_dim3A_25, %get3A_200] : memref<8x10240xf32, #tpu.memory_space<vmem>>[vector<16xi32>, vector<16xi32>], vector<16xf32>,
        %mul3A_210 = arith.mulf %gather3A_208, %gather3A_209 : vector<16xf32>
        %add3A_211 = arith.addf %add3A_207, %mul3A_210 : vector<16xf32>
        %gather3A_212 = tpu.vector_load_idx %arg7[%broadcast_in_dim3A_27, %get3A_198] : memref<8x10240xf32, #tpu.memory_space<vmem>>[vector<16xi32>, vector<16xi32>], vector<16xf32>,
        %gather3A_213 = tpu.vector_load_idx %arg7[%broadcast_in_dim3A_27, %get3A_200] : memref<8x10240xf32, #tpu.memory_space<vmem>>[vector<16xi32>, vector<16xi32>], vector<16xf32>,
        %mul3A_214 = arith.mulf %gather3A_212, %gather3A_213 : vector<16xf32>
        %add3A_215 = arith.addf %add3A_211, %mul3A_214 : vector<16xf32>
        %gather3A_216 = tpu.vector_load_idx %arg7[%broadcast_in_dim3A_29, %get3A_198] : memref<8x10240xf32, #tpu.memory_space<vmem>>[vector<16xi32>, vector<16xi32>], vector<16xf32>,
        %gather3A_217 = tpu.vector_load_idx %arg7[%broadcast_in_dim3A_29, %get3A_200] : memref<8x10240xf32, #tpu.memory_space<vmem>>[vector<16xi32>, vector<16xi32>], vector<16xf32>,
        %mul3A_218 = arith.mulf %gather3A_216, %gather3A_217 : vector<16xf32>
        %add3A_219 = arith.addf %add3A_215, %mul3A_218 : vector<16xf32>
        %gather3A_220 = tpu.vector_load_idx %arg7[%broadcast_in_dim3A_31, %get3A_198] : memref<8x10240xf32, #tpu.memory_space<vmem>>[vector<16xi32>, vector<16xi32>], vector<16xf32>,
        %gather3A_221 = tpu.vector_load_idx %arg7[%broadcast_in_dim3A_31, %get3A_200] : memref<8x10240xf32, #tpu.memory_space<vmem>>[vector<16xi32>, vector<16xi32>], vector<16xf32>,
        %mul3A_222 = arith.mulf %gather3A_220, %gather3A_221 : vector<16xf32>
        %add3A_223 = arith.addf %broadcast_in_dim3A_204, %mul3A_222 : vector<16xf32>
        %gather3A_224 = tpu.vector_load_idx %arg7[%broadcast_in_dim3A_33, %get3A_198] : memref<8x10240xf32, #tpu.memory_space<vmem>>[vector<16xi32>, vector<16xi32>], vector<16xf32>,
        %gather3A_225 = tpu.vector_load_idx %arg7[%broadcast_in_dim3A_33, %get3A_200] : memref<8x10240xf32, #tpu.memory_space<vmem>>[vector<16xi32>, vector<16xi32>], vector<16xf32>,
        %mul3A_226 = arith.mulf %gather3A_224, %gather3A_225 : vector<16xf32>
        %add3A_227 = arith.addf %add3A_223, %mul3A_226 : vector<16xf32>
        %gather3A_228 = tpu.vector_load_idx %arg7[%broadcast_in_dim3A_35, %get3A_198] : memref<8x10240xf32, #tpu.memory_space<vmem>>[vector<16xi32>, vector<16xi32>], vector<16xf32>,
        %gather3A_229 = tpu.vector_load_idx %arg7[%broadcast_in_dim3A_35, %get3A_200] : memref<8x10240xf32, #tpu.memory_space<vmem>>[vector<16xi32>, vector<16xi32>], vector<16xf32>,
        %mul3A_230 = arith.mulf %gather3A_228, %gather3A_229 : vector<16xf32>
        %add3A_231 = arith.addf %add3A_227, %mul3A_230 : vector<16xf32>
        %gather3A_232 = tpu.vector_load_idx %arg7[%broadcast_in_dim3A_37, %get3A_198] : memref<8x10240xf32, #tpu.memory_space<vmem>>[vector<16xi32>, vector<16xi32>], vector<16xf32>,
        %gather3A_233 = tpu.vector_load_idx %arg7[%broadcast_in_dim3A_37, %get3A_200] : memref<8x10240xf32, #tpu.memory_space<vmem>>[vector<16xi32>, vector<16xi32>], vector<16xf32>,
        %mul3A_234 = arith.mulf %gather3A_232, %gather3A_233 : vector<16xf32>
        %add3A_235 = arith.addf %add3A_231, %mul3A_234 : vector<16xf32>
        %add3A_236 = arith.addf %add3A_219, %add3A_235 : vector<16xf32>
        %swap3A_237 = arith.index_cast %add3A_189 : i32 to index
        %swap3A_238 = arith.index_cast %mul3A_197 : i32 to index
        %swap3A_239 = tpu.vector_load %arg13[%swap3A_237, %swap3A_238] {strides = array<i32>} : memref<16x512xf32, #tpu.memory_space<vmem>>, vector<16xf32>,
        tpu.vector_store %arg13[%swap3A_237, %swap3A_238], %add3A_236 {strides = array<i32>} : memref<16x512xf32, #tpu.memory_space<vmem>>, vector<16xf32>,
      }
      %scan3A_194 = arith.constant 32 : i32
    }
    %scan3A_69 = arith.constant 8 : i32
    %iota3A_70 = tpu.iota {dimensions = array<i32: 0>} : vector<16xi32>
    %mul3A_71 = arith.constant 320 : i32
    %mul3A_72 = arith.muli %select_n3A, %mul3A_71 : i32
    %add3A_73 = arith.constant 16 : i32
    %add3A_74 = arith.addi %mul3A_72, %add3A_73 : i32
    %add3A_75 = vector.broadcast %add3A_74 : i32 to vector<16xi32>
    %add3A_76 = arith.addi %iota3A_70, %add3A_75 : vector<16xi32>
    %swap3A_77 = arith.constant 0 : index
    %swap3A_78 = tpu.vector_load %arg15[%swap3A_77] {strides = array<i32>} : memref<16xi32, #tpu.memory_space<vmem>>, vector<16xi32>,
    tpu.vector_store %arg15[%swap3A_77], %add3A_76 {strides = array<i32>} : memref<16xi32, #tpu.memory_space<vmem>>, vector<16xi32>,
    %dma_start3A_79 = arith.constant 0 : i32
    %dma_start3A_80 = arith.constant 0 : i32
    %dma_start3A_81 = tpu.memref_slice %arg16[%dma_start3A_79, %dma_start3A_80] : memref<640x512xf32, #tpu.memory_space<vmem_shared>> -> memref<640x512xf32, #tpu.memory_space<vmem_shared>>
    tpu.enqueue_indirect_dma source(%arg13 : memref<16x512xf32, #tpu.memory_space<vmem>>) target(%dma_start3A_81 : memref<640x512xf32, #tpu.memory_space<vmem_shared>>) offsets(%arg15 : memref<16xi32, #tpu.memory_space<vmem>>) semaphore(%arg22 : memref<!tpu.dma_semaphore, #tpu.memory_space<semaphore_mem>>) {add = true}
    %scan3A_82 = arith.constant 1 : i32
    %scan3A_83 = arith.constant 9 : i32
    %scan3A_84 = arith.addi %scan3A_82, %scan3A_83 : i32
    %scan3A_85 = arith.constant 1 : i32
    scf.for %scan3A_114 = %scan3A_82 to %scan3A_84 step %scan3A_85  : i32 {
      %mul3A_115 = arith.constant 2 : i32
      %mul3A_116 = arith.muli %mul3A_115, %scan3A_114 : i32
      %dma_wait3A_117 = arith.constant 0 : i32
      %dma_wait3A_118 = arith.constant 0 : i32
      %dma_wait3A_119 = tpu.memref_slice %arg16[%dma_wait3A_117, %dma_wait3A_118] : memref<640x512xf32, #tpu.memory_space<vmem_shared>> -> memref<640x512xf32, #tpu.memory_space<vmem_shared>>
      tpu.wait_indirect_dma semaphore(%arg21 : memref<!tpu.dma_semaphore, #tpu.memory_space<semaphore_mem>>) src(%arg12 : memref<16x512xf32, #tpu.memory_space<vmem>>) dst(%dma_wait3A_119 : memref<640x512xf32, #tpu.memory_space<vmem_shared>>)
      %scan3A_120 = arith.constant 0 : i32
      %scan3A_121 = arith.constant 8 : i32
      %scan3A_122 = arith.addi %scan3A_120, %scan3A_121 : i32
      %scan3A_123 = arith.constant 1 : i32
      scf.for %scan3A_163 = %scan3A_120 to %scan3A_122 step %scan3A_123  : i32 {
        %mul3A_164 = arith.constant 16 : i32
        %mul3A_165 = arith.muli %mul3A_116, %mul3A_164 : i32
        %mul3A_166 = arith.constant 2 : i32
        %mul3A_167 = arith.muli %mul3A_166, %scan3A_163 : i32
        %add3A_168 = arith.addi %mul3A_165, %mul3A_167 : i32
        %add3A_169 = arith.constant 1 : i32
        %add3A_170 = arith.addi %add3A_168, %add3A_169 : i32
        %dma_start3A_171 = arith.constant 0 : i32
        %dma_start3A_172 = tpu.memref_slice %arg3[%add3A, %add3A_170, %dma_start3A_171] : memref<4x321x512xi32, #tpu.memory_space<hbm>> -> memref<1x1x512xi32, #tpu.memory_space<hbm>>
        %dma_start3A_173 = tpu.memref_squeeze %dma_start3A_172 : memref<1x1x512xi32, #tpu.memory_space<hbm>> -> memref<512xi32, #tpu.memory_space<hbm>>
        %dma_start3A_174 = arith.constant 0 : i32
        %dma_start3A_175 = tpu.memref_slice %arg3[%add3A, %add3A_170, %dma_start3A_174] : memref<4x321x512xi32, #tpu.memory_space<hbm>> -> memref<1x1x512xi32, #tpu.memory_space<hbm>>
        %dma_start3A_176 = tpu.memref_squeeze %dma_start3A_175 : memref<1x1x512xi32, #tpu.memory_space<hbm>> -> memref<512xi32, #tpu.memory_space<hbm>>
        tpu.enqueue_dma source(%dma_start3A_176 : memref<512xi32, #tpu.memory_space<hbm>>) target(%arg10 : memref<512xi32, #tpu.memory_space<vmem>>) target_semaphore(%arg19 : memref<!tpu.dma_semaphore, #tpu.memory_space<semaphore_mem>>)
        %add3A_177 = arith.constant 1 : i32
        %add3A_178 = arith.addi %add3A_168, %add3A_177 : i32
        %dma_start3A_179 = arith.constant 0 : i32
        %dma_start3A_180 = tpu.memref_slice %arg4[%add3A, %add3A_178, %dma_start3A_179] : memref<4x321x512xi32, #tpu.memory_space<hbm>> -> memref<1x1x512xi32, #tpu.memory_space<hbm>>
        %dma_start3A_181 = tpu.memref_squeeze %dma_start3A_180 : memref<1x1x512xi32, #tpu.memory_space<hbm>> -> memref<512xi32, #tpu.memory_space<hbm>>
        %dma_start3A_182 = arith.constant 0 : i32
        %dma_start3A_183 = tpu.memref_slice %arg4[%add3A, %add3A_178, %dma_start3A_182] : memref<4x321x512xi32, #tpu.memory_space<hbm>> -> memref<1x1x512xi32, #tpu.memory_space<hbm>>
        %dma_start3A_184 = tpu.memref_squeeze %dma_start3A_183 : memref<1x1x512xi32, #tpu.memory_space<hbm>> -> memref<512xi32, #tpu.memory_space<hbm>>
        tpu.enqueue_dma source(%dma_start3A_184 : memref<512xi32, #tpu.memory_space<hbm>>) target(%arg11 : memref<512xi32, #tpu.memory_space<vmem>>) target_semaphore(%arg20 : memref<!tpu.dma_semaphore, #tpu.memory_space<semaphore_mem>>)
        %dma_wait3A_185 = arith.constant 0 : i32
        %dma_wait3A_186 = tpu.memref_slice %arg3[%add3A, %add3A_168, %dma_wait3A_185] : memref<4x321x512xi32, #tpu.memory_space<hbm>> -> memref<1x1x512xi32, #tpu.memory_space<hbm>>
        %dma_wait3A_187 = tpu.memref_squeeze %dma_wait3A_186 : memref<1x1x512xi32, #tpu.memory_space<hbm>> -> memref<512xi32, #tpu.memory_space<hbm>>
        %dma_wait3A_188 = arith.constant 0 : i32
        %dma_wait3A_189 = tpu.memref_slice %arg3[%add3A, %add3A_168, %dma_wait3A_188] : memref<4x321x512xi32, #tpu.memory_space<hbm>> -> memref<1x1x512xi32, #tpu.memory_space<hbm>>
        %dma_wait3A_190 = tpu.memref_squeeze %dma_wait3A_189 : memref<1x1x512xi32, #tpu.memory_space<hbm>> -> memref<512xi32, #tpu.memory_space<hbm>>
        tpu.wait_dma2 semaphore(%arg17 : memref<!tpu.dma_semaphore, #tpu.memory_space<semaphore_mem>>) src(%dma_wait3A_190 : memref<512xi32, #tpu.memory_space<hbm>>) dst(%arg8 : memref<512xi32, #tpu.memory_space<vmem>>)
        %dma_wait3A_191 = arith.constant 0 : i32
        %dma_wait3A_192 = tpu.memref_slice %arg4[%add3A, %add3A_168, %dma_wait3A_191] : memref<4x321x512xi32, #tpu.memory_space<hbm>> -> memref<1x1x512xi32, #tpu.memory_space<hbm>>
        %dma_wait3A_193 = tpu.memref_squeeze %dma_wait3A_192 : memref<1x1x512xi32, #tpu.memory_space<hbm>> -> memref<512xi32, #tpu.memory_space<hbm>>
        %dma_wait3A_194 = arith.constant 0 : i32
        %dma_wait3A_195 = tpu.memref_slice %arg4[%add3A, %add3A_168, %dma_wait3A_194] : memref<4x321x512xi32, #tpu.memory_space<hbm>> -> memref<1x1x512xi32, #tpu.memory_space<hbm>>
        %dma_wait3A_196 = tpu.memref_squeeze %dma_wait3A_195 : memref<1x1x512xi32, #tpu.memory_space<hbm>> -> memref<512xi32, #tpu.memory_space<hbm>>
        tpu.wait_dma2 semaphore(%arg18 : memref<!tpu.dma_semaphore, #tpu.memory_space<semaphore_mem>>) src(%dma_wait3A_196 : memref<512xi32, #tpu.memory_space<hbm>>) dst(%arg9 : memref<512xi32, #tpu.memory_space<vmem>>)
        %mul3A_197 = arith.constant 2 : i32
        %mul3A_198 = arith.muli %mul3A_197, %scan3A_163 : i32
        %scan3A_199 = arith.constant 0 : i32
        %scan3A_200 = arith.constant 32 : i32
        %scan3A_201 = arith.addi %scan3A_199, %scan3A_200 : i32
        %scan3A_202 = arith.constant 1 : i32
        scf.for %scan3A_245 = %scan3A_199 to %scan3A_201 step %scan3A_202  : i32 {
          %mul3A_246 = arith.constant 16 : i32
          %mul3A_247 = arith.muli %scan3A_245, %mul3A_246 : i32
          %get3A = arith.index_cast %mul3A_247 : i32 to index
          %get3A_248 = tpu.vector_load %arg8[%get3A] {strides = array<i32>} : memref<512xi32, #tpu.memory_space<vmem>>, vector<16xi32>,
          %get3A_249 = arith.index_cast %mul3A_247 : i32 to index
          %get3A_250 = tpu.vector_load %arg9[%get3A_249] {strides = array<i32>} : memref<512xi32, #tpu.memory_space<vmem>>, vector<16xi32>,
          %broadcast_in_dim3A_251 = arith.constant 0.000000e+00 : f32
          %broadcast_in_dim3A_252 = vector.broadcast %broadcast_in_dim3A_251 : f32 to vector<16xf32>
          %broadcast_in_dim3A_253 = arith.constant 0.000000e+00 : f32
          %broadcast_in_dim3A_254 = vector.broadcast %broadcast_in_dim3A_253 : f32 to vector<16xf32>
          %gather3A = tpu.vector_load_idx %arg7[%broadcast_in_dim3A_23, %get3A_248] : memref<8x10240xf32, #tpu.memory_space<vmem>>[vector<16xi32>, vector<16xi32>], vector<16xf32>,
          %gather3A_255 = tpu.vector_load_idx %arg7[%broadcast_in_dim3A_23, %get3A_250] : memref<8x10240xf32, #tpu.memory_space<vmem>>[vector<16xi32>, vector<16xi32>], vector<16xf32>,
          %mul3A_256 = arith.mulf %gather3A, %gather3A_255 : vector<16xf32>
          %add3A_257 = arith.addf %broadcast_in_dim3A_252, %mul3A_256 : vector<16xf32>
          %gather3A_258 = tpu.vector_load_idx %arg7[%broadcast_in_dim3A_25, %get3A_248] : memref<8x10240xf32, #tpu.memory_space<vmem>>[vector<16xi32>, vector<16xi32>], vector<16xf32>,
          %gather3A_259 = tpu.vector_load_idx %arg7[%broadcast_in_dim3A_25, %get3A_250] : memref<8x10240xf32, #tpu.memory_space<vmem>>[vector<16xi32>, vector<16xi32>], vector<16xf32>,
          %mul3A_260 = arith.mulf %gather3A_258, %gather3A_259 : vector<16xf32>
          %add3A_261 = arith.addf %add3A_257, %mul3A_260 : vector<16xf32>
          %gather3A_262 = tpu.vector_load_idx %arg7[%broadcast_in_dim3A_27, %get3A_248] : memref<8x10240xf32, #tpu.memory_space<vmem>>[vector<16xi32>, vector<16xi32>], vector<16xf32>,
          %gather3A_263 = tpu.vector_load_idx %arg7[%broadcast_in_dim3A_27, %get3A_250] : memref<8x10240xf32, #tpu.memory_space<vmem>>[vector<16xi32>, vector<16xi32>], vector<16xf32>,
          %mul3A_264 = arith.mulf %gather3A_262, %gather3A_263 : vector<16xf32>
          %add3A_265 = arith.addf %add3A_261, %mul3A_264 : vector<16xf32>
          %gather3A_266 = tpu.vector_load_idx %arg7[%broadcast_in_dim3A_29, %get3A_248] : memref<8x10240xf32, #tpu.memory_space<vmem>>[vector<16xi32>, vector<16xi32>], vector<16xf32>,
          %gather3A_267 = tpu.vector_load_idx %arg7[%broadcast_in_dim3A_29, %get3A_250] : memref<8x10240xf32, #tpu.memory_space<vmem>>[vector<16xi32>, vector<16xi32>], vector<16xf32>,
          %mul3A_268 = arith.mulf %gather3A_266, %gather3A_267 : vector<16xf32>
          %add3A_269 = arith.addf %add3A_265, %mul3A_268 : vector<16xf32>
          %gather3A_270 = tpu.vector_load_idx %arg7[%broadcast_in_dim3A_31, %get3A_248] : memref<8x10240xf32, #tpu.memory_space<vmem>>[vector<16xi32>, vector<16xi32>], vector<16xf32>,
          %gather3A_271 = tpu.vector_load_idx %arg7[%broadcast_in_dim3A_31, %get3A_250] : memref<8x10240xf32, #tpu.memory_space<vmem>>[vector<16xi32>, vector<16xi32>], vector<16xf32>,
          %mul3A_272 = arith.mulf %gather3A_270, %gather3A_271 : vector<16xf32>
          %add3A_273 = arith.addf %broadcast_in_dim3A_254, %mul3A_272 : vector<16xf32>
          %gather3A_274 = tpu.vector_load_idx %arg7[%broadcast_in_dim3A_33, %get3A_248] : memref<8x10240xf32, #tpu.memory_space<vmem>>[vector<16xi32>, vector<16xi32>], vector<16xf32>,
          %gather3A_275 = tpu.vector_load_idx %arg7[%broadcast_in_dim3A_33, %get3A_250] : memref<8x10240xf32, #tpu.memory_space<vmem>>[vector<16xi32>, vector<16xi32>], vector<16xf32>,
          %mul3A_276 = arith.mulf %gather3A_274, %gather3A_275 : vector<16xf32>
          %add3A_277 = arith.addf %add3A_273, %mul3A_276 : vector<16xf32>
          %gather3A_278 = tpu.vector_load_idx %arg7[%broadcast_in_dim3A_35, %get3A_248] : memref<8x10240xf32, #tpu.memory_space<vmem>>[vector<16xi32>, vector<16xi32>], vector<16xf32>,
          %gather3A_279 = tpu.vector_load_idx %arg7[%broadcast_in_dim3A_35, %get3A_250] : memref<8x10240xf32, #tpu.memory_space<vmem>>[vector<16xi32>, vector<16xi32>], vector<16xf32>,
          %mul3A_280 = arith.mulf %gather3A_278, %gather3A_279 : vector<16xf32>
          %add3A_281 = arith.addf %add3A_277, %mul3A_280 : vector<16xf32>
          %gather3A_282 = tpu.vector_load_idx %arg7[%broadcast_in_dim3A_37, %get3A_248] : memref<8x10240xf32, #tpu.memory_space<vmem>>[vector<16xi32>, vector<16xi32>], vector<16xf32>,
          %gather3A_283 = tpu.vector_load_idx %arg7[%broadcast_in_dim3A_37, %get3A_250] : memref<8x10240xf32, #tpu.memory_space<vmem>>[vector<16xi32>, vector<16xi32>], vector<16xf32>,
          %mul3A_284 = arith.mulf %gather3A_282, %gather3A_283 : vector<16xf32>
          %add3A_285 = arith.addf %add3A_281, %mul3A_284 : vector<16xf32>
          %add3A_286 = arith.addf %add3A_269, %add3A_285 : vector<16xf32>
          %swap3A_287 = arith.index_cast %mul3A_198 : i32 to index
          %swap3A_288 = arith.index_cast %mul3A_247 : i32 to index
          %swap3A_289 = tpu.vector_load %arg12[%swap3A_287, %swap3A_288] {strides = array<i32>} : memref<16x512xf32, #tpu.memory_space<vmem>>, vector<16xf32>,
          tpu.vector_store %arg12[%swap3A_287, %swap3A_288], %add3A_286 {strides = array<i32>} : memref<16x512xf32, #tpu.memory_space<vmem>>, vector<16xf32>,
        }
        %scan3A_203 = arith.constant 32 : i32
        %add3A_204 = arith.constant 2 : i32
        %add3A_205 = arith.addi %add3A_168, %add3A_204 : i32
        %dma_start3A_206 = arith.constant 0 : i32
        %dma_start3A_207 = tpu.memref_slice %arg3[%add3A, %add3A_205, %dma_start3A_206] : memref<4x321x512xi32, #tpu.memory_space<hbm>> -> memref<1x1x512xi32, #tpu.memory_space<hbm>>
        %dma_start3A_208 = tpu.memref_squeeze %dma_start3A_207 : memref<1x1x512xi32, #tpu.memory_space<hbm>> -> memref<512xi32, #tpu.memory_space<hbm>>
        %dma_start3A_209 = arith.constant 0 : i32
        %dma_start3A_210 = tpu.memref_slice %arg3[%add3A, %add3A_205, %dma_start3A_209] : memref<4x321x512xi32, #tpu.memory_space<hbm>> -> memref<1x1x512xi32, #tpu.memory_space<hbm>>
        %dma_start3A_211 = tpu.memref_squeeze %dma_start3A_210 : memref<1x1x512xi32, #tpu.memory_space<hbm>> -> memref<512xi32, #tpu.memory_space<hbm>>
        tpu.enqueue_dma source(%dma_start3A_211 : memref<512xi32, #tpu.memory_space<hbm>>) target(%arg8 : memref<512xi32, #tpu.memory_space<vmem>>) target_semaphore(%arg17 : memref<!tpu.dma_semaphore, #tpu.memory_space<semaphore_mem>>)
        %add3A_212 = arith.constant 2 : i32
        %add3A_213 = arith.addi %add3A_168, %add3A_212 : i32
        %dma_start3A_214 = arith.constant 0 : i32
        %dma_start3A_215 = tpu.memref_slice %arg4[%add3A, %add3A_213, %dma_start3A_214] : memref<4x321x512xi32, #tpu.memory_space<hbm>> -> memref<1x1x512xi32, #tpu.memory_space<hbm>>
        %dma_start3A_216 = tpu.memref_squeeze %dma_start3A_215 : memref<1x1x512xi32, #tpu.memory_space<hbm>> -> memref<512xi32, #tpu.memory_space<hbm>>
        %dma_start3A_217 = arith.constant 0 : i32
        %dma_start3A_218 = tpu.memref_slice %arg4[%add3A, %add3A_213, %dma_start3A_217] : memref<4x321x512xi32, #tpu.memory_space<hbm>> -> memref<1x1x512xi32, #tpu.memory_space<hbm>>
        %dma_start3A_219 = tpu.memref_squeeze %dma_start3A_218 : memref<1x1x512xi32, #tpu.memory_space<hbm>> -> memref<512xi32, #tpu.memory_space<hbm>>
        tpu.enqueue_dma source(%dma_start3A_219 : memref<512xi32, #tpu.memory_space<hbm>>) target(%arg9 : memref<512xi32, #tpu.memory_space<vmem>>) target_semaphore(%arg18 : memref<!tpu.dma_semaphore, #tpu.memory_space<semaphore_mem>>)
        %add3A_220 = arith.constant 1 : i32
        %add3A_221 = arith.addi %add3A_168, %add3A_220 : i32
        %dma_wait3A_222 = arith.constant 0 : i32
        %dma_wait3A_223 = tpu.memref_slice %arg3[%add3A, %add3A_221, %dma_wait3A_222] : memref<4x321x512xi32, #tpu.memory_space<hbm>> -> memref<1x1x512xi32, #tpu.memory_space<hbm>>
        %dma_wait3A_224 = tpu.memref_squeeze %dma_wait3A_223 : memref<1x1x512xi32, #tpu.memory_space<hbm>> -> memref<512xi32, #tpu.memory_space<hbm>>
        %dma_wait3A_225 = arith.constant 0 : i32
        %dma_wait3A_226 = tpu.memref_slice %arg3[%add3A, %add3A_221, %dma_wait3A_225] : memref<4x321x512xi32, #tpu.memory_space<hbm>> -> memref<1x1x512xi32, #tpu.memory_space<hbm>>
        %dma_wait3A_227 = tpu.memref_squeeze %dma_wait3A_226 : memref<1x1x512xi32, #tpu.memory_space<hbm>> -> memref<512xi32, #tpu.memory_space<hbm>>
        tpu.wait_dma2 semaphore(%arg19 : memref<!tpu.dma_semaphore, #tpu.memory_space<semaphore_mem>>) src(%dma_wait3A_227 : memref<512xi32, #tpu.memory_space<hbm>>) dst(%arg10 : memref<512xi32, #tpu.memory_space<vmem>>)
        %add3A_228 = arith.constant 1 : i32
        %add3A_229 = arith.addi %add3A_168, %add3A_228 : i32
        %dma_wait3A_230 = arith.constant 0 : i32
        %dma_wait3A_231 = tpu.memref_slice %arg4[%add3A, %add3A_229, %dma_wait3A_230] : memref<4x321x512xi32, #tpu.memory_space<hbm>> -> memref<1x1x512xi32, #tpu.memory_space<hbm>>
        %dma_wait3A_232 = tpu.memref_squeeze %dma_wait3A_231 : memref<1x1x512xi32, #tpu.memory_space<hbm>> -> memref<512xi32, #tpu.memory_space<hbm>>
        %dma_wait3A_233 = arith.constant 0 : i32
        %dma_wait3A_234 = tpu.memref_slice %arg4[%add3A, %add3A_229, %dma_wait3A_233] : memref<4x321x512xi32, #tpu.memory_space<hbm>> -> memref<1x1x512xi32, #tpu.memory_space<hbm>>
        %dma_wait3A_235 = tpu.memref_squeeze %dma_wait3A_234 : memref<1x1x512xi32, #tpu.memory_space<hbm>> -> memref<512xi32, #tpu.memory_space<hbm>>
        tpu.wait_dma2 semaphore(%arg20 : memref<!tpu.dma_semaphore, #tpu.memory_space<semaphore_mem>>) src(%dma_wait3A_235 : memref<512xi32, #tpu.memory_space<hbm>>) dst(%arg11 : memref<512xi32, #tpu.memory_space<vmem>>)
        %mul3A_236 = arith.constant 2 : i32
        %mul3A_237 = arith.muli %mul3A_236, %scan3A_163 : i32
        %add3A_238 = arith.constant 1 : i32
        %add3A_239 = arith.addi %mul3A_237, %add3A_238 : i32
        %scan3A_240 = arith.constant 0 : i32
        %scan3A_241 = arith.constant 32 : i32
        %scan3A_242 = arith.addi %scan3A_240, %scan3A_241 : i32
        %scan3A_243 = arith.constant 1 : i32
        scf.for %scan3A_245 = %scan3A_240 to %scan3A_242 step %scan3A_243  : i32 {
          %mul3A_246 = arith.constant 16 : i32
          %mul3A_247 = arith.muli %scan3A_245, %mul3A_246 : i32
          %get3A = arith.index_cast %mul3A_247 : i32 to index
          %get3A_248 = tpu.vector_load %arg10[%get3A] {strides = array<i32>} : memref<512xi32, #tpu.memory_space<vmem>>, vector<16xi32>,
          %get3A_249 = arith.index_cast %mul3A_247 : i32 to index
          %get3A_250 = tpu.vector_load %arg11[%get3A_249] {strides = array<i32>} : memref<512xi32, #tpu.memory_space<vmem>>, vector<16xi32>,
          %broadcast_in_dim3A_251 = arith.constant 0.000000e+00 : f32
          %broadcast_in_dim3A_252 = vector.broadcast %broadcast_in_dim3A_251 : f32 to vector<16xf32>
          %broadcast_in_dim3A_253 = arith.constant 0.000000e+00 : f32
          %broadcast_in_dim3A_254 = vector.broadcast %broadcast_in_dim3A_253 : f32 to vector<16xf32>
          %gather3A = tpu.vector_load_idx %arg7[%broadcast_in_dim3A_23, %get3A_248] : memref<8x10240xf32, #tpu.memory_space<vmem>>[vector<16xi32>, vector<16xi32>], vector<16xf32>,
          %gather3A_255 = tpu.vector_load_idx %arg7[%broadcast_in_dim3A_23, %get3A_250] : memref<8x10240xf32, #tpu.memory_space<vmem>>[vector<16xi32>, vector<16xi32>], vector<16xf32>,
          %mul3A_256 = arith.mulf %gather3A, %gather3A_255 : vector<16xf32>
          %add3A_257 = arith.addf %broadcast_in_dim3A_252, %mul3A_256 : vector<16xf32>
          %gather3A_258 = tpu.vector_load_idx %arg7[%broadcast_in_dim3A_25, %get3A_248] : memref<8x10240xf32, #tpu.memory_space<vmem>>[vector<16xi32>, vector<16xi32>], vector<16xf32>,
          %gather3A_259 = tpu.vector_load_idx %arg7[%broadcast_in_dim3A_25, %get3A_250] : memref<8x10240xf32, #tpu.memory_space<vmem>>[vector<16xi32>, vector<16xi32>], vector<16xf32>,
          %mul3A_260 = arith.mulf %gather3A_258, %gather3A_259 : vector<16xf32>
          %add3A_261 = arith.addf %add3A_257, %mul3A_260 : vector<16xf32>
          %gather3A_262 = tpu.vector_load_idx %arg7[%broadcast_in_dim3A_27, %get3A_248] : memref<8x10240xf32, #tpu.memory_space<vmem>>[vector<16xi32>, vector<16xi32>], vector<16xf32>,
          %gather3A_263 = tpu.vector_load_idx %arg7[%broadcast_in_dim3A_27, %get3A_250] : memref<8x10240xf32, #tpu.memory_space<vmem>>[vector<16xi32>, vector<16xi32>], vector<16xf32>,
          %mul3A_264 = arith.mulf %gather3A_262, %gather3A_263 : vector<16xf32>
          %add3A_265 = arith.addf %add3A_261, %mul3A_264 : vector<16xf32>
          %gather3A_266 = tpu.vector_load_idx %arg7[%broadcast_in_dim3A_29, %get3A_248] : memref<8x10240xf32, #tpu.memory_space<vmem>>[vector<16xi32>, vector<16xi32>], vector<16xf32>,
          %gather3A_267 = tpu.vector_load_idx %arg7[%broadcast_in_dim3A_29, %get3A_250] : memref<8x10240xf32, #tpu.memory_space<vmem>>[vector<16xi32>, vector<16xi32>], vector<16xf32>,
          %mul3A_268 = arith.mulf %gather3A_266, %gather3A_267 : vector<16xf32>
          %add3A_269 = arith.addf %add3A_265, %mul3A_268 : vector<16xf32>
          %gather3A_270 = tpu.vector_load_idx %arg7[%broadcast_in_dim3A_31, %get3A_248] : memref<8x10240xf32, #tpu.memory_space<vmem>>[vector<16xi32>, vector<16xi32>], vector<16xf32>,
          %gather3A_271 = tpu.vector_load_idx %arg7[%broadcast_in_dim3A_31, %get3A_250] : memref<8x10240xf32, #tpu.memory_space<vmem>>[vector<16xi32>, vector<16xi32>], vector<16xf32>,
          %mul3A_272 = arith.mulf %gather3A_270, %gather3A_271 : vector<16xf32>
          %add3A_273 = arith.addf %broadcast_in_dim3A_254, %mul3A_272 : vector<16xf32>
          %gather3A_274 = tpu.vector_load_idx %arg7[%broadcast_in_dim3A_33, %get3A_248] : memref<8x10240xf32, #tpu.memory_space<vmem>>[vector<16xi32>, vector<16xi32>], vector<16xf32>,
          %gather3A_275 = tpu.vector_load_idx %arg7[%broadcast_in_dim3A_33, %get3A_250] : memref<8x10240xf32, #tpu.memory_space<vmem>>[vector<16xi32>, vector<16xi32>], vector<16xf32>,
          %mul3A_276 = arith.mulf %gather3A_274, %gather3A_275 : vector<16xf32>
          %add3A_277 = arith.addf %add3A_273, %mul3A_276 : vector<16xf32>
          %gather3A_278 = tpu.vector_load_idx %arg7[%broadcast_in_dim3A_35, %get3A_248] : memref<8x10240xf32, #tpu.memory_space<vmem>>[vector<16xi32>, vector<16xi32>], vector<16xf32>,
          %gather3A_279 = tpu.vector_load_idx %arg7[%broadcast_in_dim3A_35, %get3A_250] : memref<8x10240xf32, #tpu.memory_space<vmem>>[vector<16xi32>, vector<16xi32>], vector<16xf32>,
          %mul3A_280 = arith.mulf %gather3A_278, %gather3A_279 : vector<16xf32>
          %add3A_281 = arith.addf %add3A_277, %mul3A_280 : vector<16xf32>
          %gather3A_282 = tpu.vector_load_idx %arg7[%broadcast_in_dim3A_37, %get3A_248] : memref<8x10240xf32, #tpu.memory_space<vmem>>[vector<16xi32>, vector<16xi32>], vector<16xf32>,
          %gather3A_283 = tpu.vector_load_idx %arg7[%broadcast_in_dim3A_37, %get3A_250] : memref<8x10240xf32, #tpu.memory_space<vmem>>[vector<16xi32>, vector<16xi32>], vector<16xf32>,
          %mul3A_284 = arith.mulf %gather3A_282, %gather3A_283 : vector<16xf32>
          %add3A_285 = arith.addf %add3A_281, %mul3A_284 : vector<16xf32>
          %add3A_286 = arith.addf %add3A_269, %add3A_285 : vector<16xf32>
          %swap3A_287 = arith.index_cast %add3A_239 : i32 to index
          %swap3A_288 = arith.index_cast %mul3A_247 : i32 to index
          %swap3A_289 = tpu.vector_load %arg12[%swap3A_287, %swap3A_288] {strides = array<i32>} : memref<16x512xf32, #tpu.memory_space<vmem>>, vector<16xf32>,
          tpu.vector_store %arg12[%swap3A_287, %swap3A_288], %add3A_286 {strides = array<i32>} : memref<16x512xf32, #tpu.memory_space<vmem>>, vector<16xf32>,
        }
        %scan3A_244 = arith.constant 32 : i32
      }
      %scan3A_124 = arith.constant 8 : i32
      %iota3A_125 = tpu.iota {dimensions = array<i32: 0>} : vector<16xi32>
      %mul3A_126 = arith.constant 320 : i32
      %mul3A_127 = arith.muli %select_n3A, %mul3A_126 : i32
      %mul3A_128 = arith.constant 16 : i32
      %mul3A_129 = arith.muli %mul3A_116, %mul3A_128 : i32
      %add3A_130 = arith.addi %mul3A_127, %mul3A_129 : i32
      %add3A_131 = vector.broadcast %add3A_130 : i32 to vector<16xi32>
      %add3A_132 = arith.addi %iota3A_125, %add3A_131 : vector<16xi32>
      %swap3A_133 = arith.constant 0 : index
      %swap3A_134 = tpu.vector_load %arg14[%swap3A_133] {strides = array<i32>} : memref<16xi32, #tpu.memory_space<vmem>>, vector<16xi32>,
      tpu.vector_store %arg14[%swap3A_133], %add3A_132 {strides = array<i32>} : memref<16xi32, #tpu.memory_space<vmem>>, vector<16xi32>,
      %dma_start3A_135 = arith.constant 0 : i32
      %dma_start3A_136 = arith.constant 0 : i32
      %dma_start3A_137 = tpu.memref_slice %arg16[%dma_start3A_135, %dma_start3A_136] : memref<640x512xf32, #tpu.memory_space<vmem_shared>> -> memref<640x512xf32, #tpu.memory_space<vmem_shared>>
      tpu.enqueue_indirect_dma source(%arg12 : memref<16x512xf32, #tpu.memory_space<vmem>>) target(%dma_start3A_137 : memref<640x512xf32, #tpu.memory_space<vmem_shared>>) offsets(%arg14 : memref<16xi32, #tpu.memory_space<vmem>>) semaphore(%arg21 : memref<!tpu.dma_semaphore, #tpu.memory_space<semaphore_mem>>) {add = true}
      %mul3A_138 = arith.constant 2 : i32
      %mul3A_139 = arith.muli %mul3A_138, %scan3A_114 : i32
      %add3A_140 = arith.constant 1 : i32
      %add3A_141 = arith.addi %mul3A_139, %add3A_140 : i32
      %dma_wait3A_142 = arith.constant 0 : i32
      %dma_wait3A_143 = arith.constant 0 : i32
      %dma_wait3A_144 = tpu.memref_slice %arg16[%dma_wait3A_142, %dma_wait3A_143] : memref<640x512xf32, #tpu.memory_space<vmem_shared>> -> memref<640x512xf32, #tpu.memory_space<vmem_shared>>
      tpu.wait_indirect_dma semaphore(%arg22 : memref<!tpu.dma_semaphore, #tpu.memory_space<semaphore_mem>>) src(%arg13 : memref<16x512xf32, #tpu.memory_space<vmem>>) dst(%dma_wait3A_144 : memref<640x512xf32, #tpu.memory_space<vmem_shared>>)
      %scan3A_145 = arith.constant 0 : i32
      %scan3A_146 = arith.constant 8 : i32
      %scan3A_147 = arith.addi %scan3A_145, %scan3A_146 : i32
      %scan3A_148 = arith.constant 1 : i32
      scf.for %scan3A_163 = %scan3A_145 to %scan3A_147 step %scan3A_148  : i32 {
        %mul3A_164 = arith.constant 16 : i32
        %mul3A_165 = arith.muli %add3A_141, %mul3A_164 : i32
        %mul3A_166 = arith.constant 2 : i32
        %mul3A_167 = arith.muli %mul3A_166, %scan3A_163 : i32
        %add3A_168 = arith.addi %mul3A_165, %mul3A_167 : i32
        %add3A_169 = arith.constant 1 : i32
        %add3A_170 = arith.addi %add3A_168, %add3A_169 : i32
        %dma_start3A_171 = arith.constant 0 : i32
        %dma_start3A_172 = tpu.memref_slice %arg3[%add3A, %add3A_170, %dma_start3A_171] : memref<4x321x512xi32, #tpu.memory_space<hbm>> -> memref<1x1x512xi32, #tpu.memory_space<hbm>>
        %dma_start3A_173 = tpu.memref_squeeze %dma_start3A_172 : memref<1x1x512xi32, #tpu.memory_space<hbm>> -> memref<512xi32, #tpu.memory_space<hbm>>
        %dma_start3A_174 = arith.constant 0 : i32
        %dma_start3A_175 = tpu.memref_slice %arg3[%add3A, %add3A_170, %dma_start3A_174] : memref<4x321x512xi32, #tpu.memory_space<hbm>> -> memref<1x1x512xi32, #tpu.memory_space<hbm>>
        %dma_start3A_176 = tpu.memref_squeeze %dma_start3A_175 : memref<1x1x512xi32, #tpu.memory_space<hbm>> -> memref<512xi32, #tpu.memory_space<hbm>>
        tpu.enqueue_dma source(%dma_start3A_176 : memref<512xi32, #tpu.memory_space<hbm>>) target(%arg10 : memref<512xi32, #tpu.memory_space<vmem>>) target_semaphore(%arg19 : memref<!tpu.dma_semaphore, #tpu.memory_space<semaphore_mem>>)
        %add3A_177 = arith.constant 1 : i32
        %add3A_178 = arith.addi %add3A_168, %add3A_177 : i32
        %dma_start3A_179 = arith.constant 0 : i32
        %dma_start3A_180 = tpu.memref_slice %arg4[%add3A, %add3A_178, %dma_start3A_179] : memref<4x321x512xi32, #tpu.memory_space<hbm>> -> memref<1x1x512xi32, #tpu.memory_space<hbm>>
        %dma_start3A_181 = tpu.memref_squeeze %dma_start3A_180 : memref<1x1x512xi32, #tpu.memory_space<hbm>> -> memref<512xi32, #tpu.memory_space<hbm>>
        %dma_start3A_182 = arith.constant 0 : i32
        %dma_start3A_183 = tpu.memref_slice %arg4[%add3A, %add3A_178, %dma_start3A_182] : memref<4x321x512xi32, #tpu.memory_space<hbm>> -> memref<1x1x512xi32, #tpu.memory_space<hbm>>
        %dma_start3A_184 = tpu.memref_squeeze %dma_start3A_183 : memref<1x1x512xi32, #tpu.memory_space<hbm>> -> memref<512xi32, #tpu.memory_space<hbm>>
        tpu.enqueue_dma source(%dma_start3A_184 : memref<512xi32, #tpu.memory_space<hbm>>) target(%arg11 : memref<512xi32, #tpu.memory_space<vmem>>) target_semaphore(%arg20 : memref<!tpu.dma_semaphore, #tpu.memory_space<semaphore_mem>>)
        %dma_wait3A_185 = arith.constant 0 : i32
        %dma_wait3A_186 = tpu.memref_slice %arg3[%add3A, %add3A_168, %dma_wait3A_185] : memref<4x321x512xi32, #tpu.memory_space<hbm>> -> memref<1x1x512xi32, #tpu.memory_space<hbm>>
        %dma_wait3A_187 = tpu.memref_squeeze %dma_wait3A_186 : memref<1x1x512xi32, #tpu.memory_space<hbm>> -> memref<512xi32, #tpu.memory_space<hbm>>
        %dma_wait3A_188 = arith.constant 0 : i32
        %dma_wait3A_189 = tpu.memref_slice %arg3[%add3A, %add3A_168, %dma_wait3A_188] : memref<4x321x512xi32, #tpu.memory_space<hbm>> -> memref<1x1x512xi32, #tpu.memory_space<hbm>>
        %dma_wait3A_190 = tpu.memref_squeeze %dma_wait3A_189 : memref<1x1x512xi32, #tpu.memory_space<hbm>> -> memref<512xi32, #tpu.memory_space<hbm>>
        tpu.wait_dma2 semaphore(%arg17 : memref<!tpu.dma_semaphore, #tpu.memory_space<semaphore_mem>>) src(%dma_wait3A_190 : memref<512xi32, #tpu.memory_space<hbm>>) dst(%arg8 : memref<512xi32, #tpu.memory_space<vmem>>)
        %dma_wait3A_191 = arith.constant 0 : i32
        %dma_wait3A_192 = tpu.memref_slice %arg4[%add3A, %add3A_168, %dma_wait3A_191] : memref<4x321x512xi32, #tpu.memory_space<hbm>> -> memref<1x1x512xi32, #tpu.memory_space<hbm>>
        %dma_wait3A_193 = tpu.memref_squeeze %dma_wait3A_192 : memref<1x1x512xi32, #tpu.memory_space<hbm>> -> memref<512xi32, #tpu.memory_space<hbm>>
        %dma_wait3A_194 = arith.constant 0 : i32
        %dma_wait3A_195 = tpu.memref_slice %arg4[%add3A, %add3A_168, %dma_wait3A_194] : memref<4x321x512xi32, #tpu.memory_space<hbm>> -> memref<1x1x512xi32, #tpu.memory_space<hbm>>
        %dma_wait3A_196 = tpu.memref_squeeze %dma_wait3A_195 : memref<1x1x512xi32, #tpu.memory_space<hbm>> -> memref<512xi32, #tpu.memory_space<hbm>>
        tpu.wait_dma2 semaphore(%arg18 : memref<!tpu.dma_semaphore, #tpu.memory_space<semaphore_mem>>) src(%dma_wait3A_196 : memref<512xi32, #tpu.memory_space<hbm>>) dst(%arg9 : memref<512xi32, #tpu.memory_space<vmem>>)
        %mul3A_197 = arith.constant 2 : i32
        %mul3A_198 = arith.muli %mul3A_197, %scan3A_163 : i32
        %scan3A_199 = arith.constant 0 : i32
        %scan3A_200 = arith.constant 32 : i32
        %scan3A_201 = arith.addi %scan3A_199, %scan3A_200 : i32
        %scan3A_202 = arith.constant 1 : i32
        scf.for %scan3A_245 = %scan3A_199 to %scan3A_201 step %scan3A_202  : i32 {
          %mul3A_246 = arith.constant 16 : i32
          %mul3A_247 = arith.muli %scan3A_245, %mul3A_246 : i32
          %get3A = arith.index_cast %mul3A_247 : i32 to index
          %get3A_248 = tpu.vector_load %arg8[%get3A] {strides = array<i32>} : memref<512xi32, #tpu.memory_space<vmem>>, vector<16xi32>,
          %get3A_249 = arith.index_cast %mul3A_247 : i32 to index
          %get3A_250 = tpu.vector_load %arg9[%get3A_249] {strides = array<i32>} : memref<512xi32, #tpu.memory_space<vmem>>, vector<16xi32>,
          %broadcast_in_dim3A_251 = arith.constant 0.000000e+00 : f32
          %broadcast_in_dim3A_252 = vector.broadcast %broadcast_in_dim3A_251 : f32 to vector<16xf32>
          %broadcast_in_dim3A_253 = arith.constant 0.000000e+00 : f32
          %broadcast_in_dim3A_254 = vector.broadcast %broadcast_in_dim3A_253 : f32 to vector<16xf32>
          %gather3A = tpu.vector_load_idx %arg7[%broadcast_in_dim3A_23, %get3A_248] : memref<8x10240xf32, #tpu.memory_space<vmem>>[vector<16xi32>, vector<16xi32>], vector<16xf32>,
          %gather3A_255 = tpu.vector_load_idx %arg7[%broadcast_in_dim3A_23, %get3A_250] : memref<8x10240xf32, #tpu.memory_space<vmem>>[vector<16xi32>, vector<16xi32>], vector<16xf32>,
          %mul3A_256 = arith.mulf %gather3A, %gather3A_255 : vector<16xf32>
          %add3A_257 = arith.addf %broadcast_in_dim3A_252, %mul3A_256 : vector<16xf32>
          %gather3A_258 = tpu.vector_load_idx %arg7[%broadcast_in_dim3A_25, %get3A_248] : memref<8x10240xf32, #tpu.memory_space<vmem>>[vector<16xi32>, vector<16xi32>], vector<16xf32>,
          %gather3A_259 = tpu.vector_load_idx %arg7[%broadcast_in_dim3A_25, %get3A_250] : memref<8x10240xf32, #tpu.memory_space<vmem>>[vector<16xi32>, vector<16xi32>], vector<16xf32>,
          %mul3A_260 = arith.mulf %gather3A_258, %gather3A_259 : vector<16xf32>
          %add3A_261 = arith.addf %add3A_257, %mul3A_260 : vector<16xf32>
          %gather3A_262 = tpu.vector_load_idx %arg7[%broadcast_in_dim3A_27, %get3A_248] : memref<8x10240xf32, #tpu.memory_space<vmem>>[vector<16xi32>, vector<16xi32>], vector<16xf32>,
          %gather3A_263 = tpu.vector_load_idx %arg7[%broadcast_in_dim3A_27, %get3A_250] : memref<8x10240xf32, #tpu.memory_space<vmem>>[vector<16xi32>, vector<16xi32>], vector<16xf32>,
          %mul3A_264 = arith.mulf %gather3A_262, %gather3A_263 : vector<16xf32>
          %add3A_265 = arith.addf %add3A_261, %mul3A_264 : vector<16xf32>
          %gather3A_266 = tpu.vector_load_idx %arg7[%broadcast_in_dim3A_29, %get3A_248] : memref<8x10240xf32, #tpu.memory_space<vmem>>[vector<16xi32>, vector<16xi32>], vector<16xf32>,
          %gather3A_267 = tpu.vector_load_idx %arg7[%broadcast_in_dim3A_29, %get3A_250] : memref<8x10240xf32, #tpu.memory_space<vmem>>[vector<16xi32>, vector<16xi32>], vector<16xf32>,
          %mul3A_268 = arith.mulf %gather3A_266, %gather3A_267 : vector<16xf32>
          %add3A_269 = arith.addf %add3A_265, %mul3A_268 : vector<16xf32>
          %gather3A_270 = tpu.vector_load_idx %arg7[%broadcast_in_dim3A_31, %get3A_248] : memref<8x10240xf32, #tpu.memory_space<vmem>>[vector<16xi32>, vector<16xi32>], vector<16xf32>,
          %gather3A_271 = tpu.vector_load_idx %arg7[%broadcast_in_dim3A_31, %get3A_250] : memref<8x10240xf32, #tpu.memory_space<vmem>>[vector<16xi32>, vector<16xi32>], vector<16xf32>,
          %mul3A_272 = arith.mulf %gather3A_270, %gather3A_271 : vector<16xf32>
          %add3A_273 = arith.addf %broadcast_in_dim3A_254, %mul3A_272 : vector<16xf32>
          %gather3A_274 = tpu.vector_load_idx %arg7[%broadcast_in_dim3A_33, %get3A_248] : memref<8x10240xf32, #tpu.memory_space<vmem>>[vector<16xi32>, vector<16xi32>], vector<16xf32>,
          %gather3A_275 = tpu.vector_load_idx %arg7[%broadcast_in_dim3A_33, %get3A_250] : memref<8x10240xf32, #tpu.memory_space<vmem>>[vector<16xi32>, vector<16xi32>], vector<16xf32>,
          %mul3A_276 = arith.mulf %gather3A_274, %gather3A_275 : vector<16xf32>
          %add3A_277 = arith.addf %add3A_273, %mul3A_276 : vector<16xf32>
          %gather3A_278 = tpu.vector_load_idx %arg7[%broadcast_in_dim3A_35, %get3A_248] : memref<8x10240xf32, #tpu.memory_space<vmem>>[vector<16xi32>, vector<16xi32>], vector<16xf32>,
          %gather3A_279 = tpu.vector_load_idx %arg7[%broadcast_in_dim3A_35, %get3A_250] : memref<8x10240xf32, #tpu.memory_space<vmem>>[vector<16xi32>, vector<16xi32>], vector<16xf32>,
          %mul3A_280 = arith.mulf %gather3A_278, %gather3A_279 : vector<16xf32>
          %add3A_281 = arith.addf %add3A_277, %mul3A_280 : vector<16xf32>
          %gather3A_282 = tpu.vector_load_idx %arg7[%broadcast_in_dim3A_37, %get3A_248] : memref<8x10240xf32, #tpu.memory_space<vmem>>[vector<16xi32>, vector<16xi32>], vector<16xf32>,
          %gather3A_283 = tpu.vector_load_idx %arg7[%broadcast_in_dim3A_37, %get3A_250] : memref<8x10240xf32, #tpu.memory_space<vmem>>[vector<16xi32>, vector<16xi32>], vector<16xf32>,
          %mul3A_284 = arith.mulf %gather3A_282, %gather3A_283 : vector<16xf32>
          %add3A_285 = arith.addf %add3A_281, %mul3A_284 : vector<16xf32>
          %add3A_286 = arith.addf %add3A_269, %add3A_285 : vector<16xf32>
          %swap3A_287 = arith.index_cast %mul3A_198 : i32 to index
          %swap3A_288 = arith.index_cast %mul3A_247 : i32 to index
          %swap3A_289 = tpu.vector_load %arg13[%swap3A_287, %swap3A_288] {strides = array<i32>} : memref<16x512xf32, #tpu.memory_space<vmem>>, vector<16xf32>,
          tpu.vector_store %arg13[%swap3A_287, %swap3A_288], %add3A_286 {strides = array<i32>} : memref<16x512xf32, #tpu.memory_space<vmem>>, vector<16xf32>,
        }
        %scan3A_203 = arith.constant 32 : i32
        %add3A_204 = arith.constant 2 : i32
        %add3A_205 = arith.addi %add3A_168, %add3A_204 : i32
        %dma_start3A_206 = arith.constant 0 : i32
        %dma_start3A_207 = tpu.memref_slice %arg3[%add3A, %add3A_205, %dma_start3A_206] : memref<4x321x512xi32, #tpu.memory_space<hbm>> -> memref<1x1x512xi32, #tpu.memory_space<hbm>>
        %dma_start3A_208 = tpu.memref_squeeze %dma_start3A_207 : memref<1x1x512xi32, #tpu.memory_space<hbm>> -> memref<512xi32, #tpu.memory_space<hbm>>
        %dma_start3A_209 = arith.constant 0 : i32
        %dma_start3A_210 = tpu.memref_slice %arg3[%add3A, %add3A_205, %dma_start3A_209] : memref<4x321x512xi32, #tpu.memory_space<hbm>> -> memref<1x1x512xi32, #tpu.memory_space<hbm>>
        %dma_start3A_211 = tpu.memref_squeeze %dma_start3A_210 : memref<1x1x512xi32, #tpu.memory_space<hbm>> -> memref<512xi32, #tpu.memory_space<hbm>>
        tpu.enqueue_dma source(%dma_start3A_211 : memref<512xi32, #tpu.memory_space<hbm>>) target(%arg8 : memref<512xi32, #tpu.memory_space<vmem>>) target_semaphore(%arg17 : memref<!tpu.dma_semaphore, #tpu.memory_space<semaphore_mem>>)
        %add3A_212 = arith.constant 2 : i32
        %add3A_213 = arith.addi %add3A_168, %add3A_212 : i32
        %dma_start3A_214 = arith.constant 0 : i32
        %dma_start3A_215 = tpu.memref_slice %arg4[%add3A, %add3A_213, %dma_start3A_214] : memref<4x321x512xi32, #tpu.memory_space<hbm>> -> memref<1x1x512xi32, #tpu.memory_space<hbm>>
        %dma_start3A_216 = tpu.memref_squeeze %dma_start3A_215 : memref<1x1x512xi32, #tpu.memory_space<hbm>> -> memref<512xi32, #tpu.memory_space<hbm>>
        %dma_start3A_217 = arith.constant 0 : i32
        %dma_start3A_218 = tpu.memref_slice %arg4[%add3A, %add3A_213, %dma_start3A_217] : memref<4x321x512xi32, #tpu.memory_space<hbm>> -> memref<1x1x512xi32, #tpu.memory_space<hbm>>
        %dma_start3A_219 = tpu.memref_squeeze %dma_start3A_218 : memref<1x1x512xi32, #tpu.memory_space<hbm>> -> memref<512xi32, #tpu.memory_space<hbm>>
        tpu.enqueue_dma source(%dma_start3A_219 : memref<512xi32, #tpu.memory_space<hbm>>) target(%arg9 : memref<512xi32, #tpu.memory_space<vmem>>) target_semaphore(%arg18 : memref<!tpu.dma_semaphore, #tpu.memory_space<semaphore_mem>>)
        %add3A_220 = arith.constant 1 : i32
        %add3A_221 = arith.addi %add3A_168, %add3A_220 : i32
        %dma_wait3A_222 = arith.constant 0 : i32
        %dma_wait3A_223 = tpu.memref_slice %arg3[%add3A, %add3A_221, %dma_wait3A_222] : memref<4x321x512xi32, #tpu.memory_space<hbm>> -> memref<1x1x512xi32, #tpu.memory_space<hbm>>
        %dma_wait3A_224 = tpu.memref_squeeze %dma_wait3A_223 : memref<1x1x512xi32, #tpu.memory_space<hbm>> -> memref<512xi32, #tpu.memory_space<hbm>>
        %dma_wait3A_225 = arith.constant 0 : i32
        %dma_wait3A_226 = tpu.memref_slice %arg3[%add3A, %add3A_221, %dma_wait3A_225] : memref<4x321x512xi32, #tpu.memory_space<hbm>> -> memref<1x1x512xi32, #tpu.memory_space<hbm>>
        %dma_wait3A_227 = tpu.memref_squeeze %dma_wait3A_226 : memref<1x1x512xi32, #tpu.memory_space<hbm>> -> memref<512xi32, #tpu.memory_space<hbm>>
        tpu.wait_dma2 semaphore(%arg19 : memref<!tpu.dma_semaphore, #tpu.memory_space<semaphore_mem>>) src(%dma_wait3A_227 : memref<512xi32, #tpu.memory_space<hbm>>) dst(%arg10 : memref<512xi32, #tpu.memory_space<vmem>>)
        %add3A_228 = arith.constant 1 : i32
        %add3A_229 = arith.addi %add3A_168, %add3A_228 : i32
        %dma_wait3A_230 = arith.constant 0 : i32
        %dma_wait3A_231 = tpu.memref_slice %arg4[%add3A, %add3A_229, %dma_wait3A_230] : memref<4x321x512xi32, #tpu.memory_space<hbm>> -> memref<1x1x512xi32, #tpu.memory_space<hbm>>
        %dma_wait3A_232 = tpu.memref_squeeze %dma_wait3A_231 : memref<1x1x512xi32, #tpu.memory_space<hbm>> -> memref<512xi32, #tpu.memory_space<hbm>>
        %dma_wait3A_233 = arith.constant 0 : i32
        %dma_wait3A_234 = tpu.memref_slice %arg4[%add3A, %add3A_229, %dma_wait3A_233] : memref<4x321x512xi32, #tpu.memory_space<hbm>> -> memref<1x1x512xi32, #tpu.memory_space<hbm>>
        %dma_wait3A_235 = tpu.memref_squeeze %dma_wait3A_234 : memref<1x1x512xi32, #tpu.memory_space<hbm>> -> memref<512xi32, #tpu.memory_space<hbm>>
        tpu.wait_dma2 semaphore(%arg20 : memref<!tpu.dma_semaphore, #tpu.memory_space<semaphore_mem>>) src(%dma_wait3A_235 : memref<512xi32, #tpu.memory_space<hbm>>) dst(%arg11 : memref<512xi32, #tpu.memory_space<vmem>>)
        %mul3A_236 = arith.constant 2 : i32
        %mul3A_237 = arith.muli %mul3A_236, %scan3A_163 : i32
        %add3A_238 = arith.constant 1 : i32
        %add3A_239 = arith.addi %mul3A_237, %add3A_238 : i32
        %scan3A_240 = arith.constant 0 : i32
        %scan3A_241 = arith.constant 32 : i32
        %scan3A_242 = arith.addi %scan3A_240, %scan3A_241 : i32
        %scan3A_243 = arith.constant 1 : i32
        scf.for %scan3A_245 = %scan3A_240 to %scan3A_242 step %scan3A_243  : i32 {
          %mul3A_246 = arith.constant 16 : i32
          %mul3A_247 = arith.muli %scan3A_245, %mul3A_246 : i32
          %get3A = arith.index_cast %mul3A_247 : i32 to index
          %get3A_248 = tpu.vector_load %arg10[%get3A] {strides = array<i32>} : memref<512xi32, #tpu.memory_space<vmem>>, vector<16xi32>,
          %get3A_249 = arith.index_cast %mul3A_247 : i32 to index
          %get3A_250 = tpu.vector_load %arg11[%get3A_249] {strides = array<i32>} : memref<512xi32, #tpu.memory_space<vmem>>, vector<16xi32>,
          %broadcast_in_dim3A_251 = arith.constant 0.000000e+00 : f32
          %broadcast_in_dim3A_252 = vector.broadcast %broadcast_in_dim3A_251 : f32 to vector<16xf32>
          %broadcast_in_dim3A_253 = arith.constant 0.000000e+00 : f32
          %broadcast_in_dim3A_254 = vector.broadcast %broadcast_in_dim3A_253 : f32 to vector<16xf32>
          %gather3A = tpu.vector_load_idx %arg7[%broadcast_in_dim3A_23, %get3A_248] : memref<8x10240xf32, #tpu.memory_space<vmem>>[vector<16xi32>, vector<16xi32>], vector<16xf32>,
          %gather3A_255 = tpu.vector_load_idx %arg7[%broadcast_in_dim3A_23, %get3A_250] : memref<8x10240xf32, #tpu.memory_space<vmem>>[vector<16xi32>, vector<16xi32>], vector<16xf32>,
          %mul3A_256 = arith.mulf %gather3A, %gather3A_255 : vector<16xf32>
          %add3A_257 = arith.addf %broadcast_in_dim3A_252, %mul3A_256 : vector<16xf32>
          %gather3A_258 = tpu.vector_load_idx %arg7[%broadcast_in_dim3A_25, %get3A_248] : memref<8x10240xf32, #tpu.memory_space<vmem>>[vector<16xi32>, vector<16xi32>], vector<16xf32>,
          %gather3A_259 = tpu.vector_load_idx %arg7[%broadcast_in_dim3A_25, %get3A_250] : memref<8x10240xf32, #tpu.memory_space<vmem>>[vector<16xi32>, vector<16xi32>], vector<16xf32>,
          %mul3A_260 = arith.mulf %gather3A_258, %gather3A_259 : vector<16xf32>
          %add3A_261 = arith.addf %add3A_257, %mul3A_260 : vector<16xf32>
          %gather3A_262 = tpu.vector_load_idx %arg7[%broadcast_in_dim3A_27, %get3A_248] : memref<8x10240xf32, #tpu.memory_space<vmem>>[vector<16xi32>, vector<16xi32>], vector<16xf32>,
          %gather3A_263 = tpu.vector_load_idx %arg7[%broadcast_in_dim3A_27, %get3A_250] : memref<8x10240xf32, #tpu.memory_space<vmem>>[vector<16xi32>, vector<16xi32>], vector<16xf32>,
          %mul3A_264 = arith.mulf %gather3A_262, %gather3A_263 : vector<16xf32>
          %add3A_265 = arith.addf %add3A_261, %mul3A_264 : vector<16xf32>
          %gather3A_266 = tpu.vector_load_idx %arg7[%broadcast_in_dim3A_29, %get3A_248] : memref<8x10240xf32, #tpu.memory_space<vmem>>[vector<16xi32>, vector<16xi32>], vector<16xf32>,
          %gather3A_267 = tpu.vector_load_idx %arg7[%broadcast_in_dim3A_29, %get3A_250] : memref<8x10240xf32, #tpu.memory_space<vmem>>[vector<16xi32>, vector<16xi32>], vector<16xf32>,
          %mul3A_268 = arith.mulf %gather3A_266, %gather3A_267 : vector<16xf32>
          %add3A_269 = arith.addf %add3A_265, %mul3A_268 : vector<16xf32>
          %gather3A_270 = tpu.vector_load_idx %arg7[%broadcast_in_dim3A_31, %get3A_248] : memref<8x10240xf32, #tpu.memory_space<vmem>>[vector<16xi32>, vector<16xi32>], vector<16xf32>,
          %gather3A_271 = tpu.vector_load_idx %arg7[%broadcast_in_dim3A_31, %get3A_250] : memref<8x10240xf32, #tpu.memory_space<vmem>>[vector<16xi32>, vector<16xi32>], vector<16xf32>,
          %mul3A_272 = arith.mulf %gather3A_270, %gather3A_271 : vector<16xf32>
          %add3A_273 = arith.addf %broadcast_in_dim3A_254, %mul3A_272 : vector<16xf32>
          %gather3A_274 = tpu.vector_load_idx %arg7[%broadcast_in_dim3A_33, %get3A_248] : memref<8x10240xf32, #tpu.memory_space<vmem>>[vector<16xi32>, vector<16xi32>], vector<16xf32>,
          %gather3A_275 = tpu.vector_load_idx %arg7[%broadcast_in_dim3A_33, %get3A_250] : memref<8x10240xf32, #tpu.memory_space<vmem>>[vector<16xi32>, vector<16xi32>], vector<16xf32>,
          %mul3A_276 = arith.mulf %gather3A_274, %gather3A_275 : vector<16xf32>
          %add3A_277 = arith.addf %add3A_273, %mul3A_276 : vector<16xf32>
          %gather3A_278 = tpu.vector_load_idx %arg7[%broadcast_in_dim3A_35, %get3A_248] : memref<8x10240xf32, #tpu.memory_space<vmem>>[vector<16xi32>, vector<16xi32>], vector<16xf32>,
          %gather3A_279 = tpu.vector_load_idx %arg7[%broadcast_in_dim3A_35, %get3A_250] : memref<8x10240xf32, #tpu.memory_space<vmem>>[vector<16xi32>, vector<16xi32>], vector<16xf32>,
          %mul3A_280 = arith.mulf %gather3A_278, %gather3A_279 : vector<16xf32>
          %add3A_281 = arith.addf %add3A_277, %mul3A_280 : vector<16xf32>
          %gather3A_282 = tpu.vector_load_idx %arg7[%broadcast_in_dim3A_37, %get3A_248] : memref<8x10240xf32, #tpu.memory_space<vmem>>[vector<16xi32>, vector<16xi32>], vector<16xf32>,
          %gather3A_283 = tpu.vector_load_idx %arg7[%broadcast_in_dim3A_37, %get3A_250] : memref<8x10240xf32, #tpu.memory_space<vmem>>[vector<16xi32>, vector<16xi32>], vector<16xf32>,
          %mul3A_284 = arith.mulf %gather3A_282, %gather3A_283 : vector<16xf32>
          %add3A_285 = arith.addf %add3A_281, %mul3A_284 : vector<16xf32>
          %add3A_286 = arith.addf %add3A_269, %add3A_285 : vector<16xf32>
          %swap3A_287 = arith.index_cast %add3A_239 : i32 to index
          %swap3A_288 = arith.index_cast %mul3A_247 : i32 to index
          %swap3A_289 = tpu.vector_load %arg13[%swap3A_287, %swap3A_288] {strides = array<i32>} : memref<16x512xf32, #tpu.memory_space<vmem>>, vector<16xf32>,
          tpu.vector_store %arg13[%swap3A_287, %swap3A_288], %add3A_286 {strides = array<i32>} : memref<16x512xf32, #tpu.memory_space<vmem>>, vector<16xf32>,
        }
        %scan3A_244 = arith.constant 32 : i32
      }
      %scan3A_149 = arith.constant 8 : i32
      %iota3A_150 = tpu.iota {dimensions = array<i32: 0>} : vector<16xi32>
      %mul3A_151 = arith.constant 320 : i32
      %mul3A_152 = arith.muli %select_n3A, %mul3A_151 : i32
      %mul3A_153 = arith.constant 16 : i32
      %mul3A_154 = arith.muli %add3A_141, %mul3A_153 : i32
      %add3A_155 = arith.addi %mul3A_152, %mul3A_154 : i32
      %add3A_156 = vector.broadcast %add3A_155 : i32 to vector<16xi32>
      %add3A_157 = arith.addi %iota3A_150, %add3A_156 : vector<16xi32>
      %swap3A_158 = arith.constant 0 : index
      %swap3A_159 = tpu.vector_load %arg15[%swap3A_158] {strides = array<i32>} : memref<16xi32, #tpu.memory_space<vmem>>, vector<16xi32>,
      tpu.vector_store %arg15[%swap3A_158], %add3A_157 {strides = array<i32>} : memref<16xi32, #tpu.memory_space<vmem>>, vector<16xi32>,
      %dma_start3A_160 = arith.constant 0 : i32
      %dma_start3A_161 = arith.constant 0 : i32
      %dma_start3A_162 = tpu.memref_slice %arg16[%dma_start3A_160, %dma_start3A_161] : memref<640x512xf32, #tpu.memory_space<vmem_shared>> -> memref<640x512xf32, #tpu.memory_space<vmem_shared>>
      tpu.enqueue_indirect_dma source(%arg13 : memref<16x512xf32, #tpu.memory_space<vmem>>) target(%dma_start3A_162 : memref<640x512xf32, #tpu.memory_space<vmem_shared>>) offsets(%arg15 : memref<16xi32, #tpu.memory_space<vmem>>) semaphore(%arg22 : memref<!tpu.dma_semaphore, #tpu.memory_space<semaphore_mem>>) {add = true}
    }
    %scan3A_86 = arith.constant 9 : i32
    %dma_wait3A = arith.constant 320 : i32
    %dma_wait3A_87 = arith.constant 0 : i32
    %dma_wait3A_88 = tpu.memref_slice %arg3[%add3A, %dma_wait3A, %dma_wait3A_87] : memref<4x321x512xi32, #tpu.memory_space<hbm>> -> memref<1x1x512xi32, #tpu.memory_space<hbm>>
    %dma_wait3A_89 = tpu.memref_squeeze %dma_wait3A_88 : memref<1x1x512xi32, #tpu.memory_space<hbm>> -> memref<512xi32, #tpu.memory_space<hbm>>
    %dma_wait3A_90 = arith.constant 0 : i32
    %dma_wait3A_91 = tpu.memref_slice %arg3[%add3A, %dma_wait3A, %dma_wait3A_90] : memref<4x321x512xi32, #tpu.memory_space<hbm>> -> memref<1x1x512xi32, #tpu.memory_space<hbm>>
    %dma_wait3A_92 = tpu.memref_squeeze %dma_wait3A_91 : memref<1x1x512xi32, #tpu.memory_space<hbm>> -> memref<512xi32, #tpu.memory_space<hbm>>
    tpu.wait_dma2 semaphore(%arg17 : memref<!tpu.dma_semaphore, #tpu.memory_space<semaphore_mem>>) src(%dma_wait3A_92 : memref<512xi32, #tpu.memory_space<hbm>>) dst(%arg8 : memref<512xi32, #tpu.memory_space<vmem>>)
    %dma_wait3A_93 = arith.constant 320 : i32
    %dma_wait3A_94 = arith.constant 0 : i32
    %dma_wait3A_95 = tpu.memref_slice %arg4[%add3A, %dma_wait3A_93, %dma_wait3A_94] : memref<4x321x512xi32, #tpu.memory_space<hbm>> -> memref<1x1x512xi32, #tpu.memory_space<hbm>>
    %dma_wait3A_96 = tpu.memref_squeeze %dma_wait3A_95 : memref<1x1x512xi32, #tpu.memory_space<hbm>> -> memref<512xi32, #tpu.memory_space<hbm>>
    %dma_wait3A_97 = arith.constant 0 : i32
    %dma_wait3A_98 = tpu.memref_slice %arg4[%add3A, %dma_wait3A_93, %dma_wait3A_97] : memref<4x321x512xi32, #tpu.memory_space<hbm>> -> memref<1x1x512xi32, #tpu.memory_space<hbm>>
    %dma_wait3A_99 = tpu.memref_squeeze %dma_wait3A_98 : memref<1x1x512xi32, #tpu.memory_space<hbm>> -> memref<512xi32, #tpu.memory_space<hbm>>
    tpu.wait_dma2 semaphore(%arg18 : memref<!tpu.dma_semaphore, #tpu.memory_space<semaphore_mem>>) src(%dma_wait3A_99 : memref<512xi32, #tpu.memory_space<hbm>>) dst(%arg9 : memref<512xi32, #tpu.memory_space<vmem>>)
    %dma_wait3A_100 = arith.constant 0 : i32
    %dma_wait3A_101 = arith.constant 0 : i32
    %dma_wait3A_102 = tpu.memref_slice %arg16[%dma_wait3A_100, %dma_wait3A_101] : memref<640x512xf32, #tpu.memory_space<vmem_shared>> -> memref<640x512xf32, #tpu.memory_space<vmem_shared>>
    tpu.wait_indirect_dma semaphore(%arg21 : memref<!tpu.dma_semaphore, #tpu.memory_space<semaphore_mem>>) src(%arg12 : memref<16x512xf32, #tpu.memory_space<vmem>>) dst(%dma_wait3A_102 : memref<640x512xf32, #tpu.memory_space<vmem_shared>>)
    %dma_wait3A_103 = arith.constant 0 : i32
    %dma_wait3A_104 = arith.constant 0 : i32
    %dma_wait3A_105 = tpu.memref_slice %arg16[%dma_wait3A_103, %dma_wait3A_104] : memref<640x512xf32, #tpu.memory_space<vmem_shared>> -> memref<640x512xf32, #tpu.memory_space<vmem_shared>>
    tpu.wait_indirect_dma semaphore(%arg22 : memref<!tpu.dma_semaphore, #tpu.memory_space<semaphore_mem>>) src(%arg13 : memref<16x512xf32, #tpu.memory_space<vmem>>) dst(%dma_wait3A_105 : memref<640x512xf32, #tpu.memory_space<vmem_shared>>)
    %barrier3A_106 = arith.constant 0 : index
    tpu.barrier barrier_id(%barrier3A_106)
    %mul3A_107 = arith.constant 40 : i32
    %mul3A_108 = arith.muli %arg1, %mul3A_107 : i32
    %mul3A_109 = arith.constant 640 : i32
    %mul3A_110 = arith.muli %arg0, %mul3A_109 : i32
    %mul3A_111 = arith.constant 40 : i32
    %mul3A_112 = arith.muli %arg1, %mul3A_111 : i32
    %add3A_113 = arith.addi %mul3A_110, %mul3A_112 : i32
    "tpu.region"() ({
      %run_scoped3A = tpu.sem_alloc : memref<!tpu.dma_semaphore, #tpu.memory_space<semaphore_mem>>
      %dma_start3A_114 = arith.constant 0 : i32
      %dma_start3A_115 = tpu.memref_slice %arg6[%add3A_113, %dma_start3A_114] : memref<1280x512xf32, #tpu.memory_space<hbm>> -> memref<40x512xf32, #tpu.memory_space<hbm>>
      %dma_start3A_116 = arith.constant 0 : i32
      %dma_start3A_117 = tpu.memref_slice %arg16[%mul3A_108, %dma_start3A_116] : memref<640x512xf32, #tpu.memory_space<vmem_shared>> -> memref<40x512xf32, #tpu.memory_space<vmem_shared>>
      tpu.enqueue_dma source(%dma_start3A_117 : memref<40x512xf32, #tpu.memory_space<vmem_shared>>) target(%dma_start3A_115 : memref<40x512xf32, #tpu.memory_space<hbm>>) target_semaphore(%run_scoped3A : memref<!tpu.dma_semaphore, #tpu.memory_space<semaphore_mem>>)
      %dma_wait3A_118 = arith.constant 0 : i32
      %dma_wait3A_119 = tpu.memref_slice %arg6[%add3A_113, %dma_wait3A_118] : memref<1280x512xf32, #tpu.memory_space<hbm>> -> memref<40x512xf32, #tpu.memory_space<hbm>>
      %dma_wait3A_120 = arith.constant 0 : i32
      %dma_wait3A_121 = tpu.memref_slice %arg16[%mul3A_108, %dma_wait3A_120] : memref<640x512xf32, #tpu.memory_space<vmem_shared>> -> memref<40x512xf32, #tpu.memory_space<vmem_shared>>
      tpu.wait_dma2 semaphore(%run_scoped3A : memref<!tpu.dma_semaphore, #tpu.memory_space<semaphore_mem>>) src(%dma_wait3A_121 : memref<40x512xf32, #tpu.memory_space<vmem_shared>>) dst(%dma_wait3A_119 : memref<40x512xf32, #tpu.memory_space<hbm>>)
      tpu.yield
    }) : () -> ()
    return
  }
}

#map = affine_map<(d0, d1) -> (0, 0)>
#map1 = affine_map<(d0, d1) -> (0)>
module attributes {stable_mosaic.version = 14 : i64} {
  func.func @k(%arg0: i32, %arg1: i32, %arg2: memref<32x10240xi32, #tpu.memory_space<hbm>>, %arg3: memref<10240xf32, #tpu.memory_space<hbm>>, %arg4: memref<32x10240xf32, #tpu.memory_space<hbm>>, %arg5: memref<10240xi32, #tpu.memory_space<vmem>>, %arg6: memref<10240xf32, #tpu.memory_space<vmem>>) attributes {dimension_semantics = [#tpu.dimension_semantics<core_parallel>, #tpu.dimension_semantics<subcore_parallel>], iteration_bounds = array<i64: 2, 16>, scalar_prefetch = 0 : i64, scratch_operands = 2 : i64, tpu.core_type = #tpu.core_type<sc_vector_subcore>, window_params = [{transform_indices = #map}, {transform_indices = #map1}, {transform_indices = #map}]} {
    %mul3A = arith.constant 2 : i32
    %mul3A_0 = arith.muli %arg1, %mul3A : i32
    %add3A = arith.addi %mul3A_0, %arg0 : i32
    "tpu.region"() ({
      %run_scoped3A = tpu.sem_alloc : memref<!tpu.dma_semaphore, #tpu.memory_space<semaphore_mem>>
      %dma_start3A = arith.constant 0 : i32
      %dma_start3A_6 = tpu.memref_slice %arg2[%add3A, %dma_start3A] : memref<32x10240xi32, #tpu.memory_space<hbm>> -> memref<1x10240xi32, #tpu.memory_space<hbm>>
      %dma_start3A_7 = tpu.memref_squeeze %dma_start3A_6 : memref<1x10240xi32, #tpu.memory_space<hbm>> -> memref<10240xi32, #tpu.memory_space<hbm>>
      %dma_start3A_8 = arith.constant 0 : i32
      %dma_start3A_9 = tpu.memref_slice %arg2[%add3A, %dma_start3A_8] : memref<32x10240xi32, #tpu.memory_space<hbm>> -> memref<1x10240xi32, #tpu.memory_space<hbm>>
      %dma_start3A_10 = tpu.memref_squeeze %dma_start3A_9 : memref<1x10240xi32, #tpu.memory_space<hbm>> -> memref<10240xi32, #tpu.memory_space<hbm>>
      tpu.enqueue_dma source(%dma_start3A_10 : memref<10240xi32, #tpu.memory_space<hbm>>) target(%arg5 : memref<10240xi32, #tpu.memory_space<vmem>>) target_semaphore(%run_scoped3A : memref<!tpu.dma_semaphore, #tpu.memory_space<semaphore_mem>>)
      %dma_wait3A = arith.constant 0 : i32
      %dma_wait3A_11 = tpu.memref_slice %arg2[%add3A, %dma_wait3A] : memref<32x10240xi32, #tpu.memory_space<hbm>> -> memref<1x10240xi32, #tpu.memory_space<hbm>>
      %dma_wait3A_12 = tpu.memref_squeeze %dma_wait3A_11 : memref<1x10240xi32, #tpu.memory_space<hbm>> -> memref<10240xi32, #tpu.memory_space<hbm>>
      %dma_wait3A_13 = arith.constant 0 : i32
      %dma_wait3A_14 = tpu.memref_slice %arg2[%add3A, %dma_wait3A_13] : memref<32x10240xi32, #tpu.memory_space<hbm>> -> memref<1x10240xi32, #tpu.memory_space<hbm>>
      %dma_wait3A_15 = tpu.memref_squeeze %dma_wait3A_14 : memref<1x10240xi32, #tpu.memory_space<hbm>> -> memref<10240xi32, #tpu.memory_space<hbm>>
      tpu.wait_dma2 semaphore(%run_scoped3A : memref<!tpu.dma_semaphore, #tpu.memory_space<semaphore_mem>>) src(%dma_wait3A_15 : memref<10240xi32, #tpu.memory_space<hbm>>) dst(%arg5 : memref<10240xi32, #tpu.memory_space<vmem>>)
      tpu.yield
    }) : () -> ()
    "tpu.region"() ({
      %run_scoped3A = tpu.sem_alloc : memref<!tpu.dma_semaphore, #tpu.memory_space<semaphore_mem>>
      %dma_start3A = arith.constant 0 : i32
      %dma_start3A_6 = tpu.memref_slice %arg3[%dma_start3A] : memref<10240xf32, #tpu.memory_space<hbm>> -> memref<10240xf32, #tpu.memory_space<hbm>>
      %dma_start3A_7 = arith.constant 0 : i32
      %dma_start3A_8 = tpu.memref_slice %arg3[%dma_start3A_7] : memref<10240xf32, #tpu.memory_space<hbm>> -> memref<10240xf32, #tpu.memory_space<hbm>>
      tpu.enqueue_dma source(%dma_start3A_8 : memref<10240xf32, #tpu.memory_space<hbm>>) target(%arg6 : memref<10240xf32, #tpu.memory_space<vmem>>) target_semaphore(%run_scoped3A : memref<!tpu.dma_semaphore, #tpu.memory_space<semaphore_mem>>)
      %dma_wait3A = arith.constant 0 : i32
      %dma_wait3A_9 = tpu.memref_slice %arg3[%dma_wait3A] : memref<10240xf32, #tpu.memory_space<hbm>> -> memref<10240xf32, #tpu.memory_space<hbm>>
      %dma_wait3A_10 = arith.constant 0 : i32
      %dma_wait3A_11 = tpu.memref_slice %arg3[%dma_wait3A_10] : memref<10240xf32, #tpu.memory_space<hbm>> -> memref<10240xf32, #tpu.memory_space<hbm>>
      tpu.wait_dma2 semaphore(%run_scoped3A : memref<!tpu.dma_semaphore, #tpu.memory_space<semaphore_mem>>) src(%dma_wait3A_11 : memref<10240xf32, #tpu.memory_space<hbm>>) dst(%arg6 : memref<10240xf32, #tpu.memory_space<vmem>>)
      tpu.yield
    }) : () -> ()
    %broadcast_in_dim3A = arith.constant 1.000000e+00 : f32
    %broadcast_in_dim3A_1 = vector.broadcast %broadcast_in_dim3A : f32 to vector<16xf32>
    %scan3A = arith.constant 0 : i32
    %scan3A_2 = arith.constant 640 : i32
    %scan3A_3 = arith.addi %scan3A, %scan3A_2 : i32
    %scan3A_4 = arith.constant 1 : i32
    scf.for %scan3A_6 = %scan3A to %scan3A_3 step %scan3A_4  : i32 {
      %mul3A_7 = arith.constant 16 : i32
      %mul3A_8 = arith.muli %scan3A_6, %mul3A_7 : i32
      %get3A = arith.index_cast %mul3A_8 : i32 to index
      %get3A_9 = tpu.vector_load %arg5[%get3A] {strides = array<i32>} : memref<10240xi32, #tpu.memory_space<vmem>>, vector<16xi32>,
      tpu.vector_store_idx %arg6[%get3A_9], %broadcast_in_dim3A_1 {add = true} : memref<10240xf32, #tpu.memory_space<vmem>>[vector<16xi32>], vector<16xf32>,
    }
    %scan3A_5 = arith.constant 640 : i32
    "tpu.region"() ({
      %run_scoped3A = tpu.sem_alloc : memref<!tpu.dma_semaphore, #tpu.memory_space<semaphore_mem>>
      %dma_start3A = arith.constant 0 : i32
      %dma_start3A_6 = tpu.memref_slice %arg4[%add3A, %dma_start3A] : memref<32x10240xf32, #tpu.memory_space<hbm>> -> memref<1x10240xf32, #tpu.memory_space<hbm>>
      %dma_start3A_7 = tpu.memref_squeeze %dma_start3A_6 : memref<1x10240xf32, #tpu.memory_space<hbm>> -> memref<10240xf32, #tpu.memory_space<hbm>>
      %dma_start3A_8 = arith.constant 0 : i32
      %dma_start3A_9 = tpu.memref_slice %arg4[%add3A, %dma_start3A_8] : memref<32x10240xf32, #tpu.memory_space<hbm>> -> memref<1x10240xf32, #tpu.memory_space<hbm>>
      %dma_start3A_10 = tpu.memref_squeeze %dma_start3A_9 : memref<1x10240xf32, #tpu.memory_space<hbm>> -> memref<10240xf32, #tpu.memory_space<hbm>>
      tpu.enqueue_dma source(%arg6 : memref<10240xf32, #tpu.memory_space<vmem>>) target(%dma_start3A_10 : memref<10240xf32, #tpu.memory_space<hbm>>) target_semaphore(%run_scoped3A : memref<!tpu.dma_semaphore, #tpu.memory_space<semaphore_mem>>)
      %dma_wait3A = arith.constant 0 : i32
      %dma_wait3A_11 = tpu.memref_slice %arg4[%add3A, %dma_wait3A] : memref<32x10240xf32, #tpu.memory_space<hbm>> -> memref<1x10240xf32, #tpu.memory_space<hbm>>
      %dma_wait3A_12 = tpu.memref_squeeze %dma_wait3A_11 : memref<1x10240xf32, #tpu.memory_space<hbm>> -> memref<10240xf32, #tpu.memory_space<hbm>>
      %dma_wait3A_13 = arith.constant 0 : i32
      %dma_wait3A_14 = tpu.memref_slice %arg4[%add3A, %dma_wait3A_13] : memref<32x10240xf32, #tpu.memory_space<hbm>> -> memref<1x10240xf32, #tpu.memory_space<hbm>>
      %dma_wait3A_15 = tpu.memref_squeeze %dma_wait3A_14 : memref<1x10240xf32, #tpu.memory_space<hbm>> -> memref<10240xf32, #tpu.memory_space<hbm>>
      tpu.wait_dma2 semaphore(%run_scoped3A : memref<!tpu.dma_semaphore, #tpu.memory_space<semaphore_mem>>) src(%arg6 : memref<10240xf32, #tpu.memory_space<vmem>>) dst(%dma_wait3A_15 : memref<10240xf32, #tpu.memory_space<hbm>>)
      tpu.yield
    }) : () -> ()
    return
  }
}

#map = affine_map<(d0, d1) -> (0, 0)>
#map1 = affine_map<(d0, d1) -> (0, 0, 0)>
module attributes {stable_mosaic.version = 14 : i64} {
  func.func @k(%arg0: i32, %arg1: i32, %arg2: memref<10240x64xf32, #tpu.memory_space<hbm>>, %arg3: memref<32x81x128xi32, #tpu.memory_space<hbm>>, %arg4: memref<32x80x128xi32, #tpu.memory_space<hbm>>, %arg5: memref<640x64xf32, #tpu.memory_space<hbm>>, %arg6: memref<2x10240x64xf32, #tpu.memory_space<hbm>>, %arg7: memref<81x128xi32, #tpu.memory_space<vmem>>, %arg8: memref<80x128xi32, #tpu.memory_space<vmem>>, %arg9: memref<128x64xf32, #tpu.memory_space<vmem>>, %arg10: memref<10240x64xf32, #tpu.memory_space<vmem_shared>>, %arg11: memref<!tpu.dma_semaphore, #tpu.memory_space<semaphore_mem>>) attributes {dimension_semantics = [#tpu.dimension_semantics<core_parallel>, #tpu.dimension_semantics<subcore_parallel>], iteration_bounds = array<i64: 2, 16>, scalar_prefetch = 0 : i64, scratch_operands = 5 : i64, tpu.core_type = #tpu.core_type<sc_vector_subcore>, window_params = [{transform_indices = #map}, {transform_indices = #map1}, {transform_indices = #map1}, {transform_indices = #map}, {transform_indices = #map1}]} {
    %mul3A = arith.constant 2 : i32
    %mul3A_0 = arith.muli %arg1, %mul3A : i32
    %add3A = arith.addi %mul3A_0, %arg0 : i32
    "tpu.region"() ({
      %run_scoped3A = tpu.sem_alloc : memref<!tpu.dma_semaphore, #tpu.memory_space<semaphore_mem>>
      %dma_start3A = arith.constant 0 : i32
      %dma_start3A_12 = arith.constant 0 : i32
      %dma_start3A_13 = tpu.memref_slice %arg3[%add3A, %dma_start3A, %dma_start3A_12] : memref<32x81x128xi32, #tpu.memory_space<hbm>> -> memref<1x81x128xi32, #tpu.memory_space<hbm>>
      %dma_start3A_14 = tpu.memref_squeeze %dma_start3A_13 : memref<1x81x128xi32, #tpu.memory_space<hbm>> -> memref<81x128xi32, #tpu.memory_space<hbm>>
      %dma_start3A_15 = arith.constant 0 : i32
      %dma_start3A_16 = arith.constant 0 : i32
      %dma_start3A_17 = tpu.memref_slice %arg3[%add3A, %dma_start3A_15, %dma_start3A_16] : memref<32x81x128xi32, #tpu.memory_space<hbm>> -> memref<1x81x128xi32, #tpu.memory_space<hbm>>
      %dma_start3A_18 = tpu.memref_squeeze %dma_start3A_17 : memref<1x81x128xi32, #tpu.memory_space<hbm>> -> memref<81x128xi32, #tpu.memory_space<hbm>>
      tpu.enqueue_dma source(%dma_start3A_18 : memref<81x128xi32, #tpu.memory_space<hbm>>) target(%arg7 : memref<81x128xi32, #tpu.memory_space<vmem>>) target_semaphore(%run_scoped3A : memref<!tpu.dma_semaphore, #tpu.memory_space<semaphore_mem>>)
      %dma_wait3A = arith.constant 0 : i32
      %dma_wait3A_19 = arith.constant 0 : i32
      %dma_wait3A_20 = tpu.memref_slice %arg3[%add3A, %dma_wait3A, %dma_wait3A_19] : memref<32x81x128xi32, #tpu.memory_space<hbm>> -> memref<1x81x128xi32, #tpu.memory_space<hbm>>
      %dma_wait3A_21 = tpu.memref_squeeze %dma_wait3A_20 : memref<1x81x128xi32, #tpu.memory_space<hbm>> -> memref<81x128xi32, #tpu.memory_space<hbm>>
      %dma_wait3A_22 = arith.constant 0 : i32
      %dma_wait3A_23 = arith.constant 0 : i32
      %dma_wait3A_24 = tpu.memref_slice %arg3[%add3A, %dma_wait3A_22, %dma_wait3A_23] : memref<32x81x128xi32, #tpu.memory_space<hbm>> -> memref<1x81x128xi32, #tpu.memory_space<hbm>>
      %dma_wait3A_25 = tpu.memref_squeeze %dma_wait3A_24 : memref<1x81x128xi32, #tpu.memory_space<hbm>> -> memref<81x128xi32, #tpu.memory_space<hbm>>
      tpu.wait_dma2 semaphore(%run_scoped3A : memref<!tpu.dma_semaphore, #tpu.memory_space<semaphore_mem>>) src(%dma_wait3A_25 : memref<81x128xi32, #tpu.memory_space<hbm>>) dst(%arg7 : memref<81x128xi32, #tpu.memory_space<vmem>>)
      tpu.yield
    }) : () -> ()
    "tpu.region"() ({
      %run_scoped3A = tpu.sem_alloc : memref<!tpu.dma_semaphore, #tpu.memory_space<semaphore_mem>>
      %dma_start3A = arith.constant 0 : i32
      %dma_start3A_12 = arith.constant 0 : i32
      %dma_start3A_13 = tpu.memref_slice %arg4[%add3A, %dma_start3A, %dma_start3A_12] : memref<32x80x128xi32, #tpu.memory_space<hbm>> -> memref<1x80x128xi32, #tpu.memory_space<hbm>>
      %dma_start3A_14 = tpu.memref_squeeze %dma_start3A_13 : memref<1x80x128xi32, #tpu.memory_space<hbm>> -> memref<80x128xi32, #tpu.memory_space<hbm>>
      %dma_start3A_15 = arith.constant 0 : i32
      %dma_start3A_16 = arith.constant 0 : i32
      %dma_start3A_17 = tpu.memref_slice %arg4[%add3A, %dma_start3A_15, %dma_start3A_16] : memref<32x80x128xi32, #tpu.memory_space<hbm>> -> memref<1x80x128xi32, #tpu.memory_space<hbm>>
      %dma_start3A_18 = tpu.memref_squeeze %dma_start3A_17 : memref<1x80x128xi32, #tpu.memory_space<hbm>> -> memref<80x128xi32, #tpu.memory_space<hbm>>
      tpu.enqueue_dma source(%dma_start3A_18 : memref<80x128xi32, #tpu.memory_space<hbm>>) target(%arg8 : memref<80x128xi32, #tpu.memory_space<vmem>>) target_semaphore(%run_scoped3A : memref<!tpu.dma_semaphore, #tpu.memory_space<semaphore_mem>>)
      %dma_wait3A = arith.constant 0 : i32
      %dma_wait3A_19 = arith.constant 0 : i32
      %dma_wait3A_20 = tpu.memref_slice %arg4[%add3A, %dma_wait3A, %dma_wait3A_19] : memref<32x80x128xi32, #tpu.memory_space<hbm>> -> memref<1x80x128xi32, #tpu.memory_space<hbm>>
      %dma_wait3A_21 = tpu.memref_squeeze %dma_wait3A_20 : memref<1x80x128xi32, #tpu.memory_space<hbm>> -> memref<80x128xi32, #tpu.memory_space<hbm>>
      %dma_wait3A_22 = arith.constant 0 : i32
      %dma_wait3A_23 = arith.constant 0 : i32
      %dma_wait3A_24 = tpu.memref_slice %arg4[%add3A, %dma_wait3A_22, %dma_wait3A_23] : memref<32x80x128xi32, #tpu.memory_space<hbm>> -> memref<1x80x128xi32, #tpu.memory_space<hbm>>
      %dma_wait3A_25 = tpu.memref_squeeze %dma_wait3A_24 : memref<1x80x128xi32, #tpu.memory_space<hbm>> -> memref<80x128xi32, #tpu.memory_space<hbm>>
      tpu.wait_dma2 semaphore(%run_scoped3A : memref<!tpu.dma_semaphore, #tpu.memory_space<semaphore_mem>>) src(%dma_wait3A_25 : memref<80x128xi32, #tpu.memory_space<hbm>>) dst(%arg8 : memref<80x128xi32, #tpu.memory_space<vmem>>)
      tpu.yield
    }) : () -> ()
    %mul3A_1 = arith.constant 640 : i32
    %mul3A_2 = arith.muli %arg1, %mul3A_1 : i32
    "tpu.region"() ({
      %run_scoped3A = tpu.sem_alloc : memref<!tpu.dma_semaphore, #tpu.memory_space<semaphore_mem>>
      %dma_start3A = arith.constant 0 : i32
      %dma_start3A_12 = tpu.memref_slice %arg10[%mul3A_2, %dma_start3A] : memref<10240x64xf32, #tpu.memory_space<vmem_shared>> -> memref<640x64xf32, #tpu.memory_space<vmem_shared>>
      tpu.enqueue_dma source(%arg5 : memref<640x64xf32, #tpu.memory_space<hbm>>) target(%dma_start3A_12 : memref<640x64xf32, #tpu.memory_space<vmem_shared>>) target_semaphore(%run_scoped3A : memref<!tpu.dma_semaphore, #tpu.memory_space<semaphore_mem>>)
      %dma_wait3A = arith.constant 0 : i32
      %dma_wait3A_13 = tpu.memref_slice %arg10[%mul3A_2, %dma_wait3A] : memref<10240x64xf32, #tpu.memory_space<vmem_shared>> -> memref<640x64xf32, #tpu.memory_space<vmem_shared>>
      tpu.wait_dma2 semaphore(%run_scoped3A : memref<!tpu.dma_semaphore, #tpu.memory_space<semaphore_mem>>) src(%arg5 : memref<640x64xf32, #tpu.memory_space<hbm>>) dst(%dma_wait3A_13 : memref<640x64xf32, #tpu.memory_space<vmem_shared>>)
      tpu.yield
    }) : () -> ()
    %barrier3A = arith.constant 0 : index
    tpu.barrier barrier_id(%barrier3A)
    %scan3A = arith.constant 0 : i32
    %scan3A_3 = arith.constant 80 : i32
    %scan3A_4 = arith.addi %scan3A, %scan3A_3 : i32
    %scan3A_5 = arith.constant 1 : i32
    scf.for %scan3A_12 = %scan3A to %scan3A_4 step %scan3A_5  : i32 {
      %dma_start3A = arith.constant 0 : i32
      %dma_start3A_13 = tpu.memref_slice %arg7[%scan3A_12, %dma_start3A] : memref<81x128xi32, #tpu.memory_space<vmem>> -> memref<1x128xi32, #tpu.memory_space<vmem>>
      %dma_start3A_14 = tpu.memref_squeeze %dma_start3A_13 : memref<1x128xi32, #tpu.memory_space<vmem>> -> memref<128xi32, #tpu.memory_space<vmem>>
      %dma_start3A_15 = arith.constant 0 : i32
      %dma_start3A_16 = arith.constant 0 : i32
      %dma_start3A_17 = tpu.memref_slice %arg2[%dma_start3A_15, %dma_start3A_16] : memref<10240x64xf32, #tpu.memory_space<hbm>> -> memref<10240x64xf32, #tpu.memory_space<hbm>>
      tpu.enqueue_indirect_dma source(%dma_start3A_17 : memref<10240x64xf32, #tpu.memory_space<hbm>>) target(%arg9 : memref<128x64xf32, #tpu.memory_space<vmem>>) offsets(%dma_start3A_14 : memref<128xi32, #tpu.memory_space<vmem>>) semaphore(%arg11 : memref<!tpu.dma_semaphore, #tpu.memory_space<semaphore_mem>>)
      %dma_wait3A = arith.constant 0 : i32
      %dma_wait3A_18 = tpu.memref_slice %arg7[%scan3A_12, %dma_wait3A] : memref<81x128xi32, #tpu.memory_space<vmem>> -> memref<1x128xi32, #tpu.memory_space<vmem>>
      %dma_wait3A_19 = tpu.memref_squeeze %dma_wait3A_18 : memref<1x128xi32, #tpu.memory_space<vmem>> -> memref<128xi32, #tpu.memory_space<vmem>>
      %dma_wait3A_20 = arith.constant 0 : i32
      %dma_wait3A_21 = arith.constant 0 : i32
      %dma_wait3A_22 = tpu.memref_slice %arg2[%dma_wait3A_20, %dma_wait3A_21] : memref<10240x64xf32, #tpu.memory_space<hbm>> -> memref<10240x64xf32, #tpu.memory_space<hbm>>
      tpu.wait_indirect_dma semaphore(%arg11 : memref<!tpu.dma_semaphore, #tpu.memory_space<semaphore_mem>>) src(%dma_wait3A_22 : memref<10240x64xf32, #tpu.memory_space<hbm>>) dst(%arg9 : memref<128x64xf32, #tpu.memory_space<vmem>>)
      "tpu.region"() ({
        %run_scoped3A = tpu.sem_alloc : memref<!tpu.dma_semaphore, #tpu.memory_space<semaphore_mem>>
        %dma_start3A_23 = arith.constant 0 : i32
        %dma_start3A_24 = tpu.memref_slice %arg8[%scan3A_12, %dma_start3A_23] : memref<80x128xi32, #tpu.memory_space<vmem>> -> memref<1x128xi32, #tpu.memory_space<vmem>>
        %dma_start3A_25 = tpu.memref_squeeze %dma_start3A_24 : memref<1x128xi32, #tpu.memory_space<vmem>> -> memref<128xi32, #tpu.memory_space<vmem>>
        %dma_start3A_26 = arith.constant 0 : i32
        %dma_start3A_27 = arith.constant 0 : i32
        %dma_start3A_28 = tpu.memref_slice %arg10[%dma_start3A_26, %dma_start3A_27] : memref<10240x64xf32, #tpu.memory_space<vmem_shared>> -> memref<10240x64xf32, #tpu.memory_space<vmem_shared>>
        tpu.enqueue_indirect_dma source(%arg9 : memref<128x64xf32, #tpu.memory_space<vmem>>) target(%dma_start3A_28 : memref<10240x64xf32, #tpu.memory_space<vmem_shared>>) offsets(%dma_start3A_25 : memref<128xi32, #tpu.memory_space<vmem>>) semaphore(%run_scoped3A : memref<!tpu.dma_semaphore, #tpu.memory_space<semaphore_mem>>) {add = true}
        %dma_wait3A_29 = arith.constant 0 : i32
        %dma_wait3A_30 = tpu.memref_slice %arg8[%scan3A_12, %dma_wait3A_29] : memref<80x128xi32, #tpu.memory_space<vmem>> -> memref<1x128xi32, #tpu.memory_space<vmem>>
        %dma_wait3A_31 = tpu.memref_squeeze %dma_wait3A_30 : memref<1x128xi32, #tpu.memory_space<vmem>> -> memref<128xi32, #tpu.memory_space<vmem>>
        %dma_wait3A_32 = arith.constant 0 : i32
        %dma_wait3A_33 = arith.constant 0 : i32
        %dma_wait3A_34 = tpu.memref_slice %arg10[%dma_wait3A_32, %dma_wait3A_33] : memref<10240x64xf32, #tpu.memory_space<vmem_shared>> -> memref<10240x64xf32, #tpu.memory_space<vmem_shared>>
        tpu.wait_indirect_dma semaphore(%run_scoped3A : memref<!tpu.dma_semaphore, #tpu.memory_space<semaphore_mem>>) src(%arg9 : memref<128x64xf32, #tpu.memory_space<vmem>>) dst(%dma_wait3A_34 : memref<10240x64xf32, #tpu.memory_space<vmem_shared>>)
        tpu.yield
      }) : () -> ()
    }
    %scan3A_6 = arith.constant 80 : i32
    %barrier3A_7 = arith.constant 0 : index
    tpu.barrier barrier_id(%barrier3A_7)
    %mul3A_8 = arith.constant 640 : i32
    %mul3A_9 = arith.muli %arg1, %mul3A_8 : i32
    %mul3A_10 = arith.constant 640 : i32
    %mul3A_11 = arith.muli %arg1, %mul3A_10 : i32
    "tpu.region"() ({
      %run_scoped3A = tpu.sem_alloc : memref<!tpu.dma_semaphore, #tpu.memory_space<semaphore_mem>>
      %dma_start3A = arith.constant 0 : i32
      %dma_start3A_12 = tpu.memref_slice %arg6[%arg0, %mul3A_11, %dma_start3A] : memref<2x10240x64xf32, #tpu.memory_space<hbm>> -> memref<1x640x64xf32, #tpu.memory_space<hbm>>
      %dma_start3A_13 = tpu.memref_squeeze %dma_start3A_12 : memref<1x640x64xf32, #tpu.memory_space<hbm>> -> memref<640x64xf32, #tpu.memory_space<hbm>>
      %dma_start3A_14 = arith.constant 0 : i32
      %dma_start3A_15 = tpu.memref_slice %arg10[%mul3A_9, %dma_start3A_14] : memref<10240x64xf32, #tpu.memory_space<vmem_shared>> -> memref<640x64xf32, #tpu.memory_space<vmem_shared>>
      tpu.enqueue_dma source(%dma_start3A_15 : memref<640x64xf32, #tpu.memory_space<vmem_shared>>) target(%dma_start3A_13 : memref<640x64xf32, #tpu.memory_space<hbm>>) target_semaphore(%run_scoped3A : memref<!tpu.dma_semaphore, #tpu.memory_space<semaphore_mem>>)
      %dma_wait3A = arith.constant 0 : i32
      %dma_wait3A_16 = tpu.memref_slice %arg6[%arg0, %mul3A_11, %dma_wait3A] : memref<2x10240x64xf32, #tpu.memory_space<hbm>> -> memref<1x640x64xf32, #tpu.memory_space<hbm>>
      %dma_wait3A_17 = tpu.memref_squeeze %dma_wait3A_16 : memref<1x640x64xf32, #tpu.memory_space<hbm>> -> memref<640x64xf32, #tpu.memory_space<hbm>>
      %dma_wait3A_18 = arith.constant 0 : i32
      %dma_wait3A_19 = tpu.memref_slice %arg10[%mul3A_9, %dma_wait3A_18] : memref<10240x64xf32, #tpu.memory_space<vmem_shared>> -> memref<640x64xf32, #tpu.memory_space<vmem_shared>>
      tpu.wait_dma2 semaphore(%run_scoped3A : memref<!tpu.dma_semaphore, #tpu.memory_space<semaphore_mem>>) src(%dma_wait3A_19 : memref<640x64xf32, #tpu.memory_space<vmem_shared>>) dst(%dma_wait3A_17 : memref<640x64xf32, #tpu.memory_space<hbm>>)
      tpu.yield
    }) : () -> ()
    return
  }
}

module attributes {stable_mosaic.version = 14 : i64} {
  func.func @body(%arg0: i32, %arg1: memref<32x1024xf32, #tpu.memory_space<vmem>>, %arg2: memref<1024xf32, #tpu.memory_space<vmem>>, %arg3: memref<1024x128xf32, #tpu.memory_space<vmem>>, %arg4: memref<128x128xf32, #tpu.memory_space<vmem>>, %arg5: memref<1024x128xf32, #tpu.memory_space<vmem>>, %arg6: memref<1024x128xf32, #tpu.memory_space<vmem>>, %arg7: memref<1024xf32, #tpu.memory_space<vmem>>) attributes {dimension_semantics = [#tpu.dimension_semantics<arbitrary>], iteration_bounds = array<i64: 10>, scalar_prefetch = 0 : i64, scratch_operands = 0 : i64, tpu.core_type = #tpu.core_type<tc>, window_params = [{transform_indices = @transform_0, window_bounds = array<i64: 32, 1024>}, {transform_indices = @transform_1, window_bounds = array<i64: 1024>}, {transform_indices = @transform_2, window_bounds = array<i64: 1024, 128>}, {pipeline_mode = #tpu.pipeline_mode<synchronous>, transform_indices = @transform_3, window_bounds = array<i64: 128, 128>}, {transform_indices = @transform_4, window_bounds = array<i64: 1024, 128>}, {transform_indices = @transform_5, window_bounds = array<i64: 1024, 128>}, {transform_indices = @transform_6, window_bounds = array<i64: 1024>}]} {
    %get3A = arith.constant 0 : index
    %get3A_0 = arith.constant 0 : index
    %get3A_1 = vector.load %arg1[%get3A, %get3A_0] : memref<32x1024xf32, #tpu.memory_space<vmem>>, vector<32x1024xf32>
    %reduce_sum3A = arith.constant dense<0.000000e+00> : vector<1024xf32>
    %reduce_sum3A_2 = vector.multi_reduction <add>, %get3A_1, %reduce_sum3A [0] : vector<32x1024xf32> to vector<1024xf32>
    %get3A_3 = arith.constant 0 : index
    %get3A_4 = vector.load %arg2[%get3A_3] : memref<1024xf32, #tpu.memory_space<vmem>>, vector<1024xf32>
    %add3A = arith.addf %reduce_sum3A_2, %get3A_4 : vector<1024xf32>
    %gt3A = arith.constant 0.000000e+00 : f32
    %gt3A_5 = vector.broadcast %gt3A : f32 to vector<1024xf32>
    %gt3A_6 = arith.cmpf ogt, %add3A, %gt3A_5 : vector<1024xf32>
    %rsqrt3A = math.rsqrt %add3A : vector<1024xf32>
    %jit3A = arith.constant 0.000000e+00 : f32
    %broadcast_in_dim3A = vector.broadcast %jit3A : f32 to vector<1024xf32>
    %select_n3A = arith.select %gt3A_6, %rsqrt3A, %broadcast_in_dim3A : vector<1024xi1>, vector<1024xf32>
    %get3A_7 = arith.constant 0 : index
    %get3A_8 = arith.constant 0 : index
    %get3A_9 = vector.load %arg3[%get3A_7, %get3A_8] : memref<1024x128xf32, #tpu.memory_space<vmem>>, vector<1024x128xf32>
    %get3A_10 = arith.constant 0 : index
    %get3A_11 = arith.constant 0 : index
    %get3A_12 = vector.load %arg4[%get3A_10, %get3A_11] : memref<128x128xf32, #tpu.memory_space<vmem>>, vector<128x128xf32>
    %dot_general3A = arith.constant dense<0.000000e+00> : vector<1024x128xf32>
    %dot_general3A_13 = tpu.matmul %get3A_9, %get3A_12, %dot_general3A {dimension_numbers = #tpu.dot_dimension_numbers<[1], [0], [0], [1], [0, 0, 1, 1], [], []>, transpose_lhs_hint = false} : vector<1024x128xf32>, vector<128x128xf32>, vector<1024x128xf32> -> vector<1024x128xf32>
    %swap3A = arith.constant 0 : index
    %swap3A_14 = arith.constant 0 : index
    %swap3A_15 = vector.load %arg5[%swap3A, %swap3A_14] : memref<1024x128xf32, #tpu.memory_space<vmem>>, vector<1024x128xf32>
    tpu.vector_store %arg5[%swap3A, %swap3A_14], %dot_general3A_13 {strides = array<i32>} : memref<1024x128xf32, #tpu.memory_space<vmem>>, vector<1024x128xf32>,
    %broadcast_in_dim3A_16 = vector.shape_cast %select_n3A : vector<1024xf32> to vector<1024x1xf32>
    %mul3A = vector.broadcast %broadcast_in_dim3A_16 : vector<1024x1xf32> to vector<1024x128xf32>
    %mul3A_17 = arith.mulf %dot_general3A_13, %mul3A : vector<1024x128xf32>
    %swap3A_18 = arith.constant 0 : index
    %swap3A_19 = arith.constant 0 : index
    %swap3A_20 = vector.load %arg6[%swap3A_18, %swap3A_19] : memref<1024x128xf32, #tpu.memory_space<vmem>>, vector<1024x128xf32>
    tpu.vector_store %arg6[%swap3A_18, %swap3A_19], %mul3A_17 {strides = array<i32>} : memref<1024x128xf32, #tpu.memory_space<vmem>>, vector<1024x128xf32>,
    %swap3A_21 = arith.constant 0 : index
    %swap3A_22 = vector.load %arg7[%swap3A_21] : memref<1024xf32, #tpu.memory_space<vmem>>, vector<1024xf32>
    tpu.vector_store %arg7[%swap3A_21], %select_n3A {strides = array<i32>} : memref<1024xf32, #tpu.memory_space<vmem>>, vector<1024xf32>,
    return
  }
  func.func @transform_0(%arg0: i32) -> (i32, i32) {
    %c0_i32 = arith.constant 0 : i32
    %c0_i32_0 = arith.constant 0 : i32
    return %c0_i32, %arg0 : i32, i32
  }
  func.func @transform_1(%arg0: i32) -> i32 {
    %c0_i32 = arith.constant 0 : i32
    return %arg0 : i32
  }
  func.func @transform_2(%arg0: i32) -> (i32, i32) {
    %c0_i32 = arith.constant 0 : i32
    %c0_i32_0 = arith.constant 0 : i32
    return %arg0, %c0_i32 : i32, i32
  }
  func.func @transform_3(%arg0: i32) -> (i32, i32) {
    %c0_i32 = arith.constant 0 : i32
    %c0_i32_0 = arith.constant 0 : i32
    %c0_i32_1 = arith.constant 0 : i32
    return %c0_i32, %c0_i32_0 : i32, i32
  }
  func.func @transform_4(%arg0: i32) -> (i32, i32) {
    %c0_i32 = arith.constant 0 : i32
    %c0_i32_0 = arith.constant 0 : i32
    return %arg0, %c0_i32 : i32, i32
  }
  func.func @transform_5(%arg0: i32) -> (i32, i32) {
    %c0_i32 = arith.constant 0 : i32
    %c0_i32_0 = arith.constant 0 : i32
    return %arg0, %c0_i32 : i32, i32
  }
  func.func @transform_6(%arg0: i32) -> i32 {
    %c0_i32 = arith.constant 0 : i32
    return %arg0 : i32
  }
}

module attributes {stable_mosaic.version = 14 : i64} {
  func.func @body(%arg0: i32, %arg1: memref<2x1024x128xf32, #tpu.memory_space<vmem>>, %arg2: memref<1024x128xf32, #tpu.memory_space<vmem>>, %arg3: memref<1024xf32, #tpu.memory_space<vmem>>, %arg4: memref<128xf32, #tpu.memory_space<vmem>>, %arg5: memref<128x64xf32, #tpu.memory_space<vmem>>, %arg6: memref<1024x64xf32, #tpu.memory_space<vmem>>, %arg7: memref<1024x64xf32, #tpu.memory_space<vmem>>) attributes {dimension_semantics = [#tpu.dimension_semantics<arbitrary>], iteration_bounds = array<i64: 10>, scalar_prefetch = 0 : i64, scratch_operands = 0 : i64, tpu.core_type = #tpu.core_type<tc>, window_params = [{transform_indices = @transform_0, window_bounds = array<i64: 2, 1024, 128>}, {transform_indices = @transform_1, window_bounds = array<i64: 1024, 128>}, {transform_indices = @transform_2, window_bounds = array<i64: 1024>}, {pipeline_mode = #tpu.pipeline_mode<synchronous>, transform_indices = @transform_3, window_bounds = array<i64: 128>}, {pipeline_mode = #tpu.pipeline_mode<synchronous>, transform_indices = @transform_4, window_bounds = array<i64: 128, 64>}, {transform_indices = @transform_5, window_bounds = array<i64: 1024, 64>}, {transform_indices = @transform_6, window_bounds = array<i64: 1024, 64>}]} {
    %get3A = arith.constant 0 : index
    %get3A_0 = vector.load %arg3[%get3A] : memref<1024xf32, #tpu.memory_space<vmem>>, vector<1024xf32>
    %broadcast_in_dim3A = vector.shape_cast %get3A_0 : vector<1024xf32> to vector<1024x1xf32>
    %get3A_1 = arith.constant 0 : index
    %get3A_2 = arith.constant 0 : index
    %get3A_3 = arith.constant 0 : index
    %get3A_4 = vector.load %arg1[%get3A_1, %get3A_2, %get3A_3] : memref<2x1024x128xf32, #tpu.memory_space<vmem>>, vector<1x1024x128xf32>
    %get3A_5 = vector.shape_cast %get3A_4 : vector<1x1024x128xf32> to vector<1024x128xf32>
    %get3A_6 = arith.constant 1 : index
    %get3A_7 = arith.constant 0 : index
    %get3A_8 = arith.constant 0 : index
    %get3A_9 = vector.load %arg1[%get3A_6, %get3A_7, %get3A_8] : memref<2x1024x128xf32, #tpu.memory_space<vmem>>, vector<1x1024x128xf32>
    %get3A_10 = vector.shape_cast %get3A_9 : vector<1x1024x128xf32> to vector<1024x128xf32>
    %add3A = arith.addf %get3A_5, %get3A_10 : vector<1024x128xf32>
    %mul3A = vector.broadcast %broadcast_in_dim3A : vector<1024x1xf32> to vector<1024x128xf32>
    %mul3A_11 = arith.mulf %mul3A, %add3A : vector<1024x128xf32>
    %mul3A_12 = arith.mulf %get3A_0, %get3A_0 : vector<1024xf32>
    %broadcast_in_dim3A_13 = vector.shape_cast %mul3A_12 : vector<1024xf32> to vector<1024x1xf32>
    %get3A_14 = arith.constant 0 : index
    %get3A_15 = arith.constant 0 : index
    %get3A_16 = vector.load %arg2[%get3A_14, %get3A_15] : memref<1024x128xf32, #tpu.memory_space<vmem>>, vector<1024x128xf32>
    %mul3A_17 = vector.broadcast %broadcast_in_dim3A_13 : vector<1024x1xf32> to vector<1024x128xf32>
    %mul3A_18 = arith.mulf %mul3A_17, %get3A_16 : vector<1024x128xf32>
    %add3A_19 = arith.addf %mul3A_11, %mul3A_18 : vector<1024x128xf32>
    %get3A_20 = arith.constant 0 : index
    %get3A_21 = vector.load %arg4[%get3A_20] : memref<128xf32, #tpu.memory_space<vmem>>, vector<128xf32>
    %broadcast_in_dim3A_22 = vector.shape_cast %get3A_21 : vector<128xf32> to vector<1x128xf32>
    %add3A_23 = vector.broadcast %broadcast_in_dim3A_22 : vector<1x128xf32> to vector<1024x128xf32>
    %add3A_24 = arith.addf %add3A_19, %add3A_23 : vector<1024x128xf32>
    %max3A = arith.constant 0.000000e+00 : f32
    %max3A_25 = vector.broadcast %max3A : f32 to vector<1024x128xf32>
    %max3A_26 = arith.maximumf %add3A_24, %max3A_25 : vector<1024x128xf32>
    %get3A_27 = arith.constant 0 : index
    %get3A_28 = arith.constant 0 : index
    %get3A_29 = vector.load %arg5[%get3A_27, %get3A_28] : memref<128x64xf32, #tpu.memory_space<vmem>>, vector<128x64xf32>
    %dot_general3A = arith.constant dense<0.000000e+00> : vector<1024x64xf32>
    %dot_general3A_30 = tpu.matmul %max3A_26, %get3A_29, %dot_general3A {dimension_numbers = #tpu.dot_dimension_numbers<[1], [0], [0], [1], [0, 0, 1, 1], [], []>, transpose_lhs_hint = false} : vector<1024x128xf32>, vector<128x64xf32>, vector<1024x64xf32> -> vector<1024x64xf32>
    %swap3A = arith.constant 0 : index
    %swap3A_31 = arith.constant 0 : index
    %swap3A_32 = vector.load %arg6[%swap3A, %swap3A_31] : memref<1024x64xf32, #tpu.memory_space<vmem>>, vector<1024x64xf32>
    tpu.vector_store %arg6[%swap3A, %swap3A_31], %dot_general3A_30 {strides = array<i32>} : memref<1024x64xf32, #tpu.memory_space<vmem>>, vector<1024x64xf32>,
    %broadcast_in_dim3A_33 = vector.shape_cast %get3A_0 : vector<1024xf32> to vector<1024x1xf32>
    %mul3A_34 = vector.broadcast %broadcast_in_dim3A_33 : vector<1024x1xf32> to vector<1024x64xf32>
    %mul3A_35 = arith.mulf %dot_general3A_30, %mul3A_34 : vector<1024x64xf32>
    %swap3A_36 = arith.constant 0 : index
    %swap3A_37 = arith.constant 0 : index
    %swap3A_38 = vector.load %arg7[%swap3A_36, %swap3A_37] : memref<1024x64xf32, #tpu.memory_space<vmem>>, vector<1024x64xf32>
    tpu.vector_store %arg7[%swap3A_36, %swap3A_37], %mul3A_35 {strides = array<i32>} : memref<1024x64xf32, #tpu.memory_space<vmem>>, vector<1024x64xf32>,
    return
  }
  func.func @transform_0(%arg0: i32) -> (i32, i32, i32) {
    %c0_i32 = arith.constant 0 : i32
    %c0_i32_0 = arith.constant 0 : i32
    %c0_i32_1 = arith.constant 0 : i32
    return %c0_i32, %arg0, %c0_i32_0 : i32, i32, i32
  }
  func.func @transform_1(%arg0: i32) -> (i32, i32) {
    %c0_i32 = arith.constant 0 : i32
    %c0_i32_0 = arith.constant 0 : i32
    return %arg0, %c0_i32 : i32, i32
  }
  func.func @transform_2(%arg0: i32) -> i32 {
    %c0_i32 = arith.constant 0 : i32
    return %arg0 : i32
  }
  func.func @transform_3(%arg0: i32) -> i32 {
    %c0_i32 = arith.constant 0 : i32
    %c0_i32_0 = arith.constant 0 : i32
    return %c0_i32 : i32
  }
  func.func @transform_4(%arg0: i32) -> (i32, i32) {
    %c0_i32 = arith.constant 0 : i32
    %c0_i32_0 = arith.constant 0 : i32
    %c0_i32_1 = arith.constant 0 : i32
    return %c0_i32, %c0_i32_0 : i32, i32
  }
  func.func @transform_5(%arg0: i32) -> (i32, i32) {
    %c0_i32 = arith.constant 0 : i32
    %c0_i32_0 = arith.constant 0 : i32
    return %arg0, %c0_i32 : i32, i32
  }
  func.func @transform_6(%arg0: i32) -> (i32, i32) {
    %c0_i32 = arith.constant 0 : i32
    %c0_i32_0 = arith.constant 0 : i32
    return %arg0, %c0_i32 : i32, i32
  }
}

module attributes {stable_mosaic.version = 14 : i64} {
  func.func @body(%arg0: i32, %arg1: memref<2x1024x64xf32, #tpu.memory_space<vmem>>, %arg2: memref<1024x64xf32, #tpu.memory_space<vmem>>, %arg3: memref<1024xf32, #tpu.memory_space<vmem>>, %arg4: memref<64xf32, #tpu.memory_space<vmem>>, %arg5: memref<1024x64xf32, #tpu.memory_space<vmem>>) attributes {dimension_semantics = [#tpu.dimension_semantics<arbitrary>], iteration_bounds = array<i64: 10>, scalar_prefetch = 0 : i64, scratch_operands = 0 : i64, tpu.core_type = #tpu.core_type<tc>, window_params = [{transform_indices = @transform_0, window_bounds = array<i64: 2, 1024, 64>}, {transform_indices = @transform_1, window_bounds = array<i64: 1024, 64>}, {transform_indices = @transform_2, window_bounds = array<i64: 1024>}, {pipeline_mode = #tpu.pipeline_mode<synchronous>, transform_indices = @transform_3, window_bounds = array<i64: 64>}, {transform_indices = @transform_4, window_bounds = array<i64: 1024, 64>}]} {
    %get3A = arith.constant 0 : index
    %get3A_0 = vector.load %arg3[%get3A] : memref<1024xf32, #tpu.memory_space<vmem>>, vector<1024xf32>
    %broadcast_in_dim3A = vector.shape_cast %get3A_0 : vector<1024xf32> to vector<1024x1xf32>
    %get3A_1 = arith.constant 0 : index
    %get3A_2 = arith.constant 0 : index
    %get3A_3 = arith.constant 0 : index
    %get3A_4 = vector.load %arg1[%get3A_1, %get3A_2, %get3A_3] : memref<2x1024x64xf32, #tpu.memory_space<vmem>>, vector<1x1024x64xf32>
    %get3A_5 = vector.shape_cast %get3A_4 : vector<1x1024x64xf32> to vector<1024x64xf32>
    %get3A_6 = arith.constant 1 : index
    %get3A_7 = arith.constant 0 : index
    %get3A_8 = arith.constant 0 : index
    %get3A_9 = vector.load %arg1[%get3A_6, %get3A_7, %get3A_8] : memref<2x1024x64xf32, #tpu.memory_space<vmem>>, vector<1x1024x64xf32>
    %get3A_10 = vector.shape_cast %get3A_9 : vector<1x1024x64xf32> to vector<1024x64xf32>
    %add3A = arith.addf %get3A_5, %get3A_10 : vector<1024x64xf32>
    %mul3A = vector.broadcast %broadcast_in_dim3A : vector<1024x1xf32> to vector<1024x64xf32>
    %mul3A_11 = arith.mulf %mul3A, %add3A : vector<1024x64xf32>
    %mul3A_12 = arith.mulf %get3A_0, %get3A_0 : vector<1024xf32>
    %broadcast_in_dim3A_13 = vector.shape_cast %mul3A_12 : vector<1024xf32> to vector<1024x1xf32>
    %get3A_14 = arith.constant 0 : index
    %get3A_15 = arith.constant 0 : index
    %get3A_16 = vector.load %arg2[%get3A_14, %get3A_15] : memref<1024x64xf32, #tpu.memory_space<vmem>>, vector<1024x64xf32>
    %mul3A_17 = vector.broadcast %broadcast_in_dim3A_13 : vector<1024x1xf32> to vector<1024x64xf32>
    %mul3A_18 = arith.mulf %mul3A_17, %get3A_16 : vector<1024x64xf32>
    %add3A_19 = arith.addf %mul3A_11, %mul3A_18 : vector<1024x64xf32>
    %get3A_20 = arith.constant 0 : index
    %get3A_21 = vector.load %arg4[%get3A_20] : memref<64xf32, #tpu.memory_space<vmem>>, vector<64xf32>
    %broadcast_in_dim3A_22 = vector.shape_cast %get3A_21 : vector<64xf32> to vector<1x64xf32>
    %add3A_23 = vector.broadcast %broadcast_in_dim3A_22 : vector<1x64xf32> to vector<1024x64xf32>
    %add3A_24 = arith.addf %add3A_19, %add3A_23 : vector<1024x64xf32>
    %swap3A = arith.constant 0 : index
    %swap3A_25 = arith.constant 0 : index
    %swap3A_26 = vector.load %arg5[%swap3A, %swap3A_25] : memref<1024x64xf32, #tpu.memory_space<vmem>>, vector<1024x64xf32>
    tpu.vector_store %arg5[%swap3A, %swap3A_25], %add3A_24 {strides = array<i32>} : memref<1024x64xf32, #tpu.memory_space<vmem>>, vector<1024x64xf32>,
    return
  }
  func.func @transform_0(%arg0: i32) -> (i32, i32, i32) {
    %c0_i32 = arith.constant 0 : i32
    %c0_i32_0 = arith.constant 0 : i32
    %c0_i32_1 = arith.constant 0 : i32
    return %c0_i32, %arg0, %c0_i32_0 : i32, i32, i32
  }
  func.func @transform_1(%arg0: i32) -> (i32, i32) {
    %c0_i32 = arith.constant 0 : i32
    %c0_i32_0 = arith.constant 0 : i32
    return %arg0, %c0_i32 : i32, i32
  }
  func.func @transform_2(%arg0: i32) -> i32 {
    %c0_i32 = arith.constant 0 : i32
    return %arg0 : i32
  }
  func.func @transform_3(%arg0: i32) -> i32 {
    %c0_i32 = arith.constant 0 : i32
    %c0_i32_0 = arith.constant 0 : i32
    return %c0_i32 : i32
  }
  func.func @transform_4(%arg0: i32) -> (i32, i32) {
    %c0_i32 = arith.constant 0 : i32
    %c0_i32_0 = arith.constant 0 : i32
    return %arg0, %c0_i32 : i32, i32
  }
}

</mosaic_0001>

<sc_bundles>
// kernel: kernel.12.cloned.1.call-start
scs
__scs_entry_jumppad:
0x0: {  	(pc) =	sbr.rel $0x88, $3  }
0x1: {  	(tag) =	ssettag $0x0;
	lr =	simm.s32 $0x1  }
0x2: {  	[smem:$0x3F9A] =	sst lr;
	_ =	strace $0xD0000000  }
0x3: {  	_ = 	snop  }
0x4: {  	_ = 	snop  }
0x5: {  	_ = 	snop  }
0x6: {  	_ = 	snop  }
0x7: {  	_ = 	snop  }
__scs_overlays_trampoline_lowered:
0x8: {  	[smem:$0x3FA9] =	sst s0  }
0x9: {  	[smem:$0x3FAA] =	sst s1  }
0xa: {  	[smem:$0x3FAB] =	sst s2  }
0xb: {  	[smem:$0x3FAC] =	sst s3  }
0xc: {  	[smem:$0x3FAD] =	sst s4  }
0xd: {  	[smem:$0x3FAE] =	sst s5  }
0xe: {  	[smem:$0x3FAF] =	sst s6  }
0xf: {  	[smem:$0x3FB0] =	sst s7  }
0x10: {  	[smem:$0x3FB1] =	sst s8  }
0x11: {  	[smem:$0x3FB2] =	sst s9;
	s0 =	simm.s32 @!p0 $0x0  }
0x12: {  	s1 =	sld [smem:$0x3F98];
	s0 =	simm.s32 @p0 $0x1  }
0x13: {  	[smem:$0x3FB3] =	sst s0;
	s0 =	simm.s32 @!p1 $0x0  }
0x14: {  	s2 =	sld [smem:$0x3F97];
	s0 =	simm.s32 @p1 $0x1  }
0x15: {  	[smem:$0x3FB4] =	sst s0;
	s0 =	simm.s32 @!p2 $0x0  }
0x16: {  	s3 =	sld [smem:$0x3FDB];
	s0 =	simm.s32 @p2 $0x1  }
0x17: {  	s4 =	simm.s32 $0x1BF5;
	[smem:$0x3FB6] =	sst s0  }
0x18: {  	s0 =	sld [smem:$0x3F99];
	_ =	swait.ge [sflag:s4], $0x0  }
0x19: {  	s7 =	sld [smem:$0x3F9A]  }
0x1a: {  	s8 =	sadd.s32 $0xFFFFE003, lr  }
0x1b: {  	s9 =	sadd.s32 $0xFFFFFEF7, lr;
	s5 =	simm.s32 $0xFFFFFFFF;
	p2 =	slt.u32 s8, $0xFFFFF086  }
0x1c: {  	p1 =	slt.u32 s9, $0xF7A;
	s5 =	simm.s32 @!p2 $0x0  }
0x1d: {  	s5 =	simm.s32 @p1 $0x1;
	p0 =	seq.s32 s7, s2  }
0x1e: {  	s7 =	smul.u32 @!p0 $0xF7A, s2;
	p2 =	seq.s32 @!p0 s5, $0x0  }
0x1f: {  	s9 =	smul.u32 $0xF7A, s1;
	s8 =	simm.s32 @!p0 $0x1BF5;
	p2 =	por !p2, p0  }
0x20: {  	[sflag:s8] =	ssyncset.s32 @!p0 $0xFFFFF086;
	s6 =	sadd.s32 @!p0 s3, s7;
	s7 =	simm.s32 @!p0 $0x108  }
0x21: {  	s3 =	sadd.s32 s3, s9;
	s6 =	sadd.s32 @!p0 $0x88, s6;
	s7 =	simm.s32 @p2 $0x1082  }
0x22: {  	[simem:s7], [sflag:s8] =	dma.local @!p0 [hbm:s6], $0xF7A  }
0x23: {  	s9 =	sor.u32 $0xD0000000, s2;
	s6 =	simm.s32 $0x108;
	_ =	swait.ge @!p0 [sflag:s8], $0x0  }
0x24: {  	s3 =	sadd.s32 $0x88, s3;
	s6 =	simm.s32 @!p1 $0x1082;
	[sflag:s4] =	ssyncset.s32 $0xFFFFF086  }
0x25: {  	[simem:s6], [sflag:s4] =	dma.local [hbm:s3], $0xF7A  }
0x26: {  	[smem:$0x3F9A] =	sst s1;
	(tag) =	ssettag s2;
	_ =	strace s9  }
0x27: {  	s1 =	sld [smem:$0x3FAA]  }
0x28: {  	s2 =	sld [smem:$0x3FAB]  }
0x29: {  	s4 =	sld [smem:$0x3FAD]  }
0x2a: {  	p0 =	seq.s32 s5, $0x0;
	s5 =	sld [smem:$0x3FAE]  }
0x2b: {  	s6 =	sld [smem:$0x3FAF]  }
0x2c: {  	s7 =	sld [smem:$0x3FB0]  }
0x2d: {  	s3 =	simm.s32 $0x108;
	s8 =	sld [smem:$0x3FB1]  }
0x2e: {  	s3 =	simm.s32 @!p0 $0x1082;
	s9 =	sld [smem:$0x3FB2]  }
0x2f: {  	lr =	sadd.s32 s0, s3;
	s0 =	sld [smem:$0x3FA9]  }
0x30: {  	s3 =	sld [smem:$0x3FAC]  }
0x31: {  	[smem:$0x3FB5] =	sst s10  }
0x32: {  	s10 =	sld [smem:$0x3FB3];
	_ =	sdelay $0x3  }
0x33: {  	p0 =	seq.s32 s10, $0x1;
	s10 =	sld [smem:$0x3FB5];
	_ =	sdelay $0x3  }
0x34: {  	[smem:$0x3FB5] =	sst s10  }
0x35: {  	s10 =	sld [smem:$0x3FB4];
	_ =	sdelay $0x3  }
0x36: {  	p1 =	seq.s32 s10, $0x1;
	s10 =	sld [smem:$0x3FB5];
	_ =	sdelay $0x3  }
0x37: {  	[smem:$0x3FB5] =	sst s10  }
0x38: {  	s10 =	sld [smem:$0x3FB6]  }
0x39: {  	_ = 	snop;
	(pc) =	sbr.ind lr, $3  }
0x3a: {  	_ = 	snop  }
0x3b: {  	_ = 	snop  }
0x3c: {  	p2 =	seq.s32 s10, $0x1;
	s10 =	sld [smem:$0x3FB5]  }
0x3d: {  	_ =	shalt  }
0x3e: {  	_ =	shalt  }
0x3f: {  	_ =	shalt  }
0x40: {  	_ =	shalt  }
0x41: {  	_ =	shalt  }
0x42: {  	_ =	shalt  }
0x43: {  	_ =	shalt  }
0x44: {  	_ =	shalt  }
0x45: {  	_ =	shalt  }
0x46: {  	_ =	shalt  }
0x47: {  	_ =	shalt  }
0x48: {  	_ =	shalt  }
0x49: {  	_ =	shalt  }
0x4a: {  	_ =	shalt  }
0x4b: {  	_ =	shalt  }
0x4c: {  	_ =	shalt  }
0x4d: {  	_ =	shalt  }
0x4e: {  	_ =	shalt  }
0x4f: {  	_ =	shalt  }
0x50: {  	_ =	shalt  }
0x51: {  	_ =	shalt  }
0x52: {  	_ =	shalt  }
0x53: {  	_ =	shalt  }
0x54: {  	_ =	shalt  }
0x55: {  	_ =	shalt  }
0x56: {  	_ =	shalt  }
0x57: {  	_ =	shalt  }
0x58: {  	_ =	shalt  }
0x59: {  	_ =	shalt  }
0x5a: {  	_ =	shalt  }
0x5b: {  	_ =	shalt  }
0x5c: {  	_ =	shalt  }
0x5d: {  	_ =	shalt  }
0x5e: {  	_ =	shalt  }
0x5f: {  	_ =	shalt  }
0x60: {  	_ =	shalt  }
0x61: {  	_ =	shalt  }
0x62: {  	_ =	shalt  }
0x63: {  	_ =	shalt  }
0x64: {  	_ =	shalt  }
0x65: {  	_ =	shalt  }
0x66: {  	_ =	shalt  }
0x67: {  	_ =	shalt  }
0x68: {  	_ =	shalt  }
0x69: {  	_ =	shalt  }
0x6a: {  	_ =	shalt  }
0x6b: {  	_ =	shalt  }
0x6c: {  	_ =	shalt  }
0x6d: {  	_ =	shalt  }
0x6e: {  	_ =	shalt  }
0x6f: {  	_ =	shalt  }
0x70: {  	_ =	shalt  }
0x71: {  	_ =	shalt  }
0x72: {  	_ =	shalt  }
0x73: {  	_ =	shalt  }
0x74: {  	_ =	shalt  }
0x75: {  	_ =	shalt  }
0x76: {  	_ =	shalt  }
0x77: {  	_ =	shalt  }
0x78: {  	_ =	shalt  }
0x79: {  	_ =	shalt  }
0x7a: {  	_ =	shalt  }
0x7b: {  	_ =	shalt  }
0x7c: {  	_ =	shalt  }
0x7d: {  	_ =	shalt  }
0x7e: {  	_ =	shalt  }
0x7f: {  	_ =	shalt  }
0x80: {  	_ =	shalt  }
0x81: {  	_ =	shalt  }
0x82: {  	_ =	shalt  }
0x83: {  	_ =	shalt  }
0x84: {  	_ =	shalt  }
0x85: {  	_ =	shalt  }
0x86: {  	_ =	shalt  }
0x87: {  	_ =	shalt  }
.Lfunc_end0:
.L_simem_size_0:
called_computation.1_lowered:
.L_overlay_start_0:
0x88: {  	s2 =	sld [smem:$0x3FD9]  }
0x89: {  	s3 =	sld [smem:$0x3FFE];
	_ =	sdelay $0x1  }
0x8a: {  	s1 =	srdreg.scid  }
0x8b: {  	s0 =	sand.u32 $0x1, s1  }
0x8c: {  	s17 =	sshll.u32 s0, $0xA;
	s2 =	sadd.s32 s3, s2  }
0x8d: {  	s2 =	sadd.s32 s2, s17  }
0x8e: {  	[smem:$0x3FC1] =	sst s2  }
0x8f: {  	_ = 	snop  }
0x90: {  	s2 =	sld [smem:$0x3FD0];
	(tm) =	ssettm $0x1  }
0x91: {  	s18 =	sld [smem:$0x3FFB];
	_ =	sdelay $0x3  }
0x92: {  	_ =	strace s18  }
0x93: {  	s3 =	sld [smem:$0x3FFC];
	_ =	sdelay $0x3  }
0x94: {  	_ =	strace s3  }
0x95: {  	s3 =	sld [smem:$0x3FFD];
	_ =	sdelay $0x3  }
0x96: {  	_ =	strace s3  }
0x97: {  	_ =	strace $0x8FFFFFFF  }
0x98: {  	s19 =	sld [smem:$0x3FDB];
	_ =	sdelay $0x1  }
0x99: {  	s4 =	simm.s32 $_scs_section_size  }
0x9a: {  	s5 =	simm.s32 $_size__tile_overlayer_lowered;
	s6 =	simm.s32 $_tile_overlayer_lowered  }
0x9b: {  	s22 =	simm.s32 $0x1BFF;
	s21 =	sshll.u32 s6, $0x1;
	s3 =	sadd.s32 s4, s19  }
0x9c: {  	s7 =	simm.s32 $0x0;
	s20 =	sshll.u32 s5, $0x1;
	s5 =	sadd.s32 s21, s3  }
0x9d: {  	[timem:s7], [sflag:s22] =	dma.local [hbm:s5], s20  }
0x9e: {  	_ =	swait.ge [sflag:s22], s20  }
0x9f: {  	s4 =	ssub.s32 $0x0, s20;
	[sflag:s22] =	ssyncset.done $0x0  }
0xa0: {  	[sflag:s22] =	ssyncadd.s32 s4;
	_ =	sdelay $0x1  }
0xa1: {  	s23 =	simm.s32 $0x1B8B  }
0xa2: {  	_ =	swait.ge [sflag:s23], $0x1  }
0xa3: {  	[sflag:s23] =	ssyncset.done $0x0  }
0xa4: {  	s25 =	simm.s32 $0x1B8E;
	s24 =	sld [smem:$0x3FFE];
	[sflag:s23] =	ssyncadd.s32 $0xFFFFFFFF  }
0xa5: {  	s26 =	simm.s32 $execute0_lowered;
	[smem:$0x3FD2] =	sst s25  }
0xa6: {  	s5 =	sshll.u32 s26, $0x1;
	_ =	strace $0x80000049;
	[dreg:$0x1] =	wrdreg $0xFFFFFFFF  }
0xa7: {  	s28 =	simm.s32 $_size_execute0_lowered;
	s3 =	sadd.s32 s3, s5;
	[dreg:$0x0] =	wrdreg $0x0  }
0xa8: {  	s5 =	sshll.u32 s28, $0x1;
	[dreg:$0x2] =	wrdreg s3  }
0xa9: {  	[dreg:$0x3] =	wrdreg s5  }
0xaa: {  	[dreg:$0x4] =	wrdreg $0xC0  }
0xab: {  	_ =	task [dreg:s7], $0x5FFFF  }
0xac: {  	[dreg:$0x1] =	wrdreg $0xFFFFFFFF  }
0xad: {  	[dreg:$0x0] =	wrdreg $0x60  }
0xae: {  	[dreg:$0x2] =	wrdreg s24  }
0xaf: {  	[dreg:$0x3] =	wrdreg s2  }
0xb0: {  	[dreg:$0x4] =	wrdreg $0x90800  }
0xb1: {  	[dreg:$0x5] =	wrdreg $0x9  }
0xb2: {  	_ =	task.clear_ibuf [dreg:s7], $0x6FFFF;
	_ =	strace $0x90000049  }
0xb3: {  	s29 =	simm.s32 $0x9;
	_ =	strace $0x8000004B  }
0xb4: {  	_ =	swait.ge [sflag:s29], $0x1  }
0xb5: {  	[sflag:s29] =	ssyncadd.s32 $0xFFFFFFFF  }
0xb6: {  	_ =	strace $0x9000004B  }
0xb7: {  	_ =	sfence  }
0xb8: {  	s30 =	sld [smem:$0x0];
	_ =	sdelay $0x2  }
0xb9: {  	s31 =	sshll.u32 s1, $0xD;
	s1 =	sshrl.u32 s1, $0x2  }
0xba: {  	s3 =	sand.u32 $0x4000, s31;
	s1 =	sadd.s32 s1, s30  }
0xbb: {  	s0 =	sor.u32 s3, s0;
	s1 =	sshll.u32 s1, $0x11  }
0xbc: {  	s0 =	sor.u32 s1, s0  }
0xbd: {  	s0 =	sadd.s32 $0x8F2B, s0  }
0xbe: {  	[sflag:s0] =	ssyncadd.remote.s32 $0x1  }
0xbf: {  	_ =	sfence.sel $0xFFFF  }
0xc0: {  	[dreg:$0x0] =	wrdreg $0xFFFFFFFF;
	(pc) =	sbr.abs _section_cstart, $3  }
0xc1: {  	[dreg:$0x1] =	wrdreg $0xFFFFFFFF  }
0xc2: {  	_ =	task.clear_ibuf [dreg:s7], $0x2FFFF;
	_ =	strace $0x9FFFFFFF  }
0xc3: {  	(tm) =	ssettm $0x7FFFFFFF  }
tec
execute0_lowered:
.L_overlay_start_1:
0x0: {  	(tag) =	ssettag $0x1  }
0x1: {  	s6 =	rddreg [dreg:$0x0]  }
0x2: {  	s1 =	srdreg.scid;
	s7 =	rddreg [dreg:$0x1]  }
0x3: {  	s0 =	stileid.u32;
	s2 =	rddreg [dreg:$0x2];
	s3 =	simm.s32 $0x0  }
0x4: {  	s14 =	simm.s32 $0x80;
	s15 =	simm.s32 $0x5080;
	s16 =	simm.s32 $0x1  }
0x5: {  	s17 =	simm.s32 $0x0;
	s5 =	sand.u32 $0x1, s1;
	s1 =	rddreg [dreg:$0x3]  }
0x6: {  	s29 =	sshll.u32 s0, $0x1;
	s10 =	smul.u32 $0x14000, s0;
	[smem:$0x7FF] =	sst s3  }
0x7: {  	s4 =	sadd.s32 $0xB600, s6;
	s8 =	sor.u32 s5, s29;
	s11 =	smul.u32 $0x140000, s5  }
0x8: {  	s31 =	sshll.u32 s0, $0x6;
	_ =	strace $0x8000004A;
	s9 =	smul.u32 $0x500, s8  }
0x9: {  	s12 =	ssub.s32 $0x2, s5;
	s5 =	sadd.s32 $0x33600, s6;
	s8 =	smul.u32 $0x510, s8  }
0xa: {  	s30 =	sshrl.u32 s12, $0x1;
	s13 =	sadd.s32 s10, s2;
	s11 =	sadd.s32 s10, s11  }
0xb: {  	s12 =	ssub.s32 s12, s30;
	s10 =	simm.s32 $0x2;
	s11 =	sshrl.u32 s11, $0x3  }
0xc: {  	s13 =	sshrl.u32 s13, $0x3;
	s9 =	sadd.s32 s9, s6;
	s11 =	sadd.s32 s11, s6  }
0xd: {  	s6 =	sadd.s32 s7, s8;
	s7 =	sadd.s32 $0x1600, s9;
	s9 =	smax.u32 s12, $0x1  }
0xe: {  	s12 =	sor.u32 $0x1C02, s31;
	s8 =	sadd.s32 $0x35E00, s11;
	s11 =	simm.s32 $0x2880  }
.LBB2_1:
0xf: {  	[tilespmem:s3], [sflag:$0x2] =	stream.linear.gather [hbm4b:s6+s3], $0x2880, $0x38;
	[tilespmem:$0x1D080] =	vst v63  }
0x10: {  	_ =	swait.ge [sflag:s10], $0x2880  }
0x11: {  	[sflag:s10] =	ssyncset.done $0x0  }
0x12: {  	[sflag:s10] =	ssyncadd.s32 $0xFFFFD780  }
0x13: {  	[tilespmem:s11], [sflag:$0x2] =	stream.linear.gather [hbm4b:s7+s3], $0x2800, $0x38;
	[tilespmem:$0x1D080] =	vst v63  }
0x14: {  	_ =	swait.ge [sflag:s10], $0x2800  }
0x15: {  	[sflag:s10] =	ssyncset.done $0x0  }
0x16: {  	[sflag:s10] =	ssyncadd.s32 $0xFFFFD800  }
0x17: {  	[spmem:s13], [sflag:s12] =	dma.local [hbm:s5], $0x2800  }
0x18: {  	_ =	swait.ge [sflag:s10], $0x2800  }
0x19: {  	[sflag:s10] =	ssyncset.done $0x0  }
0x1a: {  	[sflag:s10] =	ssyncadd.s32 $0xFFFFD800  }
0x1b: {  	s18 =	simm.s32 $0x0;
	[bflag:$0x0] =	sbarrier.arrive $0xFFFF  }
0x1c: {  	[tilespmem:s15], [sflag:$0x1] =	stream.indirect.gather [hbm4b:s4+s14], $0x80, s18, s14, $0xb8;
	[tilespmem:$0x1D080] =	vst v63  }
0x1d: {  	_ =	swait.ge [sflag:s16], $0x4000  }
0x1e: {  	[sflag:s16] =	ssyncset.done $0x0  }
0x1f: {  	s31 =	simm.s32 $0x2880;
	[sflag:s16] =	ssyncadd.s32 $0xFFFFC000  }
0x20: {  	[spmem:s2] =	stream.indirect.scatter.add.f32 [tilespmem:s15], [sflag:$0x2], $0x80, s31, s14, $0xb8;
	[tilespmem:$0x1D080] =	vst v63  }
0x21: {  	_ =	swait.ge [sflag:s10], $0x4000  }
0x22: {  	s19 =	simm.s32 $0x400;
	s18 =	simm.s32 $0x200;
	[sflag:s10] =	ssyncset.done $0x0  }
.LBB2_2:
0x23: {  	s20 =	sshra.s32 s18, $0x2  }
0x24: {  	[sflag:s10] =	ssyncadd.s32 $0xFFFFC000;
	s18 =	smov.u32 s19;
	s21 =	sadd.s32 $0x200, s19  }
0x25: {  	[tilespmem:s15], [sflag:$0x1] =	stream.indirect.gather [hbm4b:s4+s14], $0x80, s20, s14, $0xb8;
	[tilespmem:$0x1D080] =	vst v63  }
0x26: {  	p0 =	sne.s32 s19, $0x9E00;
	_ =	swait.ge [sflag:s16], $0x4000  }
.Ltmp0:
0x27: {  	[sflag:s16] =	ssyncset.done $0x0;
	(pc) =	sbr.rel @p0 .LBB2_2-.Ltmp0, $4  }
0x28: {  	s19 =	sadd.s32 $0x2880, s20;
	[sflag:s16] =	ssyncadd.s32 $0xFFFFC000  }
0x29: {  	[spmem:s2] =	stream.indirect.scatter.add.f32 [tilespmem:s15], [sflag:$0x2], $0x80, s19, s14, $0xb8;
	[tilespmem:$0x1D080] =	vst v63  }
0x2a: {  	_ =	swait.ge [sflag:s10], $0x4000  }
0x2b: {  	s19 =	smov.u32 s21;
	[sflag:s10] =	ssyncset.done $0x0  }
0x2c: {  	s18 =	sshra.s32 s18, $0x2;
	[sflag:s10] =	ssyncadd.s32 $0xFFFFC000  }
0x2d: {  	[tilespmem:s15], [sflag:$0x1] =	stream.indirect.gather [hbm4b:s4+s14], $0x80, s18, s14, $0xb8;
	[tilespmem:$0x1D080] =	vst v63  }
0x2e: {  	_ =	swait.ge [sflag:s16], $0x4000  }
0x2f: {  	[sflag:s16] =	ssyncset.done $0x0  }
0x30: {  	s18 =	sadd.s32 $0x2880, s18;
	[sflag:s16] =	ssyncadd.s32 $0xFFFFC000  }
0x31: {  	[spmem:s2] =	stream.indirect.scatter.add.f32 [tilespmem:s15], [sflag:$0x2], $0x80, s18, s14, $0xb8;
	[tilespmem:$0x1D080] =	vst v63  }
0x32: {  	_ =	swait.ge [sflag:s10], $0x4000  }
0x33: {  	s17 =	sadd.s32 $0x1, s17;
	[sflag:s10] =	ssyncset.done $0x0  }
0x34: {  	p0 =	sne.s32 s17, s9;
	[sflag:s10] =	ssyncadd.s32 $0xFFFFC000  }
.Ltmp1:
0x35: {  	[bflag:$0x0] =	sbarrier.arrive $0xFFFF;
	(pc) =	sbr.rel @p0 .LBB2_1-.Ltmp1, $4  }
0x36: {  	[hbm:s8], [sflag:s12] =	dma.local [spmem:s13], $0x2800  }
0x37: {  	_ =	swait.ge [sflag:s10], $0x2800  }
0x38: {  	[sflag:s10] =	ssyncset.done $0x0  }
0x39: {  	[sflag:s10] =	ssyncadd.s32 $0xFFFFD800  }
0x3a: {  	_ =	sfence.sel $0x180000  }
0x3b: {  	[bflag:$0x0] =	sbarrier.arrive $0xFFFF  }
0x3c: {  	p0 =	sne.s32 s0, $0x0;
	_ =	strace $0x9000004A  }
0x3d: {  	s0 =	sadd.s32 @!p0 $0x100000, s1;
	[bflag:$0x2] =	sbarrier.arrive $0xFFFF  }
0x3e: {  	[sflag:s0] =	ssyncadd.tile.s32 @!p0 $0x1;
	_ =	shalt  }
.Lfunc_end2:
_tile_overlayer_lowered:
.L_overlay_start_2:
0x3f: {  	(tag) =	ssettag $0x2  }
0x40: {  	s0 =	rddreg [dreg:$0x0];
	s2 =	stileid.u32  }
0x41: {  	s1 =	rddreg [dreg:$0x1];
	p0 =	sne.s32 s2, $0x0  }
0x42: {  	s3 =	rddreg [dreg:$0x2];
	[bflag:$0x3] =	sbarrier.arrive $0xFFFF;
	s2 =	simm.s32 @!p0 $0x1C02  }
0x43: {  	[timem:s3], [sflag:s2] =	dma.local @!p0 [hbm:s0], s1  }
0x44: {  	s0 =	simm.s32 @!p0 $0x2  }
0x45: {  	_ =	swait.ge @!p0 [sflag:s0], s1  }
0x46: {  	s1 =	ssub.s32 @!p0 $0x0, s1;
	[sflag:s0] =	ssyncset.done @!p0 $0x0  }
0x47: {  	[sflag:s0] =	ssyncadd.s32 @!p0 s1  }
0x48: {  	[bflag:$0x3] =	sbarrier.arrive $0xFFFF  }
0x49: {  	_ =	shalt  }

// kernel: kernel.15.cloned.1.call-start
scs
__scs_entry_jumppad:
0x0: {  	(pc) =	sbr.rel $0x88, $3  }
0x1: {  	(tag) =	ssettag $0x0;
	lr =	simm.s32 $0x1  }
0x2: {  	[smem:$0x3F9A] =	sst lr;
	_ =	strace $0xD0000000  }
0x3: {  	_ = 	snop  }
0x4: {  	_ = 	snop  }
0x5: {  	_ = 	snop  }
0x6: {  	_ = 	snop  }
0x7: {  	_ = 	snop  }
__scs_overlays_trampoline_lowered:
0x8: {  	[smem:$0x3FA9] =	sst s0  }
0x9: {  	[smem:$0x3FAA] =	sst s1  }
0xa: {  	[smem:$0x3FAB] =	sst s2  }
0xb: {  	[smem:$0x3FAC] =	sst s3  }
0xc: {  	[smem:$0x3FAD] =	sst s4  }
0xd: {  	[smem:$0x3FAE] =	sst s5  }
0xe: {  	[smem:$0x3FAF] =	sst s6  }
0xf: {  	[smem:$0x3FB0] =	sst s7  }
0x10: {  	[smem:$0x3FB1] =	sst s8  }
0x11: {  	[smem:$0x3FB2] =	sst s9;
	s0 =	simm.s32 @!p0 $0x0  }
0x12: {  	s1 =	sld [smem:$0x3F98];
	s0 =	simm.s32 @p0 $0x1  }
0x13: {  	[smem:$0x3FB3] =	sst s0;
	s0 =	simm.s32 @!p1 $0x0  }
0x14: {  	s2 =	sld [smem:$0x3F97];
	s0 =	simm.s32 @p1 $0x1  }
0x15: {  	[smem:$0x3FB4] =	sst s0;
	s0 =	simm.s32 @!p2 $0x0  }
0x16: {  	s3 =	sld [smem:$0x3FDB];
	s0 =	simm.s32 @p2 $0x1  }
0x17: {  	s4 =	simm.s32 $0x1BF5;
	[smem:$0x3FB6] =	sst s0  }
0x18: {  	s0 =	sld [smem:$0x3F99];
	_ =	swait.ge [sflag:s4], $0x0  }
0x19: {  	s7 =	sld [smem:$0x3F9A]  }
0x1a: {  	s8 =	sadd.s32 $0xFFFFE003, lr  }
0x1b: {  	s9 =	sadd.s32 $0xFFFFFEF7, lr;
	s5 =	simm.s32 $0xFFFFFFFF;
	p2 =	slt.u32 s8, $0xFFFFF086  }
0x1c: {  	p1 =	slt.u32 s9, $0xF7A;
	s5 =	simm.s32 @!p2 $0x0  }
0x1d: {  	s5 =	simm.s32 @p1 $0x1;
	p0 =	seq.s32 s7, s2  }
0x1e: {  	s7 =	smul.u32 @!p0 $0xF7A, s2;
	p2 =	seq.s32 @!p0 s5, $0x0  }
0x1f: {  	s9 =	smul.u32 $0xF7A, s1;
	s8 =	simm.s32 @!p0 $0x1BF5;
	p2 =	por !p2, p0  }
0x20: {  	[sflag:s8] =	ssyncset.s32 @!p0 $0xFFFFF086;
	s6 =	sadd.s32 @!p0 s3, s7;
	s7 =	simm.s32 @!p0 $0x108  }
0x21: {  	s3 =	sadd.s32 s3, s9;
	s6 =	sadd.s32 @!p0 $0x88, s6;
	s7 =	simm.s32 @p2 $0x1082  }
0x22: {  	[simem:s7], [sflag:s8] =	dma.local @!p0 [hbm:s6], $0xF7A  }
0x23: {  	s9 =	sor.u32 $0xD0000000, s2;
	s6 =	simm.s32 $0x108;
	_ =	swait.ge @!p0 [sflag:s8], $0x0  }
0x24: {  	s3 =	sadd.s32 $0x88, s3;
	s6 =	simm.s32 @!p1 $0x1082;
	[sflag:s4] =	ssyncset.s32 $0xFFFFF086  }
0x25: {  	[simem:s6], [sflag:s4] =	dma.local [hbm:s3], $0xF7A  }
0x26: {  	[smem:$0x3F9A] =	sst s1;
	(tag) =	ssettag s2;
	_ =	strace s9  }
0x27: {  	s1 =	sld [smem:$0x3FAA]  }
0x28: {  	s2 =	sld [smem:$0x3FAB]  }
0x29: {  	s4 =	sld [smem:$0x3FAD]  }
0x2a: {  	p0 =	seq.s32 s5, $0x0;
	s5 =	sld [smem:$0x3FAE]  }
0x2b: {  	s6 =	sld [smem:$0x3FAF]  }
0x2c: {  	s7 =	sld [smem:$0x3FB0]  }
0x2d: {  	s3 =	simm.s32 $0x108;
	s8 =	sld [smem:$0x3FB1]  }
0x2e: {  	s3 =	simm.s32 @!p0 $0x1082;
	s9 =	sld [smem:$0x3FB2]  }
0x2f: {  	lr =	sadd.s32 s0, s3;
	s0 =	sld [smem:$0x3FA9]  }
0x30: {  	s3 =	sld [smem:$0x3FAC]  }
0x31: {  	[smem:$0x3FB5] =	sst s10  }
0x32: {  	s10 =	sld [smem:$0x3FB3];
	_ =	sdelay $0x3  }
0x33: {  	p0 =	seq.s32 s10, $0x1;
	s10 =	sld [smem:$0x3FB5];
	_ =	sdelay $0x3  }
0x34: {  	[smem:$0x3FB5] =	sst s10  }
0x35: {  	s10 =	sld [smem:$0x3FB4];
	_ =	sdelay $0x3  }
0x36: {  	p1 =	seq.s32 s10, $0x1;
	s10 =	sld [smem:$0x3FB5];
	_ =	sdelay $0x3  }
0x37: {  	[smem:$0x3FB5] =	sst s10  }
0x38: {  	s10 =	sld [smem:$0x3FB6]  }
0x39: {  	_ = 	snop;
	(pc) =	sbr.ind lr, $3  }
0x3a: {  	_ = 	snop  }
0x3b: {  	_ = 	snop  }
0x3c: {  	p2 =	seq.s32 s10, $0x1;
	s10 =	sld [smem:$0x3FB5]  }
0x3d: {  	_ =	shalt  }
0x3e: {  	_ =	shalt  }
0x3f: {  	_ =	shalt  }
0x40: {  	_ =	shalt  }
0x41: {  	_ =	shalt  }
0x42: {  	_ =	shalt  }
0x43: {  	_ =	shalt  }
0x44: {  	_ =	shalt  }
0x45: {  	_ =	shalt  }
0x46: {  	_ =	shalt  }
0x47: {  	_ =	shalt  }
0x48: {  	_ =	shalt  }
0x49: {  	_ =	shalt  }
0x4a: {  	_ =	shalt  }
0x4b: {  	_ =	shalt  }
0x4c: {  	_ =	shalt  }
0x4d: {  	_ =	shalt  }
0x4e: {  	_ =	shalt  }
0x4f: {  	_ =	shalt  }
0x50: {  	_ =	shalt  }
0x51: {  	_ =	shalt  }
0x52: {  	_ =	shalt  }
0x53: {  	_ =	shalt  }
0x54: {  	_ =	shalt  }
0x55: {  	_ =	shalt  }
0x56: {  	_ =	shalt  }
0x57: {  	_ =	shalt  }
0x58: {  	_ =	shalt  }
0x59: {  	_ =	shalt  }
0x5a: {  	_ =	shalt  }
0x5b: {  	_ =	shalt  }
0x5c: {  	_ =	shalt  }
0x5d: {  	_ =	shalt  }
0x5e: {  	_ =	shalt  }
0x5f: {  	_ =	shalt  }
0x60: {  	_ =	shalt  }
0x61: {  	_ =	shalt  }
0x62: {  	_ =	shalt  }
0x63: {  	_ =	shalt  }
0x64: {  	_ =	shalt  }
0x65: {  	_ =	shalt  }
0x66: {  	_ =	shalt  }
0x67: {  	_ =	shalt  }
0x68: {  	_ =	shalt  }
0x69: {  	_ =	shalt  }
0x6a: {  	_ =	shalt  }
0x6b: {  	_ =	shalt  }
0x6c: {  	_ =	shalt  }
0x6d: {  	_ =	shalt  }
0x6e: {  	_ =	shalt  }
0x6f: {  	_ =	shalt  }
0x70: {  	_ =	shalt  }
0x71: {  	_ =	shalt  }
0x72: {  	_ =	shalt  }
0x73: {  	_ =	shalt  }
0x74: {  	_ =	shalt  }
0x75: {  	_ =	shalt  }
0x76: {  	_ =	shalt  }
0x77: {  	_ =	shalt  }
0x78: {  	_ =	shalt  }
0x79: {  	_ =	shalt  }
0x7a: {  	_ =	shalt  }
0x7b: {  	_ =	shalt  }
0x7c: {  	_ =	shalt  }
0x7d: {  	_ =	shalt  }
0x7e: {  	_ =	shalt  }
0x7f: {  	_ =	shalt  }
0x80: {  	_ =	shalt  }
0x81: {  	_ =	shalt  }
0x82: {  	_ =	shalt  }
0x83: {  	_ =	shalt  }
0x84: {  	_ =	shalt  }
0x85: {  	_ =	shalt  }
0x86: {  	_ =	shalt  }
0x87: {  	_ =	shalt  }
.Lfunc_end0:
.L_simem_size_0:
called_computation.2_lowered:
.L_overlay_start_0:
0x88: {  	s2 =	sld [smem:$0x3FD9]  }
0x89: {  	s3 =	sld [smem:$0x3FFE];
	_ =	sdelay $0x1  }
0x8a: {  	s1 =	srdreg.scid  }
0x8b: {  	s0 =	sand.u32 $0x1, s1  }
0x8c: {  	s17 =	sshll.u32 s0, $0xA;
	s2 =	sadd.s32 s3, s2  }
0x8d: {  	s2 =	sadd.s32 s2, s17  }
0x8e: {  	[smem:$0x3FC1] =	sst s2  }
0x8f: {  	_ = 	snop  }
0x90: {  	s2 =	sld [smem:$0x3FD0];
	(tm) =	ssettm $0x1  }
0x91: {  	s18 =	sld [smem:$0x3FFB];
	_ =	sdelay $0x3  }
0x92: {  	_ =	strace s18  }
0x93: {  	s3 =	sld [smem:$0x3FFC];
	_ =	sdelay $0x3  }
0x94: {  	_ =	strace s3  }
0x95: {  	s3 =	sld [smem:$0x3FFD];
	_ =	sdelay $0x3  }
0x96: {  	_ =	strace s3  }
0x97: {  	_ =	strace $0x8FFFFFFF  }
0x98: {  	s19 =	sld [smem:$0x3FDB];
	_ =	sdelay $0x1  }
0x99: {  	s4 =	simm.s32 $_scs_section_size  }
0x9a: {  	s5 =	simm.s32 $_size__tile_overlayer_lowered;
	s6 =	simm.s32 $_tile_overlayer_lowered  }
0x9b: {  	s22 =	simm.s32 $0x1BFF;
	s21 =	sshll.u32 s6, $0x1;
	s3 =	sadd.s32 s4, s19  }
0x9c: {  	s7 =	simm.s32 $0x0;
	s20 =	sshll.u32 s5, $0x1;
	s5 =	sadd.s32 s21, s3  }
0x9d: {  	[timem:s7], [sflag:s22] =	dma.local [hbm:s5], s20  }
0x9e: {  	_ =	swait.ge [sflag:s22], s20  }
0x9f: {  	s4 =	ssub.s32 $0x0, s20;
	[sflag:s22] =	ssyncset.done $0x0  }
0xa0: {  	[sflag:s22] =	ssyncadd.s32 s4;
	_ =	sdelay $0x1  }
0xa1: {  	s23 =	simm.s32 $0x1B8B  }
0xa2: {  	_ =	swait.ge [sflag:s23], $0x1  }
0xa3: {  	[sflag:s23] =	ssyncset.done $0x0  }
0xa4: {  	s25 =	simm.s32 $0x1B8E;
	s24 =	sld [smem:$0x3FFE];
	[sflag:s23] =	ssyncadd.s32 $0xFFFFFFFF  }
0xa5: {  	s26 =	simm.s32 $execute0_lowered;
	[smem:$0x3FD2] =	sst s25  }
0xa6: {  	s5 =	sshll.u32 s26, $0x1;
	_ =	strace $0x8000004C;
	[dreg:$0x1] =	wrdreg $0xFFFFFFFF  }
0xa7: {  	s28 =	simm.s32 $_size_execute0_lowered;
	s3 =	sadd.s32 s3, s5;
	[dreg:$0x0] =	wrdreg $0x0  }
0xa8: {  	s5 =	sshll.u32 s28, $0x1;
	[dreg:$0x2] =	wrdreg s3  }
0xa9: {  	[dreg:$0x3] =	wrdreg s5  }
0xaa: {  	[dreg:$0x4] =	wrdreg $0xC0  }
0xab: {  	_ =	task [dreg:s7], $0x5FFFF  }
0xac: {  	[dreg:$0x1] =	wrdreg $0xFFFFFFFF  }
0xad: {  	[dreg:$0x0] =	wrdreg $0x60  }
0xae: {  	[dreg:$0x2] =	wrdreg s24  }
0xaf: {  	[dreg:$0x3] =	wrdreg s2  }
0xb0: {  	[dreg:$0x4] =	wrdreg $0x70800  }
0xb1: {  	[dreg:$0x5] =	wrdreg $0x9  }
0xb2: {  	_ =	task.clear_ibuf [dreg:s7], $0x6FFFF;
	_ =	strace $0x9000004C  }
0xb3: {  	s29 =	simm.s32 $0x9;
	_ =	strace $0x8000004E  }
0xb4: {  	_ =	swait.ge [sflag:s29], $0x1  }
0xb5: {  	[sflag:s29] =	ssyncadd.s32 $0xFFFFFFFF  }
0xb6: {  	_ =	strace $0x9000004E  }
0xb7: {  	_ =	sfence  }
0xb8: {  	s30 =	sld [smem:$0x0];
	_ =	sdelay $0x2  }
0xb9: {  	s31 =	sshll.u32 s1, $0xD;
	s1 =	sshrl.u32 s1, $0x2  }
0xba: {  	s3 =	sand.u32 $0x4000, s31;
	s1 =	sadd.s32 s1, s30  }
0xbb: {  	s0 =	sor.u32 s3, s0;
	s1 =	sshll.u32 s1, $0x11  }
0xbc: {  	s0 =	sor.u32 s1, s0  }
0xbd: {  	s0 =	sadd.s32 $0x8F2B, s0  }
0xbe: {  	[sflag:s0] =	ssyncadd.remote.s32 $0x1  }
0xbf: {  	_ =	sfence.sel $0xFFFF  }
0xc0: {  	[dreg:$0x0] =	wrdreg $0xFFFFFFFF;
	(pc) =	sbr.abs _section_cstart, $3  }
0xc1: {  	[dreg:$0x1] =	wrdreg $0xFFFFFFFF  }
0xc2: {  	_ =	task.clear_ibuf [dreg:s7], $0x2FFFF;
	_ =	strace $0x9FFFFFFF  }
0xc3: {  	(tm) =	ssettm $0x7FFFFFFF  }
tec
execute0_lowered:
.L_overlay_start_1:
0x0: {  	(tag) =	ssettag $0x1  }
0x1: {  	s6 =	rddreg [dreg:$0x0]  }
0x2: {  	s1 =	srdreg.scid;
	s7 =	rddreg [dreg:$0x1]  }
0x3: {  	s0 =	stileid.u32;
	s2 =	rddreg [dreg:$0x2];
	s3 =	simm.s32 $0x0  }
0x4: {  	s14 =	simm.s32 $0x80;
	s15 =	simm.s32 $0x5080;
	s16 =	simm.s32 $0x1  }
0x5: {  	s17 =	simm.s32 $0x0;
	s5 =	sand.u32 $0x1, s1;
	s1 =	rddreg [dreg:$0x3]  }
0x6: {  	s29 =	sshll.u32 s0, $0x1;
	s10 =	smul.u32 $0xA000, s0;
	[smem:$0x7FF] =	sst s3  }
0x7: {  	s4 =	sadd.s32 $0xB600, s6;
	s8 =	sor.u32 s5, s29;
	s11 =	smul.u32 $0xA0000, s5  }
0x8: {  	s31 =	sshll.u32 s0, $0x6;
	_ =	strace $0x8000004D;
	s9 =	smul.u32 $0x500, s8  }
0x9: {  	s12 =	ssub.s32 $0x2, s5;
	s5 =	sadd.s32 $0x1F600, s6;
	s8 =	smul.u32 $0x510, s8  }
0xa: {  	s30 =	sshrl.u32 s12, $0x1;
	s13 =	sadd.s32 s10, s2;
	s11 =	sadd.s32 s10, s11  }
0xb: {  	s12 =	ssub.s32 s12, s30;
	s10 =	simm.s32 $0x2;
	s11 =	sshrl.u32 s11, $0x3  }
0xc: {  	s13 =	sshrl.u32 s13, $0x3;
	s9 =	sadd.s32 s9, s6;
	s11 =	sadd.s32 s11, s6  }
0xd: {  	s6 =	sadd.s32 s7, s8;
	s7 =	sadd.s32 $0x1600, s9;
	s9 =	smax.u32 s12, $0x1  }
0xe: {  	s12 =	sor.u32 $0x1C02, s31;
	s8 =	sadd.s32 $0x20A00, s11;
	s11 =	simm.s32 $0x2880  }
.LBB2_1:
0xf: {  	[tilespmem:s3], [sflag:$0x2] =	stream.linear.gather [hbm4b:s6+s3], $0x2880, $0x38;
	[tilespmem:$0x11080] =	vst v63  }
0x10: {  	_ =	swait.ge [sflag:s10], $0x2880  }
0x11: {  	[sflag:s10] =	ssyncset.done $0x0  }
0x12: {  	[sflag:s10] =	ssyncadd.s32 $0xFFFFD780  }
0x13: {  	[tilespmem:s11], [sflag:$0x2] =	stream.linear.gather [hbm4b:s7+s3], $0x2800, $0x38;
	[tilespmem:$0x11080] =	vst v63  }
0x14: {  	_ =	swait.ge [sflag:s10], $0x2800  }
0x15: {  	[sflag:s10] =	ssyncset.done $0x0  }
0x16: {  	[sflag:s10] =	ssyncadd.s32 $0xFFFFD800  }
0x17: {  	[spmem:s13], [sflag:s12] =	dma.local [hbm:s5], $0x1400  }
0x18: {  	_ =	swait.ge [sflag:s10], $0x1400  }
0x19: {  	[sflag:s10] =	ssyncset.done $0x0  }
0x1a: {  	[sflag:s10] =	ssyncadd.s32 $0xFFFFEC00  }
0x1b: {  	s18 =	simm.s32 $0x0;
	[bflag:$0x0] =	sbarrier.arrive $0xFFFF  }
0x1c: {  	[tilespmem:s15], [sflag:$0x1] =	stream.indirect.gather [hbm4b:s4+s14], $0x40, s18, s14, $0xb8;
	[tilespmem:$0x11080] =	vst v63  }
0x1d: {  	_ =	swait.ge [sflag:s16], $0x2000  }
0x1e: {  	[sflag:s16] =	ssyncset.done $0x0  }
0x1f: {  	s31 =	simm.s32 $0x2880;
	[sflag:s16] =	ssyncadd.s32 $0xFFFFE000  }
0x20: {  	[spmem:s2] =	stream.indirect.scatter.add.f32 [tilespmem:s15], [sflag:$0x2], $0x40, s31, s14, $0xb8;
	[tilespmem:$0x11080] =	vst v63  }
0x21: {  	_ =	swait.ge [sflag:s10], $0x2000  }
0x22: {  	s19 =	simm.s32 $0x400;
	s18 =	simm.s32 $0x200;
	[sflag:s10] =	ssyncset.done $0x0  }
.LBB2_2:
0x23: {  	s20 =	sshra.s32 s18, $0x2  }
0x24: {  	[sflag:s10] =	ssyncadd.s32 $0xFFFFE000;
	s18 =	smov.u32 s19;
	s21 =	sadd.s32 $0x200, s19  }
0x25: {  	[tilespmem:s15], [sflag:$0x1] =	stream.indirect.gather [hbm4b:s4+s14], $0x40, s20, s14, $0xb8;
	[tilespmem:$0x11080] =	vst v63  }
0x26: {  	p0 =	sne.s32 s19, $0x9E00;
	_ =	swait.ge [sflag:s16], $0x2000  }
.Ltmp0:
0x27: {  	[sflag:s16] =	ssyncset.done $0x0;
	(pc) =	sbr.rel @p0 .LBB2_2-.Ltmp0, $4  }
0x28: {  	s19 =	sadd.s32 $0x2880, s20;
	[sflag:s16] =	ssyncadd.s32 $0xFFFFE000  }
0x29: {  	[spmem:s2] =	stream.indirect.scatter.add.f32 [tilespmem:s15], [sflag:$0x2], $0x40, s19, s14, $0xb8;
	[tilespmem:$0x11080] =	vst v63  }
0x2a: {  	_ =	swait.ge [sflag:s10], $0x2000  }
0x2b: {  	s19 =	smov.u32 s21;
	[sflag:s10] =	ssyncset.done $0x0  }
0x2c: {  	s18 =	sshra.s32 s18, $0x2;
	[sflag:s10] =	ssyncadd.s32 $0xFFFFE000  }
0x2d: {  	[tilespmem:s15], [sflag:$0x1] =	stream.indirect.gather [hbm4b:s4+s14], $0x40, s18, s14, $0xb8;
	[tilespmem:$0x11080] =	vst v63  }
0x2e: {  	_ =	swait.ge [sflag:s16], $0x2000  }
0x2f: {  	[sflag:s16] =	ssyncset.done $0x0  }
0x30: {  	s18 =	sadd.s32 $0x2880, s18;
	[sflag:s16] =	ssyncadd.s32 $0xFFFFE000  }
0x31: {  	[spmem:s2] =	stream.indirect.scatter.add.f32 [tilespmem:s15], [sflag:$0x2], $0x40, s18, s14, $0xb8;
	[tilespmem:$0x11080] =	vst v63  }
0x32: {  	_ =	swait.ge [sflag:s10], $0x2000  }
0x33: {  	s17 =	sadd.s32 $0x1, s17;
	[sflag:s10] =	ssyncset.done $0x0  }
0x34: {  	p0 =	sne.s32 s17, s9;
	[sflag:s10] =	ssyncadd.s32 $0xFFFFE000  }
.Ltmp1:
0x35: {  	[bflag:$0x0] =	sbarrier.arrive $0xFFFF;
	(pc) =	sbr.rel @p0 .LBB2_1-.Ltmp1, $4  }
0x36: {  	[hbm:s8], [sflag:s12] =	dma.local [spmem:s13], $0x1400  }
0x37: {  	_ =	swait.ge [sflag:s10], $0x1400  }
0x38: {  	[sflag:s10] =	ssyncset.done $0x0  }
0x39: {  	[sflag:s10] =	ssyncadd.s32 $0xFFFFEC00  }
0x3a: {  	_ =	sfence.sel $0x180000  }
0x3b: {  	[bflag:$0x0] =	sbarrier.arrive $0xFFFF  }
0x3c: {  	p0 =	sne.s32 s0, $0x0;
	_ =	strace $0x9000004D  }
0x3d: {  	s0 =	sadd.s32 @!p0 $0x100000, s1;
	[bflag:$0x2] =	sbarrier.arrive $0xFFFF  }
0x3e: {  	[sflag:s0] =	ssyncadd.tile.s32 @!p0 $0x1;
	_ =	shalt  }
.Lfunc_end2:
_tile_overlayer_lowered:
.L_overlay_start_2:
0x3f: {  	(tag) =	ssettag $0x2  }
0x40: {  	s0 =	rddreg [dreg:$0x0];
	s2 =	stileid.u32  }
0x41: {  	s1 =	rddreg [dreg:$0x1];
	p0 =	sne.s32 s2, $0x0  }
0x42: {  	s3 =	rddreg [dreg:$0x2];
	[bflag:$0x3] =	sbarrier.arrive $0xFFFF;
	s2 =	simm.s32 @!p0 $0x1C02  }
0x43: {  	[timem:s3], [sflag:s2] =	dma.local @!p0 [hbm:s0], s1  }
0x44: {  	s0 =	simm.s32 @!p0 $0x2  }
0x45: {  	_ =	swait.ge @!p0 [sflag:s0], s1  }
0x46: {  	s1 =	ssub.s32 @!p0 $0x0, s1;
	[sflag:s0] =	ssyncset.done @!p0 $0x0  }
0x47: {  	[sflag:s0] =	ssyncadd.s32 @!p0 s1  }
0x48: {  	[bflag:$0x3] =	sbarrier.arrive $0xFFFF  }
0x49: {  	_ =	shalt  }

// kernel: kernel.18.cloned.1.call-start
scs
__scs_entry_jumppad:
0x0: {  	(pc) =	sbr.rel $0x88, $3  }
0x1: {  	(tag) =	ssettag $0x0;
	lr =	simm.s32 $0x1  }
0x2: {  	[smem:$0x3F9A] =	sst lr;
	_ =	strace $0xD0000000  }
0x3: {  	_ = 	snop  }
0x4: {  	_ = 	snop  }
0x5: {  	_ = 	snop  }
0x6: {  	_ = 	snop  }
0x7: {  	_ = 	snop  }
__scs_overlays_trampoline_lowered:
0x8: {  	[smem:$0x3FA9] =	sst s0  }
0x9: {  	[smem:$0x3FAA] =	sst s1  }
0xa: {  	[smem:$0x3FAB] =	sst s2  }
0xb: {  	[smem:$0x3FAC] =	sst s3  }
0xc: {  	[smem:$0x3FAD] =	sst s4  }
0xd: {  	[smem:$0x3FAE] =	sst s5  }
0xe: {  	[smem:$0x3FAF] =	sst s6  }
0xf: {  	[smem:$0x3FB0] =	sst s7  }
0x10: {  	[smem:$0x3FB1] =	sst s8  }
0x11: {  	[smem:$0x3FB2] =	sst s9;
	s0 =	simm.s32 @!p0 $0x0  }
0x12: {  	s1 =	sld [smem:$0x3F98];
	s0 =	simm.s32 @p0 $0x1  }
0x13: {  	[smem:$0x3FB3] =	sst s0;
	s0 =	simm.s32 @!p1 $0x0  }
0x14: {  	s2 =	sld [smem:$0x3F97];
	s0 =	simm.s32 @p1 $0x1  }
0x15: {  	[smem:$0x3FB4] =	sst s0;
	s0 =	simm.s32 @!p2 $0x0  }
0x16: {  	s3 =	sld [smem:$0x3FDB];
	s0 =	simm.s32 @p2 $0x1  }
0x17: {  	s4 =	simm.s32 $0x1BF5;
	[smem:$0x3FB6] =	sst s0  }
0x18: {  	s0 =	sld [smem:$0x3F99];
	_ =	swait.ge [sflag:s4], $0x0  }
0x19: {  	s7 =	sld [smem:$0x3F9A]  }
0x1a: {  	s8 =	sadd.s32 $0xFFFFE003, lr  }
0x1b: {  	s9 =	sadd.s32 $0xFFFFFEF7, lr;
	s5 =	simm.s32 $0xFFFFFFFF;
	p2 =	slt.u32 s8, $0xFFFFF086  }
0x1c: {  	p1 =	slt.u32 s9, $0xF7A;
	s5 =	simm.s32 @!p2 $0x0  }
0x1d: {  	s5 =	simm.s32 @p1 $0x1;
	p0 =	seq.s32 s7, s2  }
0x1e: {  	s7 =	smul.u32 @!p0 $0xF7A, s2;
	p2 =	seq.s32 @!p0 s5, $0x0  }
0x1f: {  	s9 =	smul.u32 $0xF7A, s1;
	s8 =	simm.s32 @!p0 $0x1BF5;
	p2 =	por !p2, p0  }
0x20: {  	[sflag:s8] =	ssyncset.s32 @!p0 $0xFFFFF086;
	s6 =	sadd.s32 @!p0 s3, s7;
	s7 =	simm.s32 @!p0 $0x108  }
0x21: {  	s3 =	sadd.s32 s3, s9;
	s6 =	sadd.s32 @!p0 $0x88, s6;
	s7 =	simm.s32 @p2 $0x1082  }
0x22: {  	[simem:s7], [sflag:s8] =	dma.local @!p0 [hbm:s6], $0xF7A  }
0x23: {  	s9 =	sor.u32 $0xD0000000, s2;
	s6 =	simm.s32 $0x108;
	_ =	swait.ge @!p0 [sflag:s8], $0x0  }
0x24: {  	s3 =	sadd.s32 $0x88, s3;
	s6 =	simm.s32 @!p1 $0x1082;
	[sflag:s4] =	ssyncset.s32 $0xFFFFF086  }
0x25: {  	[simem:s6], [sflag:s4] =	dma.local [hbm:s3], $0xF7A  }
0x26: {  	[smem:$0x3F9A] =	sst s1;
	(tag) =	ssettag s2;
	_ =	strace s9  }
0x27: {  	s1 =	sld [smem:$0x3FAA]  }
0x28: {  	s2 =	sld [smem:$0x3FAB]  }
0x29: {  	s4 =	sld [smem:$0x3FAD]  }
0x2a: {  	p0 =	seq.s32 s5, $0x0;
	s5 =	sld [smem:$0x3FAE]  }
0x2b: {  	s6 =	sld [smem:$0x3FAF]  }
0x2c: {  	s7 =	sld [smem:$0x3FB0]  }
0x2d: {  	s3 =	simm.s32 $0x108;
	s8 =	sld [smem:$0x3FB1]  }
0x2e: {  	s3 =	simm.s32 @!p0 $0x1082;
	s9 =	sld [smem:$0x3FB2]  }
0x2f: {  	lr =	sadd.s32 s0, s3;
	s0 =	sld [smem:$0x3FA9]  }
0x30: {  	s3 =	sld [smem:$0x3FAC]  }
0x31: {  	[smem:$0x3FB5] =	sst s10  }
0x32: {  	s10 =	sld [smem:$0x3FB3];
	_ =	sdelay $0x3  }
0x33: {  	p0 =	seq.s32 s10, $0x1;
	s10 =	sld [smem:$0x3FB5];
	_ =	sdelay $0x3  }
0x34: {  	[smem:$0x3FB5] =	sst s10  }
0x35: {  	s10 =	sld [smem:$0x3FB4];
	_ =	sdelay $0x3  }
0x36: {  	p1 =	seq.s32 s10, $0x1;
	s10 =	sld [smem:$0x3FB5];
	_ =	sdelay $0x3  }
0x37: {  	[smem:$0x3FB5] =	sst s10  }
0x38: {  	s10 =	sld [smem:$0x3FB6]  }
0x39: {  	_ = 	snop;
	(pc) =	sbr.ind lr, $3  }
0x3a: {  	_ = 	snop  }
0x3b: {  	_ = 	snop  }
0x3c: {  	p2 =	seq.s32 s10, $0x1;
	s10 =	sld [smem:$0x3FB5]  }
0x3d: {  	_ =	shalt  }
0x3e: {  	_ =	shalt  }
0x3f: {  	_ =	shalt  }
0x40: {  	_ =	shalt  }
0x41: {  	_ =	shalt  }
0x42: {  	_ =	shalt  }
0x43: {  	_ =	shalt  }
0x44: {  	_ =	shalt  }
0x45: {  	_ =	shalt  }
0x46: {  	_ =	shalt  }
0x47: {  	_ =	shalt  }
0x48: {  	_ =	shalt  }
0x49: {  	_ =	shalt  }
0x4a: {  	_ =	shalt  }
0x4b: {  	_ =	shalt  }
0x4c: {  	_ =	shalt  }
0x4d: {  	_ =	shalt  }
0x4e: {  	_ =	shalt  }
0x4f: {  	_ =	shalt  }
0x50: {  	_ =	shalt  }
0x51: {  	_ =	shalt  }
0x52: {  	_ =	shalt  }
0x53: {  	_ =	shalt  }
0x54: {  	_ =	shalt  }
0x55: {  	_ =	shalt  }
0x56: {  	_ =	shalt  }
0x57: {  	_ =	shalt  }
0x58: {  	_ =	shalt  }
0x59: {  	_ =	shalt  }
0x5a: {  	_ =	shalt  }
0x5b: {  	_ =	shalt  }
0x5c: {  	_ =	shalt  }
0x5d: {  	_ =	shalt  }
0x5e: {  	_ =	shalt  }
0x5f: {  	_ =	shalt  }
0x60: {  	_ =	shalt  }
0x61: {  	_ =	shalt  }
0x62: {  	_ =	shalt  }
0x63: {  	_ =	shalt  }
0x64: {  	_ =	shalt  }
0x65: {  	_ =	shalt  }
0x66: {  	_ =	shalt  }
0x67: {  	_ =	shalt  }
0x68: {  	_ =	shalt  }
0x69: {  	_ =	shalt  }
0x6a: {  	_ =	shalt  }
0x6b: {  	_ =	shalt  }
0x6c: {  	_ =	shalt  }
0x6d: {  	_ =	shalt  }
0x6e: {  	_ =	shalt  }
0x6f: {  	_ =	shalt  }
0x70: {  	_ =	shalt  }
0x71: {  	_ =	shalt  }
0x72: {  	_ =	shalt  }
0x73: {  	_ =	shalt  }
0x74: {  	_ =	shalt  }
0x75: {  	_ =	shalt  }
0x76: {  	_ =	shalt  }
0x77: {  	_ =	shalt  }
0x78: {  	_ =	shalt  }
0x79: {  	_ =	shalt  }
0x7a: {  	_ =	shalt  }
0x7b: {  	_ =	shalt  }
0x7c: {  	_ =	shalt  }
0x7d: {  	_ =	shalt  }
0x7e: {  	_ =	shalt  }
0x7f: {  	_ =	shalt  }
0x80: {  	_ =	shalt  }
0x81: {  	_ =	shalt  }
0x82: {  	_ =	shalt  }
0x83: {  	_ =	shalt  }
0x84: {  	_ =	shalt  }
0x85: {  	_ =	shalt  }
0x86: {  	_ =	shalt  }
0x87: {  	_ =	shalt  }
.Lfunc_end0:
.L_simem_size_0:
called_computation.3_lowered:
.L_overlay_start_0:
0x88: {  	s2 =	sld [smem:$0x3FD9]  }
0x89: {  	s3 =	sld [smem:$0x3FFE];
	_ =	sdelay $0x1  }
0x8a: {  	s1 =	srdreg.scid  }
0x8b: {  	s0 =	sand.u32 $0x1, s1  }
0x8c: {  	s17 =	sshll.u32 s0, $0xA;
	s2 =	sadd.s32 s3, s2  }
0x8d: {  	s2 =	sadd.s32 s2, s17  }
0x8e: {  	[smem:$0x3FC1] =	sst s2  }
0x8f: {  	_ = 	snop  }
0x90: {  	s2 =	sld [smem:$0x3FD0];
	(tm) =	ssettm $0x1  }
0x91: {  	s18 =	sld [smem:$0x3FFB];
	_ =	sdelay $0x3  }
0x92: {  	_ =	strace s18  }
0x93: {  	s3 =	sld [smem:$0x3FFC];
	_ =	sdelay $0x3  }
0x94: {  	_ =	strace s3  }
0x95: {  	s3 =	sld [smem:$0x3FFD];
	_ =	sdelay $0x3  }
0x96: {  	_ =	strace s3  }
0x97: {  	_ =	strace $0x8FFFFFFF  }
0x98: {  	s19 =	sld [smem:$0x3FDB];
	_ =	sdelay $0x1  }
0x99: {  	s4 =	simm.s32 $_scs_section_size  }
0x9a: {  	s5 =	simm.s32 $_size__tile_overlayer_lowered;
	s6 =	simm.s32 $_tile_overlayer_lowered  }
0x9b: {  	s22 =	simm.s32 $0x1BFF;
	s21 =	sshll.u32 s6, $0x1;
	s3 =	sadd.s32 s4, s19  }
0x9c: {  	s7 =	simm.s32 $0x0;
	s20 =	sshll.u32 s5, $0x1;
	s5 =	sadd.s32 s21, s3  }
0x9d: {  	[timem:s7], [sflag:s22] =	dma.local [hbm:s5], s20  }
0x9e: {  	_ =	swait.ge [sflag:s22], s20  }
0x9f: {  	s4 =	ssub.s32 $0x0, s20;
	[sflag:s22] =	ssyncset.done $0x0  }
0xa0: {  	[sflag:s22] =	ssyncadd.s32 s4;
	_ =	sdelay $0x1  }
0xa1: {  	s23 =	simm.s32 $0x1B8B  }
0xa2: {  	_ =	swait.ge [sflag:s23], $0x1  }
0xa3: {  	[sflag:s23] =	ssyncset.done $0x0  }
0xa4: {  	s25 =	simm.s32 $0x1B8E;
	s24 =	sld [smem:$0x3FFE];
	[sflag:s23] =	ssyncadd.s32 $0xFFFFFFFF  }
0xa5: {  	s26 =	simm.s32 $execute0_lowered;
	[smem:$0x3FD2] =	sst s25  }
0xa6: {  	s5 =	sshll.u32 s26, $0x1;
	_ =	strace $0x8000004F;
	[dreg:$0x1] =	wrdreg $0xFFFFFFFF  }
0xa7: {  	s28 =	simm.s32 $_size_execute0_lowered;
	s3 =	sadd.s32 s3, s5;
	[dreg:$0x0] =	wrdreg $0x0  }
0xa8: {  	s5 =	sshll.u32 s28, $0x1;
	[dreg:$0x2] =	wrdreg s3  }
0xa9: {  	[dreg:$0x3] =	wrdreg s5  }
0xaa: {  	[dreg:$0x4] =	wrdreg $0xC0  }
0xab: {  	_ =	task [dreg:s7], $0x5FFFF  }
0xac: {  	[dreg:$0x1] =	wrdreg $0xFFFFFFFF  }
0xad: {  	[dreg:$0x0] =	wrdreg $0x60  }
0xae: {  	[dreg:$0x2] =	wrdreg s24  }
0xaf: {  	[dreg:$0x3] =	wrdreg s2  }
0xb0: {  	[dreg:$0x4] =	wrdreg $0x188200  }
0xb1: {  	[dreg:$0x5] =	wrdreg $0x9  }
0xb2: {  	_ =	task.clear_ibuf [dreg:s7], $0x6FFFF;
	_ =	strace $0x9000004F  }
0xb3: {  	s29 =	simm.s32 $0x9;
	_ =	strace $0x80000051  }
0xb4: {  	_ =	swait.ge [sflag:s29], $0x1  }
0xb5: {  	[sflag:s29] =	ssyncadd.s32 $0xFFFFFFFF  }
0xb6: {  	_ =	strace $0x90000051  }
0xb7: {  	_ =	sfence  }
0xb8: {  	s30 =	sld [smem:$0x0];
	_ =	sdelay $0x2  }
0xb9: {  	s31 =	sshll.u32 s1, $0xD;
	s1 =	sshrl.u32 s1, $0x2  }
0xba: {  	s3 =	sand.u32 $0x4000, s31;
	s1 =	sadd.s32 s1, s30  }
0xbb: {  	s0 =	sor.u32 s3, s0;
	s1 =	sshll.u32 s1, $0x11  }
0xbc: {  	s0 =	sor.u32 s1, s0  }
0xbd: {  	s0 =	sadd.s32 $0x8F2B, s0  }
0xbe: {  	[sflag:s0] =	ssyncadd.remote.s32 $0x1  }
0xbf: {  	_ =	sfence.sel $0xFFFF  }
0xc0: {  	[dreg:$0x0] =	wrdreg $0xFFFFFFFF;
	(pc) =	sbr.abs _section_cstart, $3  }
0xc1: {  	[dreg:$0x1] =	wrdreg $0xFFFFFFFF  }
0xc2: {  	_ =	task.clear_ibuf [dreg:s7], $0x2FFFF;
	_ =	strace $0x9FFFFFFF  }
0xc3: {  	(tm) =	ssettm $0x7FFFFFFF  }
tec
execute0_lowered:
.L_overlay_start_1:
0x0: {  	(tag) =	ssettag $0x1  }
0x1: {  	s0 =	rddreg [dreg:$0x0]  }
0x2: {  	s3 =	rddreg [dreg:$0x2];
	s16 =	stileid.u32  }
0x3: {  	s4 =	simm.s32 $0x0;
	s2 =	srdreg.scid;
	s21 =	simm.s32 $0x14000  }
0x4: {  	s22 =	simm.s32 $0x14200;
	s23 =	simm.s32 $0x14400;
	s24 =	simm.s32 $0x14600  }
0x5: {  	s25 =	simm.s32 $0x1;
	s28 =	simm.s32 $0x3;
	s29 =	simm.s32 $0x4  }
0x6: {  	s30 =	simm.s32 $0x10;
	s1 =	sand.u32 $0x7, s16;
	[smem:$0x7FF] =	sst s4  }
0x7: {  	s5 =	sadd.s32 $0x5CC00, s0;
	s6 =	sadd.s32 $0x48A00, s0;
	s7 =	smul.u32 $0xA00, s16  }
0x8: {  	s2 =	sand.u32 $0x1, s2;
	s9 =	sshrl.u32 s16, $0x3;
	s11 =	smul.u32 $0x14000, s16  }
0x9: {  	s31 =	sshll.u32 s16, $0x6;
	s16 =	simm.s32 $0x0;
	s1 =	smul.u32 $0x2800, s1  }
0xa: {  	s8 =	smul.u32 $0xA000, s2;
	s10 =	sshll.u32 s2, $0x1;
	s2 =	ssub.s32 $0x2, s2  }
0xb: {  	_ =	strace $0x80000050;
	s10 =	sor.u32 s9, s10;
	s12 =	sshrl.u32 s2, $0x1  }
0xc: {  	s15 =	sshrl.u32 s11, $0x2;
	s11 =	smul.u32 $0x140, s9;
	s9 =	simm.s32 $0x6  }
0xd: {  	s1 =	sadd.s32 s1, s0;
	s8 =	sadd.s32 s7, s8;
	s7 =	smul.u32 $0x28200, s10  }
0xe: {  	s2 =	ssub.s32 s2, s12;
	s17 =	sadd.s32 s15, s3;
	s10 =	sor.u32 $0x1C07, s31  }
0xf: {  	s0 =	sadd.s32 s8, s0;
	s1 =	sadd.s32 $0x1600, s1;
	[dreg:$0xa] =	wrdreg s10  }
0x10: {  	s20 =	sor.u32 $0x10, s11;
	s26 =	smax.u32 s2, $0x1;
	[dreg:$0x5] =	wrdreg s1  }
0x11: {  	s2 =	simm.s32 $0x7;
	s18 =	sshrl.u32 s7, $0x3;
	[dreg:$0x9] =	wrdreg s26  }
0x12: {  	s12 =	sadd.s32 $0x400, s7;
	s0 =	sadd.s32 $0x15600, s0;
	[dreg:$0x4] =	wrdreg s7  }
0x13: {  	s13 =	sadd.s32 $0x2200, s7;
	s1 =	sshrl.u32 s17, $0x3;
	[dreg:$0x8] =	wrdreg s0  }
0x14: {  	s14 =	sadd.s32 $0x2400, s7;
	s19 =	sadd.s32 s5, s18;
	[dreg:$0xb] =	wrdreg s1  }
0x15: {  	v0 =	vlaneseq.u32;
	s15 =	sadd.s32 $0x200, s7;
	s8 =	sadd.s32 s6, s18;
	[dreg:$0x6] =	wrdreg s19  }
0x16: {  	v2 =	vor.u32 s11, v0;
	s26 =	simm.s32 $0x2;
	v1 =	vor.u32 s20, v0;
	[dreg:$0x7] =	wrdreg s8;
	s8 =	simm.s32 $0x5  }
.LBB2_1:
0x17: {  	[dreg:$0xc] =	wrdreg s16  }
0x18: {  	s0 =	rddreg [dreg:$0x5]  }
0x19: {  	[tilespmem:s4], [sflag:$0x7] =	stream.linear.gather [hbm4b:s0+s4], $0x14000, $0x38;
	[tilespmem:$0x1D820] =	vst v63  }
0x1a: {  	_ =	swait.ge [sflag:s2], $0x14000  }
0x1b: {  	[sflag:s2] =	ssyncset.done $0x0  }
0x1c: {  	[sflag:s2] =	ssyncadd.s32 $0xFFFEC000  }
0x1d: {  	s19 =	rddreg [dreg:$0x1]  }
0x1e: {  	[spmem:s1], [sflag:s10] =	dma.local [hbm:s19], $0xA00  }
0x1f: {  	_ =	swait.ge [sflag:s2], $0xA00  }
0x20: {  	[sflag:s2] =	ssyncset.done $0x0  }
0x21: {  	[sflag:s2] =	ssyncadd.s32 $0xFFFFF600  }
0x22: {  	[bflag:$0x0] =	sbarrier.arrive $0xFFFF  }
0x23: {  	s16 =	simm.s32 $0x14A00;
	s20 =	rddreg [dreg:$0x6]  }
0x24: {  	[tilespmem:s21], [sflag:$0x1] =	stream.linear.gather [hbm4b:s20+s4], $0x200, $0x38;
	[tilespmem:$0x1D820] =	vst v63  }
0x25: {  	s17 =	simm.s32 $0x14800;
	s18 =	simm.s32 $0x0;
	s31 =	rddreg [dreg:$0x7]  }
0x26: {  	[tilespmem:s22], [sflag:$0x2] =	stream.linear.gather [hbm4b:s31+s4], $0x200, $0x38;
	[tilespmem:$0x1D820] =	vst v63  }
.LBB2_2:
0x27: {  	s10 =	sshll.u32 s18, $0xA  }
0x28: {  	s0 =	sadd.s32 s10, s7  }
0x29: {  	s0 =	sadd.s32 $0x200, s0  }
0x2a: {  	s0 =	sshrl.u32 s0, $0x3  }
0x2b: {  	s2 =	simm.s32 $0x0;
	s1 =	sadd.s32 s5, s0  }
0x2c: {  	[tilespmem:s23], [sflag:$0x3] =	stream.linear.gather [hbm4b:s1+s2], $0x200, $0x38;
	[tilespmem:$0x1D820] =	vst v63  }
0x2d: {  	s0 =	sadd.s32 s6, s0  }
0x2e: {  	[tilespmem:s24], [sflag:$0x4] =	stream.linear.gather [hbm4b:s0+s2], $0x200, $0x38;
	[tilespmem:$0x1D820] =	vst v63  }
0x2f: {  	_ =	swait.ge [sflag:s25], $0x200  }
0x30: {  	[sflag:s25] =	ssyncset.done $0x0  }
0x31: {  	[sflag:s25] =	ssyncadd.s32 $0xFFFFFE00  }
0x32: {  	_ =	swait.ge [sflag:s26], $0x200  }
0x33: {  	[sflag:s26] =	ssyncset.done $0x0  }
0x34: {  	s0 =	simm.s32 $0x0;
	[sflag:s26] =	ssyncadd.s32 $0xFFFFFE00  }
0x35: {  	v8 =	vld [tilespmem:s0+$0x14000]  }
0x36: {  	v16 =	vld [tilespmem:s0+$0x14200];
	_ =	sdelay $0x3  }
0x37: {  	v3 =	vadd.s32 $0xA000, v8  }
0x38: {  	v4 =	vadd.s32 $0xA000, v16  }
0x39: {  	v5 =	vadd.s32 $0x2800, v8  }
0x3a: {  	v6 =	vadd.s32 $0x2800, v16;
	v18 =	vld.idx.msk [tilespmem:v8+s4+$0x0], $0xffff  }
0x3b: {  	v10 =	vadd.s32 $0x11800, v8;
	v19 =	vld.idx.msk [tilespmem:v16+s4+$0x0], $0xffff  }
0x3c: {  	v13 =	vadd.s32 $0x5000, v8;
	v7 =	vld.idx.msk [tilespmem:v3+s4+$0x0], $0xffff  }
0x3d: {  	v20 =	vadd.s32 $0x5000, v16;
	v9 =	vld.idx.msk [tilespmem:v4+s4+$0x0], $0xffff  }
0x3e: {  	v17 =	vadd.s32 $0x11800, v16;
	v11 =	vld.idx.msk [tilespmem:v5+s4+$0x0], $0xffff  }
0x3f: {  	v12 =	vadd.s32 $0xC800, v8;
	v14 =	vld.idx.msk [tilespmem:v6+s4+$0x0], $0xffff  }
0x40: {  	v4 =	vld.idx.msk [tilespmem:v10+s4+$0x0], $0xffff;
	v10 =	vadd.s32 $0xC800, v16  }
0x41: {  	v3 =	vmov s17;
	v6 =	vadd.s32 $0xF000, v8;
	v15 =	vld.idx.msk [tilespmem:v13+s4+$0x0], $0xffff;
	v18 =	vmul.f32 v19, v18  }
0x42: {  	s1 =	simm.s32 $0x40;
	v5 =	vadd.s32 $0x7800, v8;
	v8 =	vadd.s32 $0x7800, v16;
	v13 =	vadd.s32 $0xF000, v16;
	v16 =	vld.idx.msk [tilespmem:v20+s4+$0x0], $0xffff  }
.LBB2_3:
0x43: {  	p0 =	sne.s32 s1, $0x7C0;
	v18 =	vadd.f32 $0.0e+00, v18;
	v17 =	vld.idx.msk [tilespmem:v17+s4+$0x0], $0xffff;
	s2 =	smov.u32 s1;
	s1 =	sadd.s32 $0x40, s1  }
0x44: {  	v12 =	vld.idx.msk [tilespmem:v12+s4+$0x0], $0xffff  }
0x45: {  	v10 =	vld.idx.msk [tilespmem:v10+s4+$0x0], $0xffff  }
0x46: {  	v11 =	vmul.f32 v14, v11;
	v6 =	vld.idx.msk [tilespmem:v6+s4+$0x0], $0xffff  }
0x47: {  	v13 =	vld.idx.msk [tilespmem:v13+s4+$0x0], $0xffff  }
0x48: {  	v11 =	vadd.f32 v11, v18;
	v14 =	vmul.f32 v16, v15;
	v5 =	vld.idx.msk [tilespmem:v5+s4+$0x0], $0xffff  }
0x49: {  	v7 =	vmul.f32 v9, v7;
	v8 =	vld.idx.msk [tilespmem:v8+s4+$0x0], $0xffff  }
0x4a: {  	s2 =	sshra.s32 s2, $0x2;
	v9 =	vadd.f32 v14, v11  }
0x4b: {  	v7 =	vadd.f32 $0.0e+00, v7;
	v10 =	vmul.f32 v10, v12;
	_ =	sdelay $0x1  }
0x4c: {  	v7 =	vadd.f32 v10, v7;
	v6 =	vmul.f32 v13, v6;
	_ =	sdelay $0x1  }
0x4d: {  	v4 =	vmul.f32 v17, v4;
	v5 =	vmul.f32 v8, v5;
	v6 =	vadd.f32 v6, v7;
	_ =	sdelay $0x1  }
0x4e: {  	v5 =	vadd.f32 v5, v9;
	v4 =	vadd.f32 v4, v6;
	_ =	sdelay $0x1  }
0x4f: {  	v4 =	vadd.f32 v4, v5;
	_ =	sdelay $0x1  }
0x50: {  	[tilespmem:v3+s0+$0x0 ss:$0x1] =	vst.idx.msk $0xffff, v4;
	s0 =	smov.u32 s2  }
0x51: {  	v4 =	vld [tilespmem:s0+$0x14000]  }
0x52: {  	v9 =	vld [tilespmem:s0+$0x14200];
	_ =	sdelay $0x3  }
0x53: {  	v15 =	vadd.s32 $0x5000, v4;
	v7 =	vadd.s32 $0xA000, v4;
	v6 =	vadd.s32 $0xF000, v4  }
0x54: {  	v11 =	vadd.s32 $0x2800, v4;
	v5 =	vadd.s32 $0x7800, v4;
	v14 =	vadd.s32 $0xA000, v9  }
0x55: {  	v12 =	vadd.s32 $0xC800, v4;
	v16 =	vadd.s32 $0x2800, v9;
	v10 =	vadd.s32 $0xC800, v9  }
0x56: {  	v8 =	vadd.s32 $0x7800, v9;
	v13 =	vadd.s32 $0xF000, v9;
	v17 =	vadd.s32 $0x11800, v9;
	v18 =	vld.idx.msk [tilespmem:v4+s4+$0x0], $0xffff  }
0x57: {  	v4 =	vadd.s32 $0x11800, v4;
	v19 =	vld.idx.msk [tilespmem:v9+s4+$0x0], $0xffff  }
0x58: {  	v7 =	vld.idx.msk [tilespmem:v7+s4+$0x0], $0xffff  }
0x59: {  	v20 =	vadd.s32 $0x5000, v9;
	v9 =	vld.idx.msk [tilespmem:v14+s4+$0x0], $0xffff  }
.Ltmp0:
0x5a: {  	v11 =	vld.idx.msk [tilespmem:v11+s4+$0x0], $0xffff;
	(pc) =	sbr.rel @p0 .LBB2_3-.Ltmp0, $4  }
0x5b: {  	v14 =	vld.idx.msk [tilespmem:v16+s4+$0x0], $0xffff  }
0x5c: {  	v4 =	vld.idx.msk [tilespmem:v4+s4+$0x0], $0xffff  }
0x5d: {  	v18 =	vmul.f32 v19, v18;
	v15 =	vld.idx.msk [tilespmem:v15+s4+$0x0], $0xffff  }
0x5e: {  	v16 =	vld.idx.msk [tilespmem:v20+s4+$0x0], $0xffff  }
0x5f: {  	_ =	sdelay $0x3  }
0x60: {  	v12 =	vld.idx.msk [tilespmem:v12+s4+$0x0], $0xffff  }
0x61: {  	v10 =	vld.idx.msk [tilespmem:v10+s4+$0x0], $0xffff  }
0x62: {  	v6 =	vld.idx.msk [tilespmem:v6+s4+$0x0], $0xffff  }
0x63: {  	v13 =	vld.idx.msk [tilespmem:v13+s4+$0x0], $0xffff  }
0x64: {  	v5 =	vld.idx.msk [tilespmem:v5+s4+$0x0], $0xffff  }
0x65: {  	v7 =	vmul.f32 v9, v7;
	v8 =	vld.idx.msk [tilespmem:v8+s4+$0x0], $0xffff  }
0x66: {  	v17 =	vld.idx.msk [tilespmem:v17+s4+$0x0], $0xffff;
	v9 =	vadd.f32 $0.0e+00, v18;
	v11 =	vmul.f32 v14, v11  }
0x67: {  	v7 =	vadd.f32 $0.0e+00, v7;
	v10 =	vmul.f32 v10, v12  }
0x68: {  	v9 =	vadd.f32 v11, v9  }
0x69: {  	v11 =	vmul.f32 v16, v15;
	v6 =	vmul.f32 v13, v6;
	v7 =	vadd.f32 v10, v7  }
0x6a: {  	v5 =	vmul.f32 v8, v5  }
0x6b: {  	v4 =	vmul.f32 v17, v4;
	v9 =	vadd.f32 v11, v9;
	v6 =	vadd.f32 v6, v7;
	_ =	sdelay $0x1  }
0x6c: {  	v5 =	vadd.f32 v5, v9;
	v4 =	vadd.f32 v4, v6;
	_ =	sdelay $0x1  }
0x6d: {  	s1 =	sadd.s32 s10, s12;
	v4 =	vadd.f32 v4, v5  }
0x6e: {  	s1 =	sshrl.u32 s1, $0x3  }
0x6f: {  	s2 =	simm.s32 $0x0;
	s20 =	sadd.s32 s5, s1;
	[tilespmem:v3+s0+$0x0 ss:$0x1] =	vst.idx.msk $0xffff, v4  }
0x70: {  	[tilespmem:s21], [sflag:$0x1] =	stream.linear.gather [hbm4b:s20+s2], $0x200, $0x38;
	[tilespmem:$0x1D820] =	vst v63  }
0x71: {  	s31 =	sadd.s32 s6, s1  }
0x72: {  	[tilespmem:s22], [sflag:$0x2] =	stream.linear.gather [hbm4b:s31+s2], $0x200, $0x38;
	[tilespmem:$0x1D820] =	vst v63  }
0x73: {  	_ =	swait.ge [sflag:s28], $0x200  }
0x74: {  	[sflag:s28] =	ssyncset.done $0x0  }
0x75: {  	[sflag:s28] =	ssyncadd.s32 $0xFFFFFE00  }
0x76: {  	_ =	swait.ge [sflag:s29], $0x200  }
0x77: {  	[sflag:s29] =	ssyncset.done $0x0  }
0x78: {  	s0 =	simm.s32 $0x0;
	[sflag:s29] =	ssyncadd.s32 $0xFFFFFE00  }
0x79: {  	v8 =	vld [tilespmem:s0+$0x14400]  }
0x7a: {  	v16 =	vld [tilespmem:s0+$0x14600];
	_ =	sdelay $0x3  }
0x7b: {  	v3 =	vadd.s32 $0xA000, v8  }
0x7c: {  	v4 =	vadd.s32 $0xA000, v16  }
0x7d: {  	v5 =	vadd.s32 $0x2800, v8  }
0x7e: {  	v6 =	vadd.s32 $0x2800, v16;
	v18 =	vld.idx.msk [tilespmem:v8+s4+$0x0], $0xffff  }
0x7f: {  	v10 =	vadd.s32 $0x11800, v8;
	v19 =	vld.idx.msk [tilespmem:v16+s4+$0x0], $0xffff  }
0x80: {  	v13 =	vadd.s32 $0x5000, v8;
	v7 =	vld.idx.msk [tilespmem:v3+s4+$0x0], $0xffff  }
0x81: {  	v20 =	vadd.s32 $0x5000, v16;
	v9 =	vld.idx.msk [tilespmem:v4+s4+$0x0], $0xffff  }
0x82: {  	v17 =	vadd.s32 $0x11800, v16;
	v11 =	vld.idx.msk [tilespmem:v5+s4+$0x0], $0xffff  }
0x83: {  	v12 =	vadd.s32 $0xC800, v8;
	v14 =	vld.idx.msk [tilespmem:v6+s4+$0x0], $0xffff  }
0x84: {  	v4 =	vld.idx.msk [tilespmem:v10+s4+$0x0], $0xffff;
	v10 =	vadd.s32 $0xC800, v16  }
0x85: {  	v3 =	vmov s16;
	v6 =	vadd.s32 $0xF000, v8;
	v15 =	vld.idx.msk [tilespmem:v13+s4+$0x0], $0xffff;
	v18 =	vmul.f32 v19, v18  }
0x86: {  	s1 =	simm.s32 $0x40;
	v5 =	vadd.s32 $0x7800, v8;
	v8 =	vadd.s32 $0x7800, v16;
	v13 =	vadd.s32 $0xF000, v16;
	v16 =	vld.idx.msk [tilespmem:v20+s4+$0x0], $0xffff  }
.LBB2_5:
0x87: {  	p0 =	sne.s32 s1, $0x7C0;
	v18 =	vadd.f32 $0.0e+00, v18;
	v17 =	vld.idx.msk [tilespmem:v17+s4+$0x0], $0xffff;
	s2 =	smov.u32 s1;
	s1 =	sadd.s32 $0x40, s1  }
0x88: {  	v12 =	vld.idx.msk [tilespmem:v12+s4+$0x0], $0xffff  }
0x89: {  	v10 =	vld.idx.msk [tilespmem:v10+s4+$0x0], $0xffff  }
0x8a: {  	v11 =	vmul.f32 v14, v11;
	v6 =	vld.idx.msk [tilespmem:v6+s4+$0x0], $0xffff  }
0x8b: {  	v13 =	vld.idx.msk [tilespmem:v13+s4+$0x0], $0xffff  }
0x8c: {  	v11 =	vadd.f32 v11, v18;
	v14 =	vmul.f32 v16, v15;
	v5 =	vld.idx.msk [tilespmem:v5+s4+$0x0], $0xffff  }
0x8d: {  	v7 =	vmul.f32 v9, v7;
	v8 =	vld.idx.msk [tilespmem:v8+s4+$0x0], $0xffff  }
0x8e: {  	s2 =	sshra.s32 s2, $0x2;
	v9 =	vadd.f32 v14, v11  }
0x8f: {  	v7 =	vadd.f32 $0.0e+00, v7;
	v10 =	vmul.f32 v10, v12;
	_ =	sdelay $0x1  }
0x90: {  	v7 =	vadd.f32 v10, v7;
	v6 =	vmul.f32 v13, v6;
	_ =	sdelay $0x1  }
0x91: {  	v4 =	vmul.f32 v17, v4;
	v5 =	vmul.f32 v8, v5;
	v6 =	vadd.f32 v6, v7;
	_ =	sdelay $0x1  }
0x92: {  	v5 =	vadd.f32 v5, v9;
	v4 =	vadd.f32 v4, v6;
	_ =	sdelay $0x1  }
0x93: {  	v4 =	vadd.f32 v4, v5;
	_ =	sdelay $0x1  }
0x94: {  	[tilespmem:v3+s0+$0x0 ss:$0x1] =	vst.idx.msk $0xffff, v4;
	s0 =	smov.u32 s2  }
0x95: {  	v4 =	vld [tilespmem:s0+$0x14400]  }
0x96: {  	v9 =	vld [tilespmem:s0+$0x14600];
	_ =	sdelay $0x3  }
0x97: {  	v15 =	vadd.s32 $0x5000, v4;
	v7 =	vadd.s32 $0xA000, v4;
	v6 =	vadd.s32 $0xF000, v4  }
0x98: {  	v11 =	vadd.s32 $0x2800, v4;
	v5 =	vadd.s32 $0x7800, v4;
	v14 =	vadd.s32 $0xA000, v9  }
0x99: {  	v12 =	vadd.s32 $0xC800, v4;
	v16 =	vadd.s32 $0x2800, v9;
	v10 =	vadd.s32 $0xC800, v9  }
0x9a: {  	v8 =	vadd.s32 $0x7800, v9;
	v13 =	vadd.s32 $0xF000, v9;
	v17 =	vadd.s32 $0x11800, v9;
	v18 =	vld.idx.msk [tilespmem:v4+s4+$0x0], $0xffff  }
0x9b: {  	v4 =	vadd.s32 $0x11800, v4;
	v19 =	vld.idx.msk [tilespmem:v9+s4+$0x0], $0xffff  }
0x9c: {  	v7 =	vld.idx.msk [tilespmem:v7+s4+$0x0], $0xffff  }
0x9d: {  	v20 =	vadd.s32 $0x5000, v9;
	v9 =	vld.idx.msk [tilespmem:v14+s4+$0x0], $0xffff  }
.Ltmp1:
0x9e: {  	v11 =	vld.idx.msk [tilespmem:v11+s4+$0x0], $0xffff;
	(pc) =	sbr.rel @p0 .LBB2_5-.Ltmp1, $4  }
0x9f: {  	v14 =	vld.idx.msk [tilespmem:v16+s4+$0x0], $0xffff  }
0xa0: {  	v4 =	vld.idx.msk [tilespmem:v4+s4+$0x0], $0xffff  }
0xa1: {  	v18 =	vmul.f32 v19, v18;
	v15 =	vld.idx.msk [tilespmem:v15+s4+$0x0], $0xffff  }
0xa2: {  	v16 =	vld.idx.msk [tilespmem:v20+s4+$0x0], $0xffff  }
0xa3: {  	_ =	sdelay $0x3  }
0xa4: {  	v12 =	vld.idx.msk [tilespmem:v12+s4+$0x0], $0xffff  }
0xa5: {  	v10 =	vld.idx.msk [tilespmem:v10+s4+$0x0], $0xffff  }
0xa6: {  	v6 =	vld.idx.msk [tilespmem:v6+s4+$0x0], $0xffff  }
0xa7: {  	v13 =	vld.idx.msk [tilespmem:v13+s4+$0x0], $0xffff  }
0xa8: {  	v5 =	vld.idx.msk [tilespmem:v5+s4+$0x0], $0xffff  }
0xa9: {  	v7 =	vmul.f32 v9, v7;
	v8 =	vld.idx.msk [tilespmem:v8+s4+$0x0], $0xffff  }
0xaa: {  	v17 =	vld.idx.msk [tilespmem:v17+s4+$0x0], $0xffff;
	v62 =	vadd.f32 $0.0e+00, v18;
	v11 =	vmul.f32 v14, v11  }
0xab: {  	v7 =	vadd.f32 $0.0e+00, v7;
	v10 =	vmul.f32 v10, v12  }
0xac: {  	v9 =	vadd.f32 v11, v62  }
0xad: {  	v63 =	vmul.f32 v16, v15;
	v6 =	vmul.f32 v13, v6;
	v7 =	vadd.f32 v10, v7  }
0xae: {  	v5 =	vmul.f32 v8, v5  }
0xaf: {  	s18 =	sadd.s32 $0x1, s18;
	v4 =	vmul.f32 v17, v4;
	v9 =	vadd.f32 v63, v9;
	v6 =	vadd.f32 v6, v7  }
0xb0: {  	p0 =	sne.s32 s18, $0x8  }
.Ltmp2:
0xb1: {  	v5 =	vadd.f32 v5, v9;
	v4 =	vadd.f32 v4, v6;
	(pc) =	sbr.rel @p0 .LBB2_2-.Ltmp2, $3  }
0xb2: {  	_ = 	snop  }
0xb3: {  	v4 =	vadd.f32 v4, v5;
	_ =	sdelay $0x1  }
0xb4: {  	s17 =	sadd.s32 $0x400, s17;
	s16 =	sadd.s32 $0x400, s16;
	[tilespmem:v3+s0+$0x0 ss:$0x1] =	vst.idx.msk $0xffff, v4  }
0xb5: {  	s0 =	simm.s32 $0x18800;
	s1 =	simm.s32 $0x14800;
	s16 =	simm.s32 $0x0  }
0xb6: {  	[tilespmem:$0x18800] =	vst v2;
	s17 =	simm.s32 $0x16800;
	s10 =	simm.s32 $0x16A00;
	s18 =	simm.s32 $0x0  }
0xb7: {  	[spmem:s3] =	stream.indirect.scatter.add.f32 [tilespmem:s1], [sflag:$0x5], $0x200, s0, s30, $0xb8;
	[tilespmem:$0x1D820] =	vst v63  }
.LBB2_8:
0xb8: {  	s19 =	sshll.u32 s18, $0xA  }
0xb9: {  	s0 =	sadd.s32 s19, s13  }
0xba: {  	s0 =	sshrl.u32 s0, $0x3  }
0xbb: {  	s1 =	sadd.s32 s5, s0  }
0xbc: {  	[tilespmem:s23], [sflag:$0x3] =	stream.linear.gather [hbm4b:s1+s16], $0x200, $0x38;
	[tilespmem:$0x1D820] =	vst v63  }
0xbd: {  	s0 =	sadd.s32 s6, s0  }
0xbe: {  	[tilespmem:s24], [sflag:$0x4] =	stream.linear.gather [hbm4b:s0+s16], $0x200, $0x38;
	[tilespmem:$0x1D820] =	vst v63  }
0xbf: {  	_ =	swait.ge [sflag:s25], $0x200  }
0xc0: {  	[sflag:s25] =	ssyncset.done $0x0  }
0xc1: {  	[sflag:s25] =	ssyncadd.s32 $0xFFFFFE00  }
0xc2: {  	_ =	swait.ge [sflag:s26], $0x200  }
0xc3: {  	[sflag:s26] =	ssyncset.done $0x0  }
0xc4: {  	s0 =	simm.s32 $0x0;
	[sflag:s26] =	ssyncadd.s32 $0xFFFFFE00  }
0xc5: {  	v8 =	vld [tilespmem:s0+$0x14000]  }
0xc6: {  	v16 =	vld [tilespmem:s0+$0x14200];
	_ =	sdelay $0x3  }
0xc7: {  	v3 =	vadd.s32 $0xA000, v8  }
0xc8: {  	v4 =	vadd.s32 $0xA000, v16  }
0xc9: {  	v5 =	vadd.s32 $0x2800, v8  }
0xca: {  	v6 =	vadd.s32 $0x2800, v16;
	v18 =	vld.idx.msk [tilespmem:v8+s4+$0x0], $0xffff  }
0xcb: {  	v10 =	vadd.s32 $0x11800, v8;
	v19 =	vld.idx.msk [tilespmem:v16+s4+$0x0], $0xffff  }
0xcc: {  	v13 =	vadd.s32 $0x5000, v8;
	v7 =	vld.idx.msk [tilespmem:v3+s4+$0x0], $0xffff  }
0xcd: {  	v20 =	vadd.s32 $0x5000, v16;
	v9 =	vld.idx.msk [tilespmem:v4+s4+$0x0], $0xffff  }
0xce: {  	v17 =	vadd.s32 $0x11800, v16;
	v11 =	vld.idx.msk [tilespmem:v5+s4+$0x0], $0xffff  }
0xcf: {  	v12 =	vadd.s32 $0xC800, v8;
	v14 =	vld.idx.msk [tilespmem:v6+s4+$0x0], $0xffff  }
0xd0: {  	v4 =	vld.idx.msk [tilespmem:v10+s4+$0x0], $0xffff;
	v10 =	vadd.s32 $0xC800, v16  }
0xd1: {  	v3 =	vmov s17;
	v6 =	vadd.s32 $0xF000, v8;
	v15 =	vld.idx.msk [tilespmem:v13+s4+$0x0], $0xffff;
	v18 =	vmul.f32 v19, v18  }
0xd2: {  	s1 =	simm.s32 $0x40;
	v5 =	vadd.s32 $0x7800, v8;
	v8 =	vadd.s32 $0x7800, v16;
	v13 =	vadd.s32 $0xF000, v16;
	v16 =	vld.idx.msk [tilespmem:v20+s4+$0x0], $0xffff  }
.LBB2_9:
0xd3: {  	p0 =	sne.s32 s1, $0x7C0;
	v18 =	vadd.f32 $0.0e+00, v18;
	v17 =	vld.idx.msk [tilespmem:v17+s4+$0x0], $0xffff;
	s2 =	smov.u32 s1;
	s1 =	sadd.s32 $0x40, s1  }
0xd4: {  	v12 =	vld.idx.msk [tilespmem:v12+s4+$0x0], $0xffff  }
0xd5: {  	v10 =	vld.idx.msk [tilespmem:v10+s4+$0x0], $0xffff  }
0xd6: {  	v11 =	vmul.f32 v14, v11;
	v6 =	vld.idx.msk [tilespmem:v6+s4+$0x0], $0xffff  }
0xd7: {  	v13 =	vld.idx.msk [tilespmem:v13+s4+$0x0], $0xffff  }
0xd8: {  	v11 =	vadd.f32 v11, v18;
	v14 =	vmul.f32 v16, v15;
	v5 =	vld.idx.msk [tilespmem:v5+s4+$0x0], $0xffff  }
0xd9: {  	v7 =	vmul.f32 v9, v7;
	v8 =	vld.idx.msk [tilespmem:v8+s4+$0x0], $0xffff  }
0xda: {  	s2 =	sshra.s32 s2, $0x2;
	v9 =	vadd.f32 v14, v11  }
0xdb: {  	v7 =	vadd.f32 $0.0e+00, v7;
	v10 =	vmul.f32 v10, v12;
	_ =	sdelay $0x1  }
0xdc: {  	v7 =	vadd.f32 v10, v7;
	v6 =	vmul.f32 v13, v6;
	_ =	sdelay $0x1  }
0xdd: {  	v4 =	vmul.f32 v17, v4;
	v5 =	vmul.f32 v8, v5;
	v6 =	vadd.f32 v6, v7;
	_ =	sdelay $0x1  }
0xde: {  	v5 =	vadd.f32 v5, v9;
	v4 =	vadd.f32 v4, v6;
	_ =	sdelay $0x1  }
0xdf: {  	v4 =	vadd.f32 v4, v5;
	_ =	sdelay $0x1  }
0xe0: {  	[tilespmem:v3+s0+$0x0 ss:$0x1] =	vst.idx.msk $0xffff, v4;
	s0 =	smov.u32 s2  }
0xe1: {  	v4 =	vld [tilespmem:s0+$0x14000]  }
0xe2: {  	v9 =	vld [tilespmem:s0+$0x14200];
	_ =	sdelay $0x3  }
0xe3: {  	v15 =	vadd.s32 $0x5000, v4;
	v7 =	vadd.s32 $0xA000, v4;
	v6 =	vadd.s32 $0xF000, v4  }
0xe4: {  	v11 =	vadd.s32 $0x2800, v4;
	v5 =	vadd.s32 $0x7800, v4;
	v14 =	vadd.s32 $0xA000, v9  }
0xe5: {  	v12 =	vadd.s32 $0xC800, v4;
	v16 =	vadd.s32 $0x2800, v9;
	v10 =	vadd.s32 $0xC800, v9  }
0xe6: {  	v8 =	vadd.s32 $0x7800, v9;
	v13 =	vadd.s32 $0xF000, v9;
	v17 =	vadd.s32 $0x11800, v9;
	v18 =	vld.idx.msk [tilespmem:v4+s4+$0x0], $0xffff  }
0xe7: {  	v4 =	vadd.s32 $0x11800, v4;
	v19 =	vld.idx.msk [tilespmem:v9+s4+$0x0], $0xffff  }
0xe8: {  	v7 =	vld.idx.msk [tilespmem:v7+s4+$0x0], $0xffff  }
0xe9: {  	v20 =	vadd.s32 $0x5000, v9;
	v9 =	vld.idx.msk [tilespmem:v14+s4+$0x0], $0xffff  }
.Ltmp3:
0xea: {  	v11 =	vld.idx.msk [tilespmem:v11+s4+$0x0], $0xffff;
	(pc) =	sbr.rel @p0 .LBB2_9-.Ltmp3, $4  }
0xeb: {  	v14 =	vld.idx.msk [tilespmem:v16+s4+$0x0], $0xffff  }
0xec: {  	v4 =	vld.idx.msk [tilespmem:v4+s4+$0x0], $0xffff  }
0xed: {  	v18 =	vmul.f32 v19, v18;
	v15 =	vld.idx.msk [tilespmem:v15+s4+$0x0], $0xffff  }
0xee: {  	v16 =	vld.idx.msk [tilespmem:v20+s4+$0x0], $0xffff  }
0xef: {  	_ =	sdelay $0x3  }
0xf0: {  	v12 =	vld.idx.msk [tilespmem:v12+s4+$0x0], $0xffff  }
0xf1: {  	v10 =	vld.idx.msk [tilespmem:v10+s4+$0x0], $0xffff  }
0xf2: {  	v6 =	vld.idx.msk [tilespmem:v6+s4+$0x0], $0xffff  }
0xf3: {  	v13 =	vld.idx.msk [tilespmem:v13+s4+$0x0], $0xffff  }
0xf4: {  	v5 =	vld.idx.msk [tilespmem:v5+s4+$0x0], $0xffff  }
0xf5: {  	v7 =	vmul.f32 v9, v7;
	v8 =	vld.idx.msk [tilespmem:v8+s4+$0x0], $0xffff  }
0xf6: {  	v17 =	vld.idx.msk [tilespmem:v17+s4+$0x0], $0xffff;
	v9 =	vadd.f32 $0.0e+00, v18;
	v11 =	vmul.f32 v14, v11  }
0xf7: {  	v7 =	vadd.f32 $0.0e+00, v7;
	v10 =	vmul.f32 v10, v12  }
0xf8: {  	v9 =	vadd.f32 v11, v9  }
0xf9: {  	v11 =	vmul.f32 v16, v15;
	v6 =	vmul.f32 v13, v6;
	v7 =	vadd.f32 v10, v7  }
0xfa: {  	v5 =	vmul.f32 v8, v5  }
0xfb: {  	v4 =	vmul.f32 v17, v4;
	v9 =	vadd.f32 v11, v9;
	v6 =	vadd.f32 v6, v7;
	_ =	sdelay $0x1  }
0xfc: {  	v5 =	vadd.f32 v5, v9;
	v4 =	vadd.f32 v4, v6;
	_ =	sdelay $0x1  }
0xfd: {  	s1 =	sadd.s32 s19, s14;
	v4 =	vadd.f32 v4, v5  }
0xfe: {  	s1 =	sshrl.u32 s1, $0x3  }
0xff: {  	s2 =	simm.s32 $0x0;
	s20 =	sadd.s32 s5, s1;
	[tilespmem:v3+s0+$0x0 ss:$0x1] =	vst.idx.msk $0xffff, v4  }
0x100: {  	[tilespmem:s21], [sflag:$0x1] =	stream.linear.gather [hbm4b:s20+s2], $0x200, $0x38;
	[tilespmem:$0x1D820] =	vst v63  }
0x101: {  	s31 =	sadd.s32 s6, s1  }
0x102: {  	[tilespmem:s22], [sflag:$0x2] =	stream.linear.gather [hbm4b:s31+s2], $0x200, $0x38;
	[tilespmem:$0x1D820] =	vst v63  }
0x103: {  	_ =	swait.ge [sflag:s28], $0x200  }
0x104: {  	[sflag:s28] =	ssyncset.done $0x0  }
0x105: {  	[sflag:s28] =	ssyncadd.s32 $0xFFFFFE00  }
0x106: {  	_ =	swait.ge [sflag:s29], $0x200  }
0x107: {  	[sflag:s29] =	ssyncset.done $0x0  }
0x108: {  	s0 =	simm.s32 $0x0;
	[sflag:s29] =	ssyncadd.s32 $0xFFFFFE00  }
0x109: {  	v8 =	vld [tilespmem:s0+$0x14400]  }
0x10a: {  	v16 =	vld [tilespmem:s0+$0x14600];
	_ =	sdelay $0x3  }
0x10b: {  	v3 =	vadd.s32 $0xA000, v8  }
0x10c: {  	v4 =	vadd.s32 $0xA000, v16  }
0x10d: {  	v5 =	vadd.s32 $0x2800, v8  }
0x10e: {  	v6 =	vadd.s32 $0x2800, v16;
	v18 =	vld.idx.msk [tilespmem:v8+s4+$0x0], $0xffff  }
0x10f: {  	v10 =	vadd.s32 $0x11800, v8;
	v19 =	vld.idx.msk [tilespmem:v16+s4+$0x0], $0xffff  }
0x110: {  	v13 =	vadd.s32 $0x5000, v8;
	v7 =	vld.idx.msk [tilespmem:v3+s4+$0x0], $0xffff  }
0x111: {  	v20 =	vadd.s32 $0x5000, v16;
	v9 =	vld.idx.msk [tilespmem:v4+s4+$0x0], $0xffff  }
0x112: {  	v17 =	vadd.s32 $0x11800, v16;
	v11 =	vld.idx.msk [tilespmem:v5+s4+$0x0], $0xffff  }
0x113: {  	v12 =	vadd.s32 $0xC800, v8;
	v14 =	vld.idx.msk [tilespmem:v6+s4+$0x0], $0xffff  }
0x114: {  	v4 =	vld.idx.msk [tilespmem:v10+s4+$0x0], $0xffff;
	v10 =	vadd.s32 $0xC800, v16  }
0x115: {  	v3 =	vmov s10;
	v6 =	vadd.s32 $0xF000, v8;
	v15 =	vld.idx.msk [tilespmem:v13+s4+$0x0], $0xffff;
	v18 =	vmul.f32 v19, v18  }
0x116: {  	s1 =	simm.s32 $0x40;
	v5 =	vadd.s32 $0x7800, v8;
	v8 =	vadd.s32 $0x7800, v16;
	v13 =	vadd.s32 $0xF000, v16;
	v16 =	vld.idx.msk [tilespmem:v20+s4+$0x0], $0xffff  }
.LBB2_11:
0x117: {  	p0 =	sne.s32 s1, $0x7C0;
	v18 =	vadd.f32 $0.0e+00, v18;
	v17 =	vld.idx.msk [tilespmem:v17+s4+$0x0], $0xffff;
	s2 =	smov.u32 s1;
	s1 =	sadd.s32 $0x40, s1  }
0x118: {  	v12 =	vld.idx.msk [tilespmem:v12+s4+$0x0], $0xffff  }
0x119: {  	v10 =	vld.idx.msk [tilespmem:v10+s4+$0x0], $0xffff  }
0x11a: {  	v11 =	vmul.f32 v14, v11;
	v6 =	vld.idx.msk [tilespmem:v6+s4+$0x0], $0xffff  }
0x11b: {  	v13 =	vld.idx.msk [tilespmem:v13+s4+$0x0], $0xffff  }
0x11c: {  	v11 =	vadd.f32 v11, v18;
	v14 =	vmul.f32 v16, v15;
	v5 =	vld.idx.msk [tilespmem:v5+s4+$0x0], $0xffff  }
0x11d: {  	v7 =	vmul.f32 v9, v7;
	v8 =	vld.idx.msk [tilespmem:v8+s4+$0x0], $0xffff  }
0x11e: {  	s2 =	sshra.s32 s2, $0x2;
	v9 =	vadd.f32 v14, v11  }
0x11f: {  	v7 =	vadd.f32 $0.0e+00, v7;
	v10 =	vmul.f32 v10, v12;
	_ =	sdelay $0x1  }
0x120: {  	v7 =	vadd.f32 v10, v7;
	v6 =	vmul.f32 v13, v6;
	_ =	sdelay $0x1  }
0x121: {  	v4 =	vmul.f32 v17, v4;
	v5 =	vmul.f32 v8, v5;
	v6 =	vadd.f32 v6, v7;
	_ =	sdelay $0x1  }
0x122: {  	v5 =	vadd.f32 v5, v9;
	v4 =	vadd.f32 v4, v6;
	_ =	sdelay $0x1  }
0x123: {  	v4 =	vadd.f32 v4, v5;
	_ =	sdelay $0x1  }
0x124: {  	[tilespmem:v3+s0+$0x0 ss:$0x1] =	vst.idx.msk $0xffff, v4;
	s0 =	smov.u32 s2  }
0x125: {  	v4 =	vld [tilespmem:s0+$0x14400]  }
0x126: {  	v9 =	vld [tilespmem:s0+$0x14600];
	_ =	sdelay $0x3  }
0x127: {  	v15 =	vadd.s32 $0x5000, v4;
	v7 =	vadd.s32 $0xA000, v4;
	v6 =	vadd.s32 $0xF000, v4  }
0x128: {  	v11 =	vadd.s32 $0x2800, v4;
	v5 =	vadd.s32 $0x7800, v4;
	v14 =	vadd.s32 $0xA000, v9  }
0x129: {  	v12 =	vadd.s32 $0xC800, v4;
	v16 =	vadd.s32 $0x2800, v9;
	v10 =	vadd.s32 $0xC800, v9  }
0x12a: {  	v8 =	vadd.s32 $0x7800, v9;
	v13 =	vadd.s32 $0xF000, v9;
	v17 =	vadd.s32 $0x11800, v9;
	v18 =	vld.idx.msk [tilespmem:v4+s4+$0x0], $0xffff  }
0x12b: {  	v4 =	vadd.s32 $0x11800, v4;
	v19 =	vld.idx.msk [tilespmem:v9+s4+$0x0], $0xffff  }
0x12c: {  	v7 =	vld.idx.msk [tilespmem:v7+s4+$0x0], $0xffff  }
0x12d: {  	v20 =	vadd.s32 $0x5000, v9;
	v9 =	vld.idx.msk [tilespmem:v14+s4+$0x0], $0xffff  }
.Ltmp4:
0x12e: {  	v11 =	vld.idx.msk [tilespmem:v11+s4+$0x0], $0xffff;
	(pc) =	sbr.rel @p0 .LBB2_11-.Ltmp4, $4  }
0x12f: {  	v14 =	vld.idx.msk [tilespmem:v16+s4+$0x0], $0xffff  }
0x130: {  	v4 =	vld.idx.msk [tilespmem:v4+s4+$0x0], $0xffff  }
0x131: {  	v18 =	vmul.f32 v19, v18;
	v15 =	vld.idx.msk [tilespmem:v15+s4+$0x0], $0xffff  }
0x132: {  	v16 =	vld.idx.msk [tilespmem:v20+s4+$0x0], $0xffff  }
0x133: {  	_ =	sdelay $0x3  }
0x134: {  	v12 =	vld.idx.msk [tilespmem:v12+s4+$0x0], $0xffff  }
0x135: {  	v10 =	vld.idx.msk [tilespmem:v10+s4+$0x0], $0xffff  }
0x136: {  	v6 =	vld.idx.msk [tilespmem:v6+s4+$0x0], $0xffff  }
0x137: {  	v13 =	vld.idx.msk [tilespmem:v13+s4+$0x0], $0xffff  }
0x138: {  	v5 =	vld.idx.msk [tilespmem:v5+s4+$0x0], $0xffff  }
0x139: {  	v7 =	vmul.f32 v9, v7;
	v8 =	vld.idx.msk [tilespmem:v8+s4+$0x0], $0xffff  }
0x13a: {  	v17 =	vld.idx.msk [tilespmem:v17+s4+$0x0], $0xffff;
	v62 =	vadd.f32 $0.0e+00, v18;
	v11 =	vmul.f32 v14, v11  }
0x13b: {  	v7 =	vadd.f32 $0.0e+00, v7;
	v10 =	vmul.f32 v10, v12  }
0x13c: {  	v9 =	vadd.f32 v11, v62  }
0x13d: {  	v63 =	vmul.f32 v16, v15;
	v6 =	vmul.f32 v13, v6;
	v7 =	vadd.f32 v10, v7  }
0x13e: {  	v5 =	vmul.f32 v8, v5  }
0x13f: {  	s18 =	sadd.s32 $0x1, s18;
	v4 =	vmul.f32 v17, v4;
	v9 =	vadd.f32 v63, v9;
	v6 =	vadd.f32 v6, v7  }
0x140: {  	p0 =	sne.s32 s18, $0x8  }
.Ltmp5:
0x141: {  	v5 =	vadd.f32 v5, v9;
	v4 =	vadd.f32 v4, v6;
	(pc) =	sbr.rel @p0 .LBB2_8-.Ltmp5, $3  }
0x142: {  	_ = 	snop  }
0x143: {  	v4 =	vadd.f32 v4, v5;
	_ =	sdelay $0x1  }
0x144: {  	s17 =	sadd.s32 $0x400, s17;
	s10 =	sadd.s32 $0x400, s10;
	[tilespmem:v3+s0+$0x0 ss:$0x1] =	vst.idx.msk $0xffff, v4  }
0x145: {  	[tilespmem:$0x18810] =	vst v1;
	s0 =	simm.s32 $0x18810;
	s1 =	simm.s32 $0x16800;
	s16 =	simm.s32 $0x1  }
0x146: {  	[spmem:s3] =	stream.indirect.scatter.add.f32 [tilespmem:s1], [sflag:$0x6], $0x200, s0, s30, $0xb8;
	[tilespmem:$0x1D820] =	vst v63  }
.LBB2_14:
0x147: {  	_ =	swait.ge [sflag:s8], $0x2000;
	s17 =	sshll.u32 s16, $0xE  }
0x148: {  	s19 =	simm.s32 $0x0;
	s20 =	simm.s32 $0x14800;
	[sflag:s8] =	ssyncset.done $0x0  }
0x149: {  	s18 =	simm.s32 $0x14A00;
	s10 =	simm.s32 $0x0;
	[sflag:s8] =	ssyncadd.s32 $0xFFFFE000  }
.LBB2_15:
0x14a: {  	s0 =	sshll.u32 s10, $0xA  }
0x14b: {  	s31 =	sadd.s32 s17, s0  }
0x14c: {  	s0 =	sadd.s32 s31, s15  }
0x14d: {  	s0 =	sshrl.u32 s0, $0x3  }
0x14e: {  	s1 =	sadd.s32 s5, s0  }
0x14f: {  	[tilespmem:s23], [sflag:$0x3] =	stream.linear.gather [hbm4b:s1+s19], $0x200, $0x38;
	[tilespmem:$0x1D820] =	vst v63  }
0x150: {  	s0 =	sadd.s32 s6, s0  }
0x151: {  	[tilespmem:s24], [sflag:$0x4] =	stream.linear.gather [hbm4b:s0+s19], $0x200, $0x38;
	[tilespmem:$0x1D820] =	vst v63  }
0x152: {  	_ =	swait.ge [sflag:s25], $0x200  }
0x153: {  	[sflag:s25] =	ssyncset.done $0x0  }
0x154: {  	[sflag:s25] =	ssyncadd.s32 $0xFFFFFE00  }
0x155: {  	_ =	swait.ge [sflag:s26], $0x200  }
0x156: {  	[sflag:s26] =	ssyncset.done $0x0  }
0x157: {  	s0 =	simm.s32 $0x0;
	[sflag:s26] =	ssyncadd.s32 $0xFFFFFE00  }
0x158: {  	v8 =	vld [tilespmem:s0+$0x14000]  }
0x159: {  	v16 =	vld [tilespmem:s0+$0x14200];
	_ =	sdelay $0x3  }
0x15a: {  	v3 =	vadd.s32 $0xA000, v8  }
0x15b: {  	v4 =	vadd.s32 $0xA000, v16  }
0x15c: {  	v5 =	vadd.s32 $0x2800, v8  }
0x15d: {  	v6 =	vadd.s32 $0x2800, v16;
	v18 =	vld.idx.msk [tilespmem:v8+s4+$0x0], $0xffff  }
0x15e: {  	v10 =	vadd.s32 $0x11800, v8;
	v19 =	vld.idx.msk [tilespmem:v16+s4+$0x0], $0xffff  }
0x15f: {  	v13 =	vadd.s32 $0x5000, v8;
	v7 =	vld.idx.msk [tilespmem:v3+s4+$0x0], $0xffff  }
0x160: {  	v20 =	vadd.s32 $0x5000, v16;
	v9 =	vld.idx.msk [tilespmem:v4+s4+$0x0], $0xffff  }
0x161: {  	v17 =	vadd.s32 $0x11800, v16;
	v11 =	vld.idx.msk [tilespmem:v5+s4+$0x0], $0xffff  }
0x162: {  	v12 =	vadd.s32 $0xC800, v8;
	v14 =	vld.idx.msk [tilespmem:v6+s4+$0x0], $0xffff  }
0x163: {  	v4 =	vld.idx.msk [tilespmem:v10+s4+$0x0], $0xffff;
	v10 =	vadd.s32 $0xC800, v16  }
0x164: {  	v3 =	vmov s20;
	v6 =	vadd.s32 $0xF000, v8;
	v15 =	vld.idx.msk [tilespmem:v13+s4+$0x0], $0xffff;
	v18 =	vmul.f32 v19, v18  }
0x165: {  	s1 =	simm.s32 $0x40;
	v5 =	vadd.s32 $0x7800, v8;
	v8 =	vadd.s32 $0x7800, v16;
	v13 =	vadd.s32 $0xF000, v16;
	v16 =	vld.idx.msk [tilespmem:v20+s4+$0x0], $0xffff  }
.LBB2_16:
0x166: {  	p0 =	sne.s32 s1, $0x7C0;
	v18 =	vadd.f32 $0.0e+00, v18;
	v17 =	vld.idx.msk [tilespmem:v17+s4+$0x0], $0xffff;
	s2 =	smov.u32 s1;
	s1 =	sadd.s32 $0x40, s1  }
0x167: {  	v12 =	vld.idx.msk [tilespmem:v12+s4+$0x0], $0xffff  }
0x168: {  	v10 =	vld.idx.msk [tilespmem:v10+s4+$0x0], $0xffff  }
0x169: {  	v11 =	vmul.f32 v14, v11;
	v6 =	vld.idx.msk [tilespmem:v6+s4+$0x0], $0xffff  }
0x16a: {  	v13 =	vld.idx.msk [tilespmem:v13+s4+$0x0], $0xffff  }
0x16b: {  	v11 =	vadd.f32 v11, v18;
	v14 =	vmul.f32 v16, v15;
	v5 =	vld.idx.msk [tilespmem:v5+s4+$0x0], $0xffff  }
0x16c: {  	v7 =	vmul.f32 v9, v7;
	v8 =	vld.idx.msk [tilespmem:v8+s4+$0x0], $0xffff  }
0x16d: {  	s2 =	sshra.s32 s2, $0x2;
	v9 =	vadd.f32 v14, v11  }
0x16e: {  	v7 =	vadd.f32 $0.0e+00, v7;
	v10 =	vmul.f32 v10, v12;
	_ =	sdelay $0x1  }
0x16f: {  	v7 =	vadd.f32 v10, v7;
	v6 =	vmul.f32 v13, v6;
	_ =	sdelay $0x1  }
0x170: {  	v4 =	vmul.f32 v17, v4;
	v5 =	vmul.f32 v8, v5;
	v6 =	vadd.f32 v6, v7;
	_ =	sdelay $0x1  }
0x171: {  	v5 =	vadd.f32 v5, v9;
	v4 =	vadd.f32 v4, v6;
	_ =	sdelay $0x1  }
0x172: {  	v4 =	vadd.f32 v4, v5;
	_ =	sdelay $0x1  }
0x173: {  	[tilespmem:v3+s0+$0x0 ss:$0x1] =	vst.idx.msk $0xffff, v4;
	s0 =	smov.u32 s2  }
0x174: {  	v4 =	vld [tilespmem:s0+$0x14000]  }
0x175: {  	v9 =	vld [tilespmem:s0+$0x14200];
	_ =	sdelay $0x3  }
0x176: {  	v15 =	vadd.s32 $0x5000, v4;
	v7 =	vadd.s32 $0xA000, v4;
	v6 =	vadd.s32 $0xF000, v4  }
0x177: {  	v11 =	vadd.s32 $0x2800, v4;
	v5 =	vadd.s32 $0x7800, v4;
	v14 =	vadd.s32 $0xA000, v9  }
0x178: {  	v12 =	vadd.s32 $0xC800, v4;
	v16 =	vadd.s32 $0x2800, v9;
	v10 =	vadd.s32 $0xC800, v9  }
0x179: {  	v8 =	vadd.s32 $0x7800, v9;
	v13 =	vadd.s32 $0xF000, v9;
	v17 =	vadd.s32 $0x11800, v9;
	v18 =	vld.idx.msk [tilespmem:v4+s4+$0x0], $0xffff  }
0x17a: {  	v4 =	vadd.s32 $0x11800, v4;
	v19 =	vld.idx.msk [tilespmem:v9+s4+$0x0], $0xffff  }
0x17b: {  	v7 =	vld.idx.msk [tilespmem:v7+s4+$0x0], $0xffff  }
0x17c: {  	v20 =	vadd.s32 $0x5000, v9;
	v9 =	vld.idx.msk [tilespmem:v14+s4+$0x0], $0xffff  }
.Ltmp6:
0x17d: {  	v11 =	vld.idx.msk [tilespmem:v11+s4+$0x0], $0xffff;
	(pc) =	sbr.rel @p0 .LBB2_16-.Ltmp6, $4  }
0x17e: {  	v14 =	vld.idx.msk [tilespmem:v16+s4+$0x0], $0xffff  }
0x17f: {  	v4 =	vld.idx.msk [tilespmem:v4+s4+$0x0], $0xffff  }
0x180: {  	v18 =	vmul.f32 v19, v18;
	v15 =	vld.idx.msk [tilespmem:v15+s4+$0x0], $0xffff  }
0x181: {  	v16 =	vld.idx.msk [tilespmem:v20+s4+$0x0], $0xffff  }
0x182: {  	_ =	sdelay $0x3  }
0x183: {  	v12 =	vld.idx.msk [tilespmem:v12+s4+$0x0], $0xffff  }
0x184: {  	v10 =	vld.idx.msk [tilespmem:v10+s4+$0x0], $0xffff  }
0x185: {  	v6 =	vld.idx.msk [tilespmem:v6+s4+$0x0], $0xffff  }
0x186: {  	v13 =	vld.idx.msk [tilespmem:v13+s4+$0x0], $0xffff  }
0x187: {  	v5 =	vld.idx.msk [tilespmem:v5+s4+$0x0], $0xffff  }
0x188: {  	v7 =	vmul.f32 v9, v7;
	v8 =	vld.idx.msk [tilespmem:v8+s4+$0x0], $0xffff  }
0x189: {  	v17 =	vld.idx.msk [tilespmem:v17+s4+$0x0], $0xffff;
	v9 =	vadd.f32 $0.0e+00, v18;
	v11 =	vmul.f32 v14, v11  }
0x18a: {  	v7 =	vadd.f32 $0.0e+00, v7;
	v10 =	vmul.f32 v10, v12  }
0x18b: {  	v9 =	vadd.f32 v11, v9  }
0x18c: {  	v11 =	vmul.f32 v16, v15;
	v6 =	vmul.f32 v13, v6;
	v7 =	vadd.f32 v10, v7  }
0x18d: {  	v5 =	vmul.f32 v8, v5  }
0x18e: {  	v4 =	vmul.f32 v17, v4;
	v9 =	vadd.f32 v11, v9;
	v6 =	vadd.f32 v6, v7;
	_ =	sdelay $0x1  }
0x18f: {  	v5 =	vadd.f32 v5, v9;
	v4 =	vadd.f32 v4, v6;
	_ =	sdelay $0x1  }
0x190: {  	s1 =	sadd.s32 s31, s12;
	v4 =	vadd.f32 v4, v5  }
0x191: {  	s1 =	sshrl.u32 s1, $0x3  }
0x192: {  	s2 =	simm.s32 $0x0;
	s7 =	sadd.s32 s5, s1;
	[tilespmem:v3+s0+$0x0 ss:$0x1] =	vst.idx.msk $0xffff, v4  }
0x193: {  	[tilespmem:s21], [sflag:$0x1] =	stream.linear.gather [hbm4b:s7+s2], $0x200, $0x38;
	[tilespmem:$0x1D820] =	vst v63  }
0x194: {  	s31 =	sadd.s32 s6, s1  }
0x195: {  	[tilespmem:s22], [sflag:$0x2] =	stream.linear.gather [hbm4b:s31+s2], $0x200, $0x38;
	[tilespmem:$0x1D820] =	vst v63  }
0x196: {  	_ =	swait.ge [sflag:s28], $0x200  }
0x197: {  	[sflag:s28] =	ssyncset.done $0x0  }
0x198: {  	[sflag:s28] =	ssyncadd.s32 $0xFFFFFE00  }
0x199: {  	_ =	swait.ge [sflag:s29], $0x200  }
0x19a: {  	[sflag:s29] =	ssyncset.done $0x0  }
0x19b: {  	s0 =	simm.s32 $0x0;
	[sflag:s29] =	ssyncadd.s32 $0xFFFFFE00  }
0x19c: {  	v8 =	vld [tilespmem:s0+$0x14400]  }
0x19d: {  	v16 =	vld [tilespmem:s0+$0x14600];
	_ =	sdelay $0x3  }
0x19e: {  	v3 =	vadd.s32 $0xA000, v8  }
0x19f: {  	v4 =	vadd.s32 $0xA000, v16  }
0x1a0: {  	v5 =	vadd.s32 $0x2800, v8  }
0x1a1: {  	v6 =	vadd.s32 $0x2800, v16;
	v18 =	vld.idx.msk [tilespmem:v8+s4+$0x0], $0xffff  }
0x1a2: {  	v10 =	vadd.s32 $0x11800, v8;
	v19 =	vld.idx.msk [tilespmem:v16+s4+$0x0], $0xffff  }
0x1a3: {  	v13 =	vadd.s32 $0x5000, v8;
	v7 =	vld.idx.msk [tilespmem:v3+s4+$0x0], $0xffff  }
0x1a4: {  	v20 =	vadd.s32 $0x5000, v16;
	v9 =	vld.idx.msk [tilespmem:v4+s4+$0x0], $0xffff  }
0x1a5: {  	v17 =	vadd.s32 $0x11800, v16;
	v11 =	vld.idx.msk [tilespmem:v5+s4+$0x0], $0xffff  }
0x1a6: {  	v12 =	vadd.s32 $0xC800, v8;
	v14 =	vld.idx.msk [tilespmem:v6+s4+$0x0], $0xffff  }
0x1a7: {  	v4 =	vld.idx.msk [tilespmem:v10+s4+$0x0], $0xffff;
	v10 =	vadd.s32 $0xC800, v16  }
0x1a8: {  	v3 =	vmov s18;
	v6 =	vadd.s32 $0xF000, v8;
	v15 =	vld.idx.msk [tilespmem:v13+s4+$0x0], $0xffff;
	v18 =	vmul.f32 v19, v18  }
0x1a9: {  	s1 =	simm.s32 $0x40;
	v5 =	vadd.s32 $0x7800, v8;
	v8 =	vadd.s32 $0x7800, v16;
	v13 =	vadd.s32 $0xF000, v16;
	v16 =	vld.idx.msk [tilespmem:v20+s4+$0x0], $0xffff  }
.LBB2_18:
0x1aa: {  	p0 =	sne.s32 s1, $0x7C0;
	v18 =	vadd.f32 $0.0e+00, v18;
	v17 =	vld.idx.msk [tilespmem:v17+s4+$0x0], $0xffff;
	s2 =	smov.u32 s1;
	s1 =	sadd.s32 $0x40, s1  }
0x1ab: {  	v12 =	vld.idx.msk [tilespmem:v12+s4+$0x0], $0xffff  }
0x1ac: {  	v10 =	vld.idx.msk [tilespmem:v10+s4+$0x0], $0xffff  }
0x1ad: {  	v11 =	vmul.f32 v14, v11;
	v6 =	vld.idx.msk [tilespmem:v6+s4+$0x0], $0xffff  }
0x1ae: {  	v13 =	vld.idx.msk [tilespmem:v13+s4+$0x0], $0xffff  }
0x1af: {  	v11 =	vadd.f32 v11, v18;
	v14 =	vmul.f32 v16, v15;
	v5 =	vld.idx.msk [tilespmem:v5+s4+$0x0], $0xffff  }
0x1b0: {  	v7 =	vmul.f32 v9, v7;
	v8 =	vld.idx.msk [tilespmem:v8+s4+$0x0], $0xffff  }
0x1b1: {  	s2 =	sshra.s32 s2, $0x2;
	v9 =	vadd.f32 v14, v11  }
0x1b2: {  	v7 =	vadd.f32 $0.0e+00, v7;
	v10 =	vmul.f32 v10, v12;
	_ =	sdelay $0x1  }
0x1b3: {  	v7 =	vadd.f32 v10, v7;
	v6 =	vmul.f32 v13, v6;
	_ =	sdelay $0x1  }
0x1b4: {  	v4 =	vmul.f32 v17, v4;
	v5 =	vmul.f32 v8, v5;
	v6 =	vadd.f32 v6, v7;
	_ =	sdelay $0x1  }
0x1b5: {  	v5 =	vadd.f32 v5, v9;
	v4 =	vadd.f32 v4, v6;
	_ =	sdelay $0x1  }
0x1b6: {  	v4 =	vadd.f32 v4, v5;
	_ =	sdelay $0x1  }
0x1b7: {  	[tilespmem:v3+s0+$0x0 ss:$0x1] =	vst.idx.msk $0xffff, v4;
	s0 =	smov.u32 s2  }
0x1b8: {  	v4 =	vld [tilespmem:s0+$0x14400]  }
0x1b9: {  	v9 =	vld [tilespmem:s0+$0x14600];
	_ =	sdelay $0x3  }
0x1ba: {  	v15 =	vadd.s32 $0x5000, v4;
	v7 =	vadd.s32 $0xA000, v4;
	v6 =	vadd.s32 $0xF000, v4  }
0x1bb: {  	v11 =	vadd.s32 $0x2800, v4;
	v5 =	vadd.s32 $0x7800, v4;
	v14 =	vadd.s32 $0xA000, v9  }
0x1bc: {  	v12 =	vadd.s32 $0xC800, v4;
	v16 =	vadd.s32 $0x2800, v9;
	v10 =	vadd.s32 $0xC800, v9  }
0x1bd: {  	v8 =	vadd.s32 $0x7800, v9;
	v13 =	vadd.s32 $0xF000, v9;
	v17 =	vadd.s32 $0x11800, v9;
	v18 =	vld.idx.msk [tilespmem:v4+s4+$0x0], $0xffff  }
0x1be: {  	v4 =	vadd.s32 $0x11800, v4;
	v19 =	vld.idx.msk [tilespmem:v9+s4+$0x0], $0xffff  }
0x1bf: {  	v7 =	vld.idx.msk [tilespmem:v7+s4+$0x0], $0xffff  }
0x1c0: {  	v20 =	vadd.s32 $0x5000, v9;
	v9 =	vld.idx.msk [tilespmem:v14+s4+$0x0], $0xffff  }
.Ltmp7:
0x1c1: {  	v11 =	vld.idx.msk [tilespmem:v11+s4+$0x0], $0xffff;
	(pc) =	sbr.rel @p0 .LBB2_18-.Ltmp7, $4  }
0x1c2: {  	v14 =	vld.idx.msk [tilespmem:v16+s4+$0x0], $0xffff  }
0x1c3: {  	v4 =	vld.idx.msk [tilespmem:v4+s4+$0x0], $0xffff  }
0x1c4: {  	v18 =	vmul.f32 v19, v18;
	v15 =	vld.idx.msk [tilespmem:v15+s4+$0x0], $0xffff  }
0x1c5: {  	v16 =	vld.idx.msk [tilespmem:v20+s4+$0x0], $0xffff  }
0x1c6: {  	_ =	sdelay $0x3  }
0x1c7: {  	v12 =	vld.idx.msk [tilespmem:v12+s4+$0x0], $0xffff  }
0x1c8: {  	v10 =	vld.idx.msk [tilespmem:v10+s4+$0x0], $0xffff  }
0x1c9: {  	v6 =	vld.idx.msk [tilespmem:v6+s4+$0x0], $0xffff  }
0x1ca: {  	v13 =	vld.idx.msk [tilespmem:v13+s4+$0x0], $0xffff  }
0x1cb: {  	v5 =	vld.idx.msk [tilespmem:v5+s4+$0x0], $0xffff  }
0x1cc: {  	v7 =	vmul.f32 v9, v7;
	v8 =	vld.idx.msk [tilespmem:v8+s4+$0x0], $0xffff  }
0x1cd: {  	v17 =	vld.idx.msk [tilespmem:v17+s4+$0x0], $0xffff;
	v62 =	vadd.f32 $0.0e+00, v18;
	v11 =	vmul.f32 v14, v11  }
0x1ce: {  	v7 =	vadd.f32 $0.0e+00, v7;
	v10 =	vmul.f32 v10, v12  }
0x1cf: {  	v9 =	vadd.f32 v11, v62  }
0x1d0: {  	v63 =	vmul.f32 v16, v15;
	v6 =	vmul.f32 v13, v6;
	v7 =	vadd.f32 v10, v7  }
0x1d1: {  	v5 =	vmul.f32 v8, v5  }
0x1d2: {  	s10 =	sadd.s32 $0x1, s10;
	v4 =	vmul.f32 v17, v4;
	v9 =	vadd.f32 v63, v9;
	v6 =	vadd.f32 v6, v7  }
0x1d3: {  	p0 =	sne.s32 s10, $0x8  }
.Ltmp8:
0x1d4: {  	v5 =	vadd.f32 v5, v9;
	v4 =	vadd.f32 v4, v6;
	(pc) =	sbr.rel @p0 .LBB2_15-.Ltmp8, $3  }
0x1d5: {  	_ = 	snop  }
0x1d6: {  	v4 =	vadd.f32 v4, v5;
	_ =	sdelay $0x1  }
0x1d7: {  	s20 =	sadd.s32 $0x400, s20;
	s18 =	sadd.s32 $0x400, s18;
	[tilespmem:v3+s0+$0x0 ss:$0x1] =	vst.idx.msk $0xffff, v4  }
0x1d8: {  	s0 =	sshll.u32 s16, $0x5  }
0x1d9: {  	s0 =	sadd.s32 s11, s0  }
0x1da: {  	v3 =	vor.u32 s0, v0  }
0x1db: {  	s20 =	simm.s32 $0x18800;
	s1 =	simm.s32 $0x14800;
	[tilespmem:$0x18800] =	vst v3  }
0x1dc: {  	[spmem:s3] =	stream.indirect.scatter.add.f32 [tilespmem:s1], [sflag:$0x5], $0x200, s20, s30, $0xb8;
	[tilespmem:$0x1D820] =	vst v63  }
0x1dd: {  	s17 =	sshllo.u32 s16, $0x1;
	s18 =	simm.s32 $0x16800;
	_ =	swait.ge [sflag:s9], $0x2000  }
0x1de: {  	s10 =	simm.s32 $0x16A00;
	s31 =	simm.s32 $0x0;
	[sflag:s9] =	ssyncset.done $0x0  }
0x1df: {  	s19 =	sshll.u32 s17, $0xD;
	s20 =	simm.s32 $0x0;
	[sflag:s9] =	ssyncadd.s32 $0xFFFFE000  }
.LBB2_21:
0x1e0: {  	s0 =	sshll.u32 s31, $0xA  }
0x1e1: {  	s0 =	sadd.s32 s19, s0  }
0x1e2: {  	s1 =	sadd.s32 s0, s15  }
0x1e3: {  	s1 =	sshrl.u32 s1, $0x3  }
0x1e4: {  	s2 =	sadd.s32 s5, s1  }
0x1e5: {  	[tilespmem:s23], [sflag:$0x3] =	stream.linear.gather [hbm4b:s2+s20], $0x200, $0x38;
	[tilespmem:$0x1D820] =	vst v63  }
0x1e6: {  	s1 =	sadd.s32 s6, s1  }
0x1e7: {  	[tilespmem:s24], [sflag:$0x4] =	stream.linear.gather [hbm4b:s1+s20], $0x200, $0x38;
	[tilespmem:$0x1D820] =	vst v63  }
0x1e8: {  	_ =	swait.ge [sflag:s25], $0x200  }
0x1e9: {  	[sflag:s25] =	ssyncset.done $0x0  }
0x1ea: {  	[sflag:s25] =	ssyncadd.s32 $0xFFFFFE00  }
0x1eb: {  	_ =	swait.ge [sflag:s26], $0x200  }
0x1ec: {  	[sflag:s26] =	ssyncset.done $0x0  }
0x1ed: {  	s1 =	simm.s32 $0x0;
	[sflag:s26] =	ssyncadd.s32 $0xFFFFFE00  }
0x1ee: {  	v8 =	vld [tilespmem:s1+$0x14000]  }
0x1ef: {  	v16 =	vld [tilespmem:s1+$0x14200];
	_ =	sdelay $0x3  }
0x1f0: {  	v3 =	vadd.s32 $0xA000, v8  }
0x1f1: {  	v4 =	vadd.s32 $0xA000, v16  }
0x1f2: {  	v5 =	vadd.s32 $0x2800, v8  }
0x1f3: {  	v6 =	vadd.s32 $0x2800, v16;
	v18 =	vld.idx.msk [tilespmem:v8+s4+$0x0], $0xffff  }
0x1f4: {  	v10 =	vadd.s32 $0x11800, v8;
	v19 =	vld.idx.msk [tilespmem:v16+s4+$0x0], $0xffff  }
0x1f5: {  	v13 =	vadd.s32 $0x5000, v8;
	v7 =	vld.idx.msk [tilespmem:v3+s4+$0x0], $0xffff  }
0x1f6: {  	v20 =	vadd.s32 $0x5000, v16;
	v9 =	vld.idx.msk [tilespmem:v4+s4+$0x0], $0xffff  }
0x1f7: {  	v17 =	vadd.s32 $0x11800, v16;
	v11 =	vld.idx.msk [tilespmem:v5+s4+$0x0], $0xffff  }
0x1f8: {  	v12 =	vadd.s32 $0xC800, v8;
	v14 =	vld.idx.msk [tilespmem:v6+s4+$0x0], $0xffff  }
0x1f9: {  	v4 =	vld.idx.msk [tilespmem:v10+s4+$0x0], $0xffff;
	v10 =	vadd.s32 $0xC800, v16  }
0x1fa: {  	v3 =	vmov s18;
	v6 =	vadd.s32 $0xF000, v8;
	v15 =	vld.idx.msk [tilespmem:v13+s4+$0x0], $0xffff;
	v18 =	vmul.f32 v19, v18  }
0x1fb: {  	s2 =	simm.s32 $0x40;
	v5 =	vadd.s32 $0x7800, v8;
	v8 =	vadd.s32 $0x7800, v16;
	v13 =	vadd.s32 $0xF000, v16;
	v16 =	vld.idx.msk [tilespmem:v20+s4+$0x0], $0xffff  }
.LBB2_22:
0x1fc: {  	p0 =	sne.s32 s2, $0x7C0;
	v18 =	vadd.f32 $0.0e+00, v18;
	v17 =	vld.idx.msk [tilespmem:v17+s4+$0x0], $0xffff;
	s7 =	smov.u32 s2;
	s2 =	sadd.s32 $0x40, s2  }
0x1fd: {  	v12 =	vld.idx.msk [tilespmem:v12+s4+$0x0], $0xffff  }
0x1fe: {  	v10 =	vld.idx.msk [tilespmem:v10+s4+$0x0], $0xffff  }
0x1ff: {  	v11 =	vmul.f32 v14, v11;
	v6 =	vld.idx.msk [tilespmem:v6+s4+$0x0], $0xffff  }
0x200: {  	v13 =	vld.idx.msk [tilespmem:v13+s4+$0x0], $0xffff  }
0x201: {  	v11 =	vadd.f32 v11, v18;
	v14 =	vmul.f32 v16, v15;
	v5 =	vld.idx.msk [tilespmem:v5+s4+$0x0], $0xffff  }
0x202: {  	v7 =	vmul.f32 v9, v7;
	v8 =	vld.idx.msk [tilespmem:v8+s4+$0x0], $0xffff  }
0x203: {  	s7 =	sshra.s32 s7, $0x2;
	v9 =	vadd.f32 v14, v11  }
0x204: {  	v7 =	vadd.f32 $0.0e+00, v7;
	v10 =	vmul.f32 v10, v12;
	_ =	sdelay $0x1  }
0x205: {  	v7 =	vadd.f32 v10, v7;
	v6 =	vmul.f32 v13, v6;
	_ =	sdelay $0x1  }
0x206: {  	v4 =	vmul.f32 v17, v4;
	v5 =	vmul.f32 v8, v5;
	v6 =	vadd.f32 v6, v7;
	_ =	sdelay $0x1  }
0x207: {  	v5 =	vadd.f32 v5, v9;
	v4 =	vadd.f32 v4, v6;
	_ =	sdelay $0x1  }
0x208: {  	v4 =	vadd.f32 v4, v5;
	_ =	sdelay $0x1  }
0x209: {  	[tilespmem:v3+s1+$0x0 ss:$0x1] =	vst.idx.msk $0xffff, v4;
	s1 =	smov.u32 s7  }
0x20a: {  	v4 =	vld [tilespmem:s1+$0x14000]  }
0x20b: {  	v9 =	vld [tilespmem:s1+$0x14200];
	_ =	sdelay $0x3  }
0x20c: {  	v15 =	vadd.s32 $0x5000, v4;
	v7 =	vadd.s32 $0xA000, v4;
	v6 =	vadd.s32 $0xF000, v4  }
0x20d: {  	v11 =	vadd.s32 $0x2800, v4;
	v5 =	vadd.s32 $0x7800, v4;
	v14 =	vadd.s32 $0xA000, v9  }
0x20e: {  	v12 =	vadd.s32 $0xC800, v4;
	v16 =	vadd.s32 $0x2800, v9;
	v10 =	vadd.s32 $0xC800, v9  }
0x20f: {  	v8 =	vadd.s32 $0x7800, v9;
	v13 =	vadd.s32 $0xF000, v9;
	v17 =	vadd.s32 $0x11800, v9;
	v18 =	vld.idx.msk [tilespmem:v4+s4+$0x0], $0xffff  }
0x210: {  	v4 =	vadd.s32 $0x11800, v4;
	v19 =	vld.idx.msk [tilespmem:v9+s4+$0x0], $0xffff  }
0x211: {  	v7 =	vld.idx.msk [tilespmem:v7+s4+$0x0], $0xffff  }
0x212: {  	v20 =	vadd.s32 $0x5000, v9;
	v9 =	vld.idx.msk [tilespmem:v14+s4+$0x0], $0xffff  }
.Ltmp9:
0x213: {  	v11 =	vld.idx.msk [tilespmem:v11+s4+$0x0], $0xffff;
	(pc) =	sbr.rel @p0 .LBB2_22-.Ltmp9, $4  }
0x214: {  	v14 =	vld.idx.msk [tilespmem:v16+s4+$0x0], $0xffff  }
0x215: {  	v4 =	vld.idx.msk [tilespmem:v4+s4+$0x0], $0xffff  }
0x216: {  	v18 =	vmul.f32 v19, v18;
	v15 =	vld.idx.msk [tilespmem:v15+s4+$0x0], $0xffff  }
0x217: {  	v16 =	vld.idx.msk [tilespmem:v20+s4+$0x0], $0xffff  }
0x218: {  	_ =	sdelay $0x3  }
0x219: {  	v12 =	vld.idx.msk [tilespmem:v12+s4+$0x0], $0xffff  }
0x21a: {  	v10 =	vld.idx.msk [tilespmem:v10+s4+$0x0], $0xffff  }
0x21b: {  	v6 =	vld.idx.msk [tilespmem:v6+s4+$0x0], $0xffff  }
0x21c: {  	v13 =	vld.idx.msk [tilespmem:v13+s4+$0x0], $0xffff  }
0x21d: {  	v5 =	vld.idx.msk [tilespmem:v5+s4+$0x0], $0xffff  }
0x21e: {  	v7 =	vmul.f32 v9, v7;
	v8 =	vld.idx.msk [tilespmem:v8+s4+$0x0], $0xffff  }
0x21f: {  	v17 =	vld.idx.msk [tilespmem:v17+s4+$0x0], $0xffff;
	v9 =	vadd.f32 $0.0e+00, v18;
	v11 =	vmul.f32 v14, v11  }
0x220: {  	v7 =	vadd.f32 $0.0e+00, v7;
	v10 =	vmul.f32 v10, v12  }
0x221: {  	v9 =	vadd.f32 v11, v9  }
0x222: {  	v11 =	vmul.f32 v16, v15;
	v6 =	vmul.f32 v13, v6;
	v7 =	vadd.f32 v10, v7  }
0x223: {  	v5 =	vmul.f32 v8, v5  }
0x224: {  	v4 =	vmul.f32 v17, v4;
	v9 =	vadd.f32 v11, v9;
	v6 =	vadd.f32 v6, v7;
	_ =	sdelay $0x1  }
0x225: {  	v5 =	vadd.f32 v5, v9;
	v4 =	vadd.f32 v4, v6;
	_ =	sdelay $0x1  }
0x226: {  	s0 =	sadd.s32 s0, s12;
	v4 =	vadd.f32 v4, v5  }
0x227: {  	s0 =	sshrl.u32 s0, $0x3  }
0x228: {  	s2 =	simm.s32 $0x0;
	s7 =	sadd.s32 s5, s0;
	[tilespmem:v3+s1+$0x0 ss:$0x1] =	vst.idx.msk $0xffff, v4  }
0x229: {  	[tilespmem:s21], [sflag:$0x1] =	stream.linear.gather [hbm4b:s7+s2], $0x200, $0x38;
	[tilespmem:$0x1D820] =	vst v63  }
0x22a: {  	s0 =	sadd.s32 s6, s0  }
0x22b: {  	[tilespmem:s22], [sflag:$0x2] =	stream.linear.gather [hbm4b:s0+s2], $0x200, $0x38;
	[tilespmem:$0x1D820] =	vst v63  }
0x22c: {  	_ =	swait.ge [sflag:s28], $0x200  }
0x22d: {  	[sflag:s28] =	ssyncset.done $0x0  }
0x22e: {  	[sflag:s28] =	ssyncadd.s32 $0xFFFFFE00  }
0x22f: {  	_ =	swait.ge [sflag:s29], $0x200  }
0x230: {  	[sflag:s29] =	ssyncset.done $0x0  }
0x231: {  	s0 =	simm.s32 $0x0;
	[sflag:s29] =	ssyncadd.s32 $0xFFFFFE00  }
0x232: {  	v8 =	vld [tilespmem:s0+$0x14400]  }
0x233: {  	v16 =	vld [tilespmem:s0+$0x14600];
	_ =	sdelay $0x3  }
0x234: {  	v3 =	vadd.s32 $0xA000, v8  }
0x235: {  	v4 =	vadd.s32 $0xA000, v16  }
0x236: {  	v5 =	vadd.s32 $0x2800, v8  }
0x237: {  	v6 =	vadd.s32 $0x2800, v16;
	v18 =	vld.idx.msk [tilespmem:v8+s4+$0x0], $0xffff  }
0x238: {  	v10 =	vadd.s32 $0x11800, v8;
	v19 =	vld.idx.msk [tilespmem:v16+s4+$0x0], $0xffff  }
0x239: {  	v13 =	vadd.s32 $0x5000, v8;
	v7 =	vld.idx.msk [tilespmem:v3+s4+$0x0], $0xffff  }
0x23a: {  	v20 =	vadd.s32 $0x5000, v16;
	v9 =	vld.idx.msk [tilespmem:v4+s4+$0x0], $0xffff  }
0x23b: {  	v17 =	vadd.s32 $0x11800, v16;
	v11 =	vld.idx.msk [tilespmem:v5+s4+$0x0], $0xffff  }
0x23c: {  	v12 =	vadd.s32 $0xC800, v8;
	v14 =	vld.idx.msk [tilespmem:v6+s4+$0x0], $0xffff  }
0x23d: {  	v4 =	vld.idx.msk [tilespmem:v10+s4+$0x0], $0xffff;
	v10 =	vadd.s32 $0xC800, v16  }
0x23e: {  	v3 =	vmov s10;
	v6 =	vadd.s32 $0xF000, v8;
	v15 =	vld.idx.msk [tilespmem:v13+s4+$0x0], $0xffff;
	v18 =	vmul.f32 v19, v18  }
0x23f: {  	s1 =	simm.s32 $0x40;
	v5 =	vadd.s32 $0x7800, v8;
	v8 =	vadd.s32 $0x7800, v16;
	v13 =	vadd.s32 $0xF000, v16;
	v16 =	vld.idx.msk [tilespmem:v20+s4+$0x0], $0xffff  }
.LBB2_24:
0x240: {  	p0 =	sne.s32 s1, $0x7C0;
	v18 =	vadd.f32 $0.0e+00, v18;
	v17 =	vld.idx.msk [tilespmem:v17+s4+$0x0], $0xffff;
	s2 =	smov.u32 s1;
	s1 =	sadd.s32 $0x40, s1  }
0x241: {  	v12 =	vld.idx.msk [tilespmem:v12+s4+$0x0], $0xffff  }
0x242: {  	v10 =	vld.idx.msk [tilespmem:v10+s4+$0x0], $0xffff  }
0x243: {  	v11 =	vmul.f32 v14, v11;
	v6 =	vld.idx.msk [tilespmem:v6+s4+$0x0], $0xffff  }
0x244: {  	v13 =	vld.idx.msk [tilespmem:v13+s4+$0x0], $0xffff  }
0x245: {  	v11 =	vadd.f32 v11, v18;
	v14 =	vmul.f32 v16, v15;
	v5 =	vld.idx.msk [tilespmem:v5+s4+$0x0], $0xffff  }
0x246: {  	v7 =	vmul.f32 v9, v7;
	v8 =	vld.idx.msk [tilespmem:v8+s4+$0x0], $0xffff  }
0x247: {  	s2 =	sshra.s32 s2, $0x2;
	v9 =	vadd.f32 v14, v11  }
0x248: {  	v7 =	vadd.f32 $0.0e+00, v7;
	v10 =	vmul.f32 v10, v12;
	_ =	sdelay $0x1  }
0x249: {  	v7 =	vadd.f32 v10, v7;
	v6 =	vmul.f32 v13, v6;
	_ =	sdelay $0x1  }
0x24a: {  	v4 =	vmul.f32 v17, v4;
	v5 =	vmul.f32 v8, v5;
	v6 =	vadd.f32 v6, v7;
	_ =	sdelay $0x1  }
0x24b: {  	v5 =	vadd.f32 v5, v9;
	v4 =	vadd.f32 v4, v6;
	_ =	sdelay $0x1  }
0x24c: {  	v4 =	vadd.f32 v4, v5;
	_ =	sdelay $0x1  }
0x24d: {  	[tilespmem:v3+s0+$0x0 ss:$0x1] =	vst.idx.msk $0xffff, v4;
	s0 =	smov.u32 s2  }
0x24e: {  	v4 =	vld [tilespmem:s0+$0x14400]  }
0x24f: {  	v9 =	vld [tilespmem:s0+$0x14600];
	_ =	sdelay $0x3  }
0x250: {  	v15 =	vadd.s32 $0x5000, v4;
	v7 =	vadd.s32 $0xA000, v4;
	v6 =	vadd.s32 $0xF000, v4  }
0x251: {  	v11 =	vadd.s32 $0x2800, v4;
	v5 =	vadd.s32 $0x7800, v4;
	v14 =	vadd.s32 $0xA000, v9  }
0x252: {  	v12 =	vadd.s32 $0xC800, v4;
	v16 =	vadd.s32 $0x2800, v9;
	v10 =	vadd.s32 $0xC800, v9  }
0x253: {  	v8 =	vadd.s32 $0x7800, v9;
	v13 =	vadd.s32 $0xF000, v9;
	v17 =	vadd.s32 $0x11800, v9;
	v18 =	vld.idx.msk [tilespmem:v4+s4+$0x0], $0xffff  }
0x254: {  	v4 =	vadd.s32 $0x11800, v4;
	v19 =	vld.idx.msk [tilespmem:v9+s4+$0x0], $0xffff  }
0x255: {  	v7 =	vld.idx.msk [tilespmem:v7+s4+$0x0], $0xffff  }
0x256: {  	v20 =	vadd.s32 $0x5000, v9;
	v9 =	vld.idx.msk [tilespmem:v14+s4+$0x0], $0xffff  }
.Ltmp10:
0x257: {  	v11 =	vld.idx.msk [tilespmem:v11+s4+$0x0], $0xffff;
	(pc) =	sbr.rel @p0 .LBB2_24-.Ltmp10, $4  }
0x258: {  	v14 =	vld.idx.msk [tilespmem:v16+s4+$0x0], $0xffff  }
0x259: {  	v4 =	vld.idx.msk [tilespmem:v4+s4+$0x0], $0xffff  }
0x25a: {  	v18 =	vmul.f32 v19, v18;
	v15 =	vld.idx.msk [tilespmem:v15+s4+$0x0], $0xffff  }
0x25b: {  	v16 =	vld.idx.msk [tilespmem:v20+s4+$0x0], $0xffff  }
0x25c: {  	_ =	sdelay $0x3  }
0x25d: {  	v12 =	vld.idx.msk [tilespmem:v12+s4+$0x0], $0xffff  }
0x25e: {  	v10 =	vld.idx.msk [tilespmem:v10+s4+$0x0], $0xffff  }
0x25f: {  	v6 =	vld.idx.msk [tilespmem:v6+s4+$0x0], $0xffff  }
0x260: {  	v13 =	vld.idx.msk [tilespmem:v13+s4+$0x0], $0xffff  }
0x261: {  	v5 =	vld.idx.msk [tilespmem:v5+s4+$0x0], $0xffff  }
0x262: {  	v7 =	vmul.f32 v9, v7;
	v8 =	vld.idx.msk [tilespmem:v8+s4+$0x0], $0xffff  }
0x263: {  	v17 =	vld.idx.msk [tilespmem:v17+s4+$0x0], $0xffff;
	v62 =	vadd.f32 $0.0e+00, v18;
	v11 =	vmul.f32 v14, v11  }
0x264: {  	v7 =	vadd.f32 $0.0e+00, v7;
	v10 =	vmul.f32 v10, v12  }
0x265: {  	v9 =	vadd.f32 v11, v62  }
0x266: {  	v63 =	vmul.f32 v16, v15;
	v6 =	vmul.f32 v13, v6;
	v7 =	vadd.f32 v10, v7  }
0x267: {  	v5 =	vmul.f32 v8, v5  }
0x268: {  	s31 =	sadd.s32 $0x1, s31;
	v4 =	vmul.f32 v17, v4;
	v9 =	vadd.f32 v63, v9;
	v6 =	vadd.f32 v6, v7  }
0x269: {  	p0 =	sne.s32 s31, $0x8  }
.Ltmp11:
0x26a: {  	v5 =	vadd.f32 v5, v9;
	v4 =	vadd.f32 v4, v6;
	(pc) =	sbr.rel @p0 .LBB2_21-.Ltmp11, $3  }
0x26b: {  	_ = 	snop  }
0x26c: {  	v4 =	vadd.f32 v4, v5;
	_ =	sdelay $0x1  }
0x26d: {  	s18 =	sadd.s32 $0x400, s18;
	s10 =	sadd.s32 $0x400, s10;
	[tilespmem:v3+s0+$0x0 ss:$0x1] =	vst.idx.msk $0xffff, v4  }
0x26e: {  	s16 =	sadd.s32 $0x1, s16  }
0x26f: {  	p0 =	sne.s32 s16, $0xA  }
.Ltmp12:
0x270: {  	s0 =	sshll.u32 s17, $0x4;
	(pc) =	sbr.rel @p0 .LBB2_14-.Ltmp12, $4  }
0x271: {  	s0 =	sadd.s32 s11, s0  }
0x272: {  	v3 =	vor.u32 s0, v0  }
0x273: {  	s31 =	simm.s32 $0x18810;
	s1 =	simm.s32 $0x16800;
	[tilespmem:$0x18810] =	vst v3  }
0x274: {  	[spmem:s3] =	stream.indirect.scatter.add.f32 [tilespmem:s1], [sflag:$0x6], $0x200, s31, s30, $0xb8;
	[tilespmem:$0x1D820] =	vst v63  }
0x275: {  	_ =	swait.ge [sflag:s25], $0x200  }
0x276: {  	[sflag:s25] =	ssyncset.done $0x0  }
0x277: {  	[sflag:s25] =	ssyncadd.s32 $0xFFFFFE00  }
0x278: {  	_ =	swait.ge [sflag:s26], $0x200  }
0x279: {  	[sflag:s26] =	ssyncset.done $0x0  }
0x27a: {  	[sflag:s26] =	ssyncadd.s32 $0xFFFFFE00  }
0x27b: {  	_ =	swait.ge [sflag:s8], $0x2000  }
0x27c: {  	[sflag:s8] =	ssyncset.done $0x0  }
0x27d: {  	[sflag:s8] =	ssyncadd.s32 $0xFFFFE000  }
0x27e: {  	_ =	swait.ge [sflag:s9], $0x2000  }
0x27f: {  	[sflag:s9] =	ssyncset.done $0x0  }
0x280: {  	[sflag:s9] =	ssyncadd.s32 $0xFFFFE000  }
0x281: {  	[bflag:$0x0] =	sbarrier.arrive $0xFFFF  }
0x282: {  	s0 =	rddreg [dreg:$0x8]  }
0x283: {  	s10 =	rddreg [dreg:$0xa]  }
0x284: {  	s2 =	simm.s32 $0x7;
	s1 =	rddreg [dreg:$0xb]  }
0x285: {  	[hbm:s0], [sflag:s10] =	dma.local [spmem:s1], $0xA00  }
0x286: {  	_ =	swait.ge [sflag:s2], $0xA00  }
0x287: {  	s16 =	rddreg [dreg:$0xc]  }
0x288: {  	s31 =	rddreg [dreg:$0x9];
	s16 =	sadd.s32 $0x1, s16  }
0x289: {  	p0 =	sne.s32 s16, s31  }
.Ltmp13:
0x28a: {  	_ = 	snop;
	(pc) =	sbr.rel @p0 .LBB2_1-.Ltmp13, $3  }
0x28b: {  	_ =	sdelay $0x1  }
0x28c: {  	[sflag:s2] =	ssyncset.done $0x0  }
0x28d: {  	s7 =	rddreg [dreg:$0x4];
	[sflag:s2] =	ssyncadd.s32 $0xFFFFF600  }
0x28e: {  	_ =	sfence.sel $0x180000  }
0x28f: {  	[bflag:$0x0] =	sbarrier.arrive $0xFFFF  }
0x290: {  	_ =	strace $0x90000050  }
0x291: {  	s0 =	stileid.u32;
	[bflag:$0x2] =	sbarrier.arrive $0xFFFF  }
0x292: {  	p0 =	sne.s32 s0, $0x0;
	s0 =	rddreg [dreg:$0x3]  }
0x293: {  	s0 =	sadd.s32 @!p0 $0x100000, s0  }
0x294: {  	[sflag:s0] =	ssyncadd.tile.s32 @!p0 $0x1;
	_ =	shalt  }
.Lfunc_end2:
_tile_overlayer_lowered:
.L_overlay_start_2:
0x295: {  	(tag) =	ssettag $0x2  }
0x296: {  	s0 =	rddreg [dreg:$0x0];
	s2 =	stileid.u32  }
0x297: {  	s1 =	rddreg [dreg:$0x1];
	p0 =	sne.s32 s2, $0x0  }
0x298: {  	s3 =	rddreg [dreg:$0x2];
	[bflag:$0x3] =	sbarrier.arrive $0xFFFF;
	s2 =	simm.s32 @!p0 $0x1C07  }
0x299: {  	[timem:s3], [sflag:s2] =	dma.local @!p0 [hbm:s0], s1  }
0x29a: {  	s0 =	simm.s32 @!p0 $0x7  }
0x29b: {  	_ =	swait.ge @!p0 [sflag:s0], s1  }
0x29c: {  	s1 =	ssub.s32 @!p0 $0x0, s1;
	[sflag:s0] =	ssyncset.done @!p0 $0x0  }
0x29d: {  	[sflag:s0] =	ssyncadd.s32 @!p0 s1  }
0x29e: {  	[bflag:$0x3] =	sbarrier.arrive $0xFFFF  }
0x29f: {  	_ =	shalt  }

// kernel: kernel.9.cloned.1.call-start
scs
__scs_entry_jumppad:
0x0: {  	(pc) =	sbr.rel $0x88, $3  }
0x1: {  	(tag) =	ssettag $0x0;
	lr =	simm.s32 $0x1  }
0x2: {  	[smem:$0x3F9A] =	sst lr;
	_ =	strace $0xD0000000  }
0x3: {  	_ = 	snop  }
0x4: {  	_ = 	snop  }
0x5: {  	_ = 	snop  }
0x6: {  	_ = 	snop  }
0x7: {  	_ = 	snop  }
__scs_overlays_trampoline_lowered:
0x8: {  	[smem:$0x3FA9] =	sst s0  }
0x9: {  	[smem:$0x3FAA] =	sst s1  }
0xa: {  	[smem:$0x3FAB] =	sst s2  }
0xb: {  	[smem:$0x3FAC] =	sst s3  }
0xc: {  	[smem:$0x3FAD] =	sst s4  }
0xd: {  	[smem:$0x3FAE] =	sst s5  }
0xe: {  	[smem:$0x3FAF] =	sst s6  }
0xf: {  	[smem:$0x3FB0] =	sst s7  }
0x10: {  	[smem:$0x3FB1] =	sst s8  }
0x11: {  	[smem:$0x3FB2] =	sst s9;
	s0 =	simm.s32 @!p0 $0x0  }
0x12: {  	s1 =	sld [smem:$0x3F98];
	s0 =	simm.s32 @p0 $0x1  }
0x13: {  	[smem:$0x3FB3] =	sst s0;
	s0 =	simm.s32 @!p1 $0x0  }
0x14: {  	s2 =	sld [smem:$0x3F97];
	s0 =	simm.s32 @p1 $0x1  }
0x15: {  	[smem:$0x3FB4] =	sst s0;
	s0 =	simm.s32 @!p2 $0x0  }
0x16: {  	s3 =	sld [smem:$0x3FDB];
	s0 =	simm.s32 @p2 $0x1  }
0x17: {  	s4 =	simm.s32 $0x1BF5;
	[smem:$0x3FB6] =	sst s0  }
0x18: {  	s0 =	sld [smem:$0x3F99];
	_ =	swait.ge [sflag:s4], $0x0  }
0x19: {  	s7 =	sld [smem:$0x3F9A]  }
0x1a: {  	s8 =	sadd.s32 $0xFFFFE003, lr  }
0x1b: {  	s9 =	sadd.s32 $0xFFFFFEF7, lr;
	s5 =	simm.s32 $0xFFFFFFFF;
	p2 =	slt.u32 s8, $0xFFFFF086  }
0x1c: {  	p1 =	slt.u32 s9, $0xF7A;
	s5 =	simm.s32 @!p2 $0x0  }
0x1d: {  	s5 =	simm.s32 @p1 $0x1;
	p0 =	seq.s32 s7, s2  }
0x1e: {  	s7 =	smul.u32 @!p0 $0xF7A, s2;
	p2 =	seq.s32 @!p0 s5, $0x0  }
0x1f: {  	s9 =	smul.u32 $0xF7A, s1;
	s8 =	simm.s32 @!p0 $0x1BF5;
	p2 =	por !p2, p0  }
0x20: {  	[sflag:s8] =	ssyncset.s32 @!p0 $0xFFFFF086;
	s6 =	sadd.s32 @!p0 s3, s7;
	s7 =	simm.s32 @!p0 $0x108  }
0x21: {  	s3 =	sadd.s32 s3, s9;
	s6 =	sadd.s32 @!p0 $0x88, s6;
	s7 =	simm.s32 @p2 $0x1082  }
0x22: {  	[simem:s7], [sflag:s8] =	dma.local @!p0 [hbm:s6], $0xF7A  }
0x23: {  	s9 =	sor.u32 $0xD0000000, s2;
	s6 =	simm.s32 $0x108;
	_ =	swait.ge @!p0 [sflag:s8], $0x0  }
0x24: {  	s3 =	sadd.s32 $0x88, s3;
	s6 =	simm.s32 @!p1 $0x1082;
	[sflag:s4] =	ssyncset.s32 $0xFFFFF086  }
0x25: {  	[simem:s6], [sflag:s4] =	dma.local [hbm:s3], $0xF7A  }
0x26: {  	[smem:$0x3F9A] =	sst s1;
	(tag) =	ssettag s2;
	_ =	strace s9  }
0x27: {  	s1 =	sld [smem:$0x3FAA]  }
0x28: {  	s2 =	sld [smem:$0x3FAB]  }
0x29: {  	s4 =	sld [smem:$0x3FAD]  }
0x2a: {  	p0 =	seq.s32 s5, $0x0;
	s5 =	sld [smem:$0x3FAE]  }
0x2b: {  	s6 =	sld [smem:$0x3FAF]  }
0x2c: {  	s7 =	sld [smem:$0x3FB0]  }
0x2d: {  	s3 =	simm.s32 $0x108;
	s8 =	sld [smem:$0x3FB1]  }
0x2e: {  	s3 =	simm.s32 @!p0 $0x1082;
	s9 =	sld [smem:$0x3FB2]  }
0x2f: {  	lr =	sadd.s32 s0, s3;
	s0 =	sld [smem:$0x3FA9]  }
0x30: {  	s3 =	sld [smem:$0x3FAC]  }
0x31: {  	[smem:$0x3FB5] =	sst s10  }
0x32: {  	s10 =	sld [smem:$0x3FB3];
	_ =	sdelay $0x3  }
0x33: {  	p0 =	seq.s32 s10, $0x1;
	s10 =	sld [smem:$0x3FB5];
	_ =	sdelay $0x3  }
0x34: {  	[smem:$0x3FB5] =	sst s10  }
0x35: {  	s10 =	sld [smem:$0x3FB4];
	_ =	sdelay $0x3  }
0x36: {  	p1 =	seq.s32 s10, $0x1;
	s10 =	sld [smem:$0x3FB5];
	_ =	sdelay $0x3  }
0x37: {  	[smem:$0x3FB5] =	sst s10  }
0x38: {  	s10 =	sld [smem:$0x3FB6]  }
0x39: {  	_ = 	snop;
	(pc) =	sbr.ind lr, $3  }
0x3a: {  	_ = 	snop  }
0x3b: {  	_ = 	snop  }
0x3c: {  	p2 =	seq.s32 s10, $0x1;
	s10 =	sld [smem:$0x3FB5]  }
0x3d: {  	_ =	shalt  }
0x3e: {  	_ =	shalt  }
0x3f: {  	_ =	shalt  }
0x40: {  	_ =	shalt  }
0x41: {  	_ =	shalt  }
0x42: {  	_ =	shalt  }
0x43: {  	_ =	shalt  }
0x44: {  	_ =	shalt  }
0x45: {  	_ =	shalt  }
0x46: {  	_ =	shalt  }
0x47: {  	_ =	shalt  }
0x48: {  	_ =	shalt  }
0x49: {  	_ =	shalt  }
0x4a: {  	_ =	shalt  }
0x4b: {  	_ =	shalt  }
0x4c: {  	_ =	shalt  }
0x4d: {  	_ =	shalt  }
0x4e: {  	_ =	shalt  }
0x4f: {  	_ =	shalt  }
0x50: {  	_ =	shalt  }
0x51: {  	_ =	shalt  }
0x52: {  	_ =	shalt  }
0x53: {  	_ =	shalt  }
0x54: {  	_ =	shalt  }
0x55: {  	_ =	shalt  }
0x56: {  	_ =	shalt  }
0x57: {  	_ =	shalt  }
0x58: {  	_ =	shalt  }
0x59: {  	_ =	shalt  }
0x5a: {  	_ =	shalt  }
0x5b: {  	_ =	shalt  }
0x5c: {  	_ =	shalt  }
0x5d: {  	_ =	shalt  }
0x5e: {  	_ =	shalt  }
0x5f: {  	_ =	shalt  }
0x60: {  	_ =	shalt  }
0x61: {  	_ =	shalt  }
0x62: {  	_ =	shalt  }
0x63: {  	_ =	shalt  }
0x64: {  	_ =	shalt  }
0x65: {  	_ =	shalt  }
0x66: {  	_ =	shalt  }
0x67: {  	_ =	shalt  }
0x68: {  	_ =	shalt  }
0x69: {  	_ =	shalt  }
0x6a: {  	_ =	shalt  }
0x6b: {  	_ =	shalt  }
0x6c: {  	_ =	shalt  }
0x6d: {  	_ =	shalt  }
0x6e: {  	_ =	shalt  }
0x6f: {  	_ =	shalt  }
0x70: {  	_ =	shalt  }
0x71: {  	_ =	shalt  }
0x72: {  	_ =	shalt  }
0x73: {  	_ =	shalt  }
0x74: {  	_ =	shalt  }
0x75: {  	_ =	shalt  }
0x76: {  	_ =	shalt  }
0x77: {  	_ =	shalt  }
0x78: {  	_ =	shalt  }
0x79: {  	_ =	shalt  }
0x7a: {  	_ =	shalt  }
0x7b: {  	_ =	shalt  }
0x7c: {  	_ =	shalt  }
0x7d: {  	_ =	shalt  }
0x7e: {  	_ =	shalt  }
0x7f: {  	_ =	shalt  }
0x80: {  	_ =	shalt  }
0x81: {  	_ =	shalt  }
0x82: {  	_ =	shalt  }
0x83: {  	_ =	shalt  }
0x84: {  	_ =	shalt  }
0x85: {  	_ =	shalt  }
0x86: {  	_ =	shalt  }
0x87: {  	_ =	shalt  }
.Lfunc_end0:
.L_simem_size_0:
called_computation_lowered:
.L_overlay_start_0:
0x88: {  	s2 =	sld [smem:$0x3FD9]  }
0x89: {  	s3 =	sld [smem:$0x3FFE];
	_ =	sdelay $0x1  }
0x8a: {  	s1 =	srdreg.scid  }
0x8b: {  	s0 =	sand.u32 $0x1, s1  }
0x8c: {  	s16 =	sshll.u32 s0, $0xA;
	s2 =	sadd.s32 s3, s2  }
0x8d: {  	s2 =	sadd.s32 s2, s16  }
0x8e: {  	[smem:$0x3FC1] =	sst s2  }
0x8f: {  	_ = 	snop  }
0x90: {  	(tm) =	ssettm $0x1  }
0x91: {  	s17 =	sld [smem:$0x3FFB];
	_ =	sdelay $0x3  }
0x92: {  	_ =	strace s17  }
0x93: {  	s2 =	sld [smem:$0x3FFC];
	_ =	sdelay $0x3  }
0x94: {  	_ =	strace s2  }
0x95: {  	s2 =	sld [smem:$0x3FFD];
	_ =	sdelay $0x3  }
0x96: {  	_ =	strace s2  }
0x97: {  	_ =	strace $0x8FFFFFFF  }
0x98: {  	s18 =	sld [smem:$0x3FDB];
	_ =	sdelay $0x1  }
0x99: {  	s19 =	simm.s32 $_scs_section_size  }
0x9a: {  	s4 =	simm.s32 $_size__tile_overlayer_lowered;
	s5 =	simm.s32 $_tile_overlayer_lowered  }
0x9b: {  	s22 =	simm.s32 $0x1BFF;
	s21 =	sshll.u32 s5, $0x1;
	s2 =	sadd.s32 s19, s18  }
0x9c: {  	s6 =	simm.s32 $0x0;
	s20 =	sshll.u32 s4, $0x1;
	s4 =	sadd.s32 s21, s2  }
0x9d: {  	[timem:s6], [sflag:s22] =	dma.local [hbm:s4], s20  }
0x9e: {  	_ =	swait.ge [sflag:s22], s20  }
0x9f: {  	s3 =	ssub.s32 $0x0, s20;
	[sflag:s22] =	ssyncset.done $0x0  }
0xa0: {  	[sflag:s22] =	ssyncadd.s32 s3;
	_ =	sdelay $0x1  }
0xa1: {  	s23 =	simm.s32 $0x1B8B  }
0xa2: {  	_ =	swait.ge [sflag:s23], $0x1  }
0xa3: {  	[sflag:s23] =	ssyncset.done $0x0  }
0xa4: {  	s25 =	simm.s32 $0x1B8E;
	s24 =	sld [smem:$0x3FFE];
	[sflag:s23] =	ssyncadd.s32 $0xFFFFFFFF  }
0xa5: {  	s26 =	simm.s32 $execute0_lowered;
	[smem:$0x3FD2] =	sst s25  }
0xa6: {  	s4 =	sshll.u32 s26, $0x1;
	_ =	strace $0x80000046;
	[dreg:$0x1] =	wrdreg $0xFFFFFFFF  }
0xa7: {  	s28 =	simm.s32 $_size_execute0_lowered;
	s2 =	sadd.s32 s2, s4;
	[dreg:$0x0] =	wrdreg $0x0  }
0xa8: {  	s4 =	sshll.u32 s28, $0x1;
	[dreg:$0x2] =	wrdreg s2  }
0xa9: {  	[dreg:$0x3] =	wrdreg s4  }
0xaa: {  	[dreg:$0x4] =	wrdreg $0xC0  }
0xab: {  	_ =	task [dreg:s6], $0x5FFFF  }
0xac: {  	[dreg:$0x1] =	wrdreg $0xFFFFFFFF  }
0xad: {  	[dreg:$0x0] =	wrdreg $0x60  }
0xae: {  	[dreg:$0x2] =	wrdreg s24  }
0xaf: {  	[dreg:$0x3] =	wrdreg $0x9  }
0xb0: {  	_ =	task.clear_ibuf [dreg:s6], $0x4FFFF;
	_ =	strace $0x90000046  }
0xb1: {  	s29 =	simm.s32 $0x9;
	_ =	strace $0x80000048  }
0xb2: {  	_ =	swait.ge [sflag:s29], $0x1  }
0xb3: {  	[sflag:s29] =	ssyncadd.s32 $0xFFFFFFFF  }
0xb4: {  	_ =	strace $0x90000048  }
0xb5: {  	_ =	sfence  }
0xb6: {  	s30 =	sld [smem:$0x0];
	_ =	sdelay $0x2  }
0xb7: {  	s31 =	sshll.u32 s1, $0xD;
	s1 =	sshrl.u32 s1, $0x2  }
0xb8: {  	s3 =	sand.u32 $0x4000, s31;
	s1 =	sadd.s32 s1, s30  }
0xb9: {  	s0 =	sor.u32 s3, s0;
	s1 =	sshll.u32 s1, $0x11  }
0xba: {  	s0 =	sor.u32 s1, s0  }
0xbb: {  	s0 =	sadd.s32 $0x8F2B, s0  }
0xbc: {  	[sflag:s0] =	ssyncadd.remote.s32 $0x1  }
0xbd: {  	_ =	sfence.sel $0xFFFF  }
0xbe: {  	[dreg:$0x0] =	wrdreg $0xFFFFFFFF;
	(pc) =	sbr.abs _section_cstart, $3  }
0xbf: {  	[dreg:$0x1] =	wrdreg $0xFFFFFFFF  }
0xc0: {  	_ =	task.clear_ibuf [dreg:s6], $0x2FFFF;
	_ =	strace $0x9FFFFFFF  }
0xc1: {  	(tm) =	ssettm $0x7FFFFFFF  }
tec
execute0_lowered:
.L_overlay_start_1:
0x0: {  	(tag) =	ssettag $0x1  }
0x1: {  	s1 =	srdreg.scid  }
0x2: {  	s0 =	stileid.u32;
	s4 =	rddreg [dreg:$0x0];
	s2 =	simm.s32 $0x0  }
0x3: {  	s8 =	simm.s32 $0x2800;
	s3 =	sand.u32 $0x1, s1;
	s5 =	sshll.u32 s0, $0x1  }
0x4: {  	s9 =	simm.s32 $0x0;
	s1 =	rddreg [dreg:$0x1];
	s5 =	sor.u32 s3, s5  }
0x5: {  	[smem:$0x7FF] =	sst s2;
	s6 =	ssub.s32 $0x2, s3;
	s5 =	smul.u32 $0x500, s5  }
0x6: {  	_ =	strace $0x80000047;
	s3 =	sadd.s32 $0xB600, s4;
	s7 =	sshrl.u32 s6, $0x1  }
0x7: {  	s6 =	ssub.s32 s6, s7;
	s7 =	simm.s32 $0x1;
	s5 =	sadd.s32 s5, s4  }
0x8: {  	v0 =	vimm.f32 $1.000000000e+00;
	s6 =	smax.u32 s6, $0x1;
	s4 =	sadd.s32 $0x1600, s5;
	s5 =	sadd.s32 $0xBC00, s5  }
.LBB2_1:
0x9: {  	[tilespmem:s2], [sflag:$0x1] =	stream.linear.gather [hbm4b:s4+s2], $0x2800, $0x38;
	[tilespmem:$0x5000] =	vst v63  }
0xa: {  	_ =	swait.ge [sflag:s7], $0x2800  }
0xb: {  	[sflag:s7] =	ssyncset.done $0x0  }
0xc: {  	[sflag:s7] =	ssyncadd.s32 $0xFFFFD800  }
0xd: {  	[tilespmem:s8], [sflag:$0x1] =	stream.linear.gather [hbm4b:s3+s2], $0x2800, $0x38;
	[tilespmem:$0x5000] =	vst v63  }
0xe: {  	_ =	swait.ge [sflag:s7], $0x2800  }
0xf: {  	[sflag:s7] =	ssyncset.done $0x0  }
0x10: {  	s11 =	simm.s32 $0x0;
	s10 =	simm.s32 $0x40;
	[sflag:s7] =	ssyncadd.s32 $0xFFFFD800  }
.LBB2_2:
0x11: {  	p0 =	sne.s32 s10, $0x9FC0;
	v1 =	vld [tilespmem:s11+$0x0];
	_ =	sdelay $0x3  }
.Ltmp0:
0x12: {  	(pc) =	sbr.rel @p0 .LBB2_2-.Ltmp0, $2  }
0x13: {  	_ =	sdelay $0x2  }
0x14: {  	s11 =	sshra.s32 s10, $0x2;
	s10 =	sadd.s32 $0x40, s10;
	[tilespmem:v1+s8+$0x0] =	vst.idx.add.f32.msk $0xffff, v0  }
0x15: {  	v1 =	vld [tilespmem:s11+$0x0];
	_ =	sdelay $0x5  }
0x16: {  	s9 =	sadd.s32 $0x1, s9  }
0x17: {  	p0 =	sne.s32 s9, s6  }
.Ltmp1:
0x18: {  	[tilespmem:v1+s8+$0x0] =	vst.idx.add.f32.msk $0xffff, v0;
	(pc) =	sbr.rel @p0 .LBB2_1-.Ltmp1, $4  }
0x19: {  	[hbm4b:s5+s2] =	stream.linear.scatter [tilespmem:s8], [sflag:$0x1], $0x2800, $0x38;
	[tilespmem:$0x5000] =	vst v63  }
0x1a: {  	_ =	swait.ge [sflag:s7], $0x2800  }
0x1b: {  	[sflag:s7] =	ssyncset.done $0x0  }
0x1c: {  	[sflag:s7] =	ssyncadd.s32 $0xFFFFD800  }
0x1d: {  	_ =	sfence.sel $0x180000  }
0x1e: {  	[bflag:$0x0] =	sbarrier.arrive $0xFFFF  }
0x1f: {  	p0 =	sne.s32 s0, $0x0;
	_ =	strace $0x90000047  }
0x20: {  	s0 =	sadd.s32 @!p0 $0x100000, s1;
	[bflag:$0x2] =	sbarrier.arrive $0xFFFF  }
0x21: {  	[sflag:s0] =	ssyncadd.tile.s32 @!p0 $0x1;
	_ =	shalt  }
.Lfunc_end2:
_tile_overlayer_lowered:
.L_overlay_start_2:
0x22: {  	(tag) =	ssettag $0x2  }
0x23: {  	s0 =	rddreg [dreg:$0x0];
	s2 =	stileid.u32  }
0x24: {  	s1 =	rddreg [dreg:$0x1];
	p0 =	sne.s32 s2, $0x0  }
0x25: {  	s3 =	rddreg [dreg:$0x2];
	[bflag:$0x3] =	sbarrier.arrive $0xFFFF;
	s2 =	simm.s32 @!p0 $0x1C01  }
0x26: {  	[timem:s3], [sflag:s2] =	dma.local @!p0 [hbm:s0], s1  }
0x27: {  	s0 =	simm.s32 @!p0 $0x1  }
0x28: {  	_ =	swait.ge @!p0 [sflag:s0], s1  }
0x29: {  	s1 =	ssub.s32 @!p0 $0x0, s1;
	[sflag:s0] =	ssyncset.done @!p0 $0x0  }
0x2a: {  	[sflag:s0] =	ssyncadd.s32 @!p0 s1  }
0x2b: {  	[bflag:$0x3] =	sbarrier.arrive $0xFFFF  }
0x2c: {  	_ =	shalt  }

</sc_bundles>
